<compile_context>
chip_gen: v7x
topology: tpu7x:2x2x1
jax: 0.10.2.dev20260603
libtpu: 0.0.44.dev20260713+nightly
codegen_flags: <defaults>
</compile_context>

<pallas_src>
import jax
import jax.numpy as jnp
from jax import lax
from jax.experimental import pallas as pl
from jax.experimental.pallas import tpu as pltpu
from jax.experimental.pallas import tpu_sc as plsc

BATCH = 32
SEQ = 1024
EMB = 768
LANES = 16

NUM_CORES = 2
NUM_SUBCORES = 16
NUM_WORKERS = NUM_CORES * NUM_SUBCORES
S_PER_W = SEQ // NUM_WORKERS
VECS_PER_ROW = EMB // LANES
NBUF = 4


def _body(xt_hbm, oidx_hbm, tok_hbm, pos_hbm, out_hbm,
          idx2d, oidx2d, pos_v, rows, gsems, osems):
  wid = lax.axis_index("s") * NUM_CORES + lax.axis_index("c")
  s_base = wid * S_PER_W

  pltpu.sync_copy(xt_hbm.at[pl.ds(s_base, S_PER_W)], idx2d)

  def add_pos(s_local, rows_v):
    @plsc.parallel_loop(0, VECS_PER_ROW, 1)
    def _(j):
      sl = pl.ds(j * LANES, LANES)
      pvec = pos_v[s_local, sl]
      for r in range(BATCH):
        rows_v[r, sl] = rows_v[r, sl] + pvec

  def gather(s_local, k):
    return pltpu.make_async_copy(
        tok_hbm.at[idx2d.at[s_local]], rows[k], gsems[k])

  def out_copy(s_local, k):
    return pltpu.make_async_copy(
        rows[k], out_hbm.at[oidx2d.at[s_local]], osems[k])

  gather(0, 0).start()
  gather(1, 1).start()
  pltpu.sync_copy(oidx_hbm.at[pl.ds(s_base, S_PER_W)], oidx2d)
  pltpu.sync_copy(pos_hbm.at[pl.ds(s_base, S_PER_W)], pos_v)

  def group(g, _):
    for k in range(NBUF):
      s = g * NBUF + k
      kp = (k + 2) % NBUF
      @pl.when(s >= 2)
      def _():
        out_copy(s - 2, kp).wait()
      @pl.when(s + 2 < S_PER_W)
      def _():
        gather(s + 2, kp).start()
      gather(s, k).wait()
      add_pos(s, rows[k])
      out_copy(s, k).start()
    return ()

  lax.fori_loop(0, S_PER_W // NBUF, group, (), unroll=False)

  out_copy(S_PER_W - 2, NBUF - 2).wait()
  out_copy(S_PER_W - 1, NBUF - 1).wait()


@jax.jit
def kernel(x, tok_emb, pos_emb):
  mesh = plsc.VectorSubcoreMesh(
      core_axis_name="c", subcore_axis_name="s",
      num_cores=NUM_CORES, num_subcores=NUM_SUBCORES)
  f = pl.kernel(
      _body,
      out_type=jax.ShapeDtypeStruct((BATCH * SEQ, EMB), jnp.float32),
      mesh=mesh,
      scratch_types=[
          pltpu.VMEM((S_PER_W, BATCH), jnp.int32),
          pltpu.VMEM((S_PER_W, BATCH), jnp.int32),
          pltpu.VMEM((S_PER_W, EMB), jnp.float32),
          [pltpu.VMEM((BATCH, EMB), jnp.float32) for _ in range(NBUF)],
          [pltpu.SemaphoreType.DMA for _ in range(NBUF)],
          [pltpu.SemaphoreType.DMA for _ in range(NBUF)],
      ],
  )
  xt = jnp.swapaxes(x.astype(jnp.int32), 0, 1)
  oidx = (jnp.arange(BATCH, dtype=jnp.int32)[None, :] * SEQ
          + jnp.arange(SEQ, dtype=jnp.int32)[:, None])
  out2d = f(xt, oidx, tok_emb, pos_emb)
  return out2d.reshape(BATCH, SEQ, EMB)

# --- scband reference (transcript-rebuilt; emitter-appended) ---
"""Pipeline reference for scband-gpt2-model-29772713296155 (READ-ONLY COPY).

The authoritative reference and input builder live on the scoring server;
editing this copy changes nothing except your own understanding.
"""

import jax, jax.numpy as jnp
import numpy as np

VOCAB = 50257
CTX = 1024
EMB = 768
BATCH = 32
SEQ = 1024

def setup_inputs(seed: int = 0) -> dict:
    key = jax.random.key(seed)
    k1, k2, k3 = jax.random.split(key, 3)
    x = jax.random.randint(k1, (BATCH, SEQ), 0, VOCAB, dtype=jnp.int64) if jax.config.jax_enable_x64 else jax.random.randint(k1, (BATCH, SEQ), 0, VOCAB, dtype=jnp.int32)
    tok_emb = jax.random.normal(k2, (VOCAB, EMB), dtype=jnp.float32) * 0.02
    pos_emb = jax.random.normal(k3, (CTX, EMB), dtype=jnp.float32) * 0.02
    return {"x": x, "tok_emb": tok_emb, "pos_emb": pos_emb}

def reference(x, tok_emb, pos_emb):
    # GPT2Model.forward with eval-mode dropout (identity) and identity TransformerBlocks
    batch_size, seq_length = x.shape
    tok_embeds = jnp.take(tok_emb, x, axis=0)                      # [B, S, E] gather
    pos_embeds = jnp.take(pos_emb, jnp.arange(seq_length), axis=0)  # [S, E]
    out = tok_embeds + pos_embeds[None, :, :]
    # drop_emb: eval mode -> identity; trf_blocks: identity stack
    return out

if __name__ == "__main__":
    import jax
    _d = setup_inputs()
    print(jax.jit(kernel)(*tuple(_d.values())))

</pallas_src>

<mosaic_0001>
#map = affine_map<(d0, d1) -> (0, 0)>
module attributes {stable_mosaic.version = 14 : i64} {
  func.func @_body(%arg0: i32, %arg1: i32, %arg2: memref<1024x32xi32, #tpu.memory_space<hbm>>, %arg3: memref<1024x32xi32, #tpu.memory_space<hbm>>, %arg4: memref<50257x768xf32, #tpu.memory_space<hbm>>, %arg5: memref<1024x768xf32, #tpu.memory_space<hbm>>, %arg6: memref<32768x768xf32, #tpu.memory_space<hbm>>, %arg7: memref<32x32xi32, #tpu.memory_space<vmem>>, %arg8: memref<32x32xi32, #tpu.memory_space<vmem>>, %arg9: memref<32x768xf32, #tpu.memory_space<vmem>>, %arg10: memref<32x768xf32, #tpu.memory_space<vmem>>, %arg11: memref<32x768xf32, #tpu.memory_space<vmem>>, %arg12: memref<32x768xf32, #tpu.memory_space<vmem>>, %arg13: memref<32x768xf32, #tpu.memory_space<vmem>>, %arg14: memref<!tpu.dma_semaphore, #tpu.memory_space<semaphore_mem>>, %arg15: memref<!tpu.dma_semaphore, #tpu.memory_space<semaphore_mem>>, %arg16: memref<!tpu.dma_semaphore, #tpu.memory_space<semaphore_mem>>, %arg17: memref<!tpu.dma_semaphore, #tpu.memory_space<semaphore_mem>>, %arg18: memref<!tpu.dma_semaphore, #tpu.memory_space<semaphore_mem>>, %arg19: memref<!tpu.dma_semaphore, #tpu.memory_space<semaphore_mem>>, %arg20: memref<!tpu.dma_semaphore, #tpu.memory_space<semaphore_mem>>, %arg21: memref<!tpu.dma_semaphore, #tpu.memory_space<semaphore_mem>>) attributes {dimension_semantics = [#tpu.dimension_semantics<core_parallel>, #tpu.dimension_semantics<subcore_parallel>], iteration_bounds = array<i64: 2, 16>, scalar_prefetch = 0 : i64, scratch_operands = 15 : i64, tpu.core_type = #tpu.core_type<sc_vector_subcore>, window_params = [{transform_indices = #map}, {transform_indices = #map}, {transform_indices = #map}, {transform_indices = #map}, {transform_indices = #map}]} {
    %mul3A = arith.constant 2 : i32
    %mul3A_0 = arith.muli %arg1, %mul3A : i32
    %add3A = arith.addi %mul3A_0, %arg0 : i32
    %mul3A_1 = arith.constant 32 : i32
    %mul3A_2 = arith.muli %add3A, %mul3A_1 : i32
    "tpu.region"() ({
      %run_scoped3A = tpu.sem_alloc : memref<!tpu.dma_semaphore, #tpu.memory_space<semaphore_mem>>
      %dma_start3A_33 = arith.constant 0 : i32
      %dma_start3A_34 = tpu.memref_slice %arg2[%mul3A_2, %dma_start3A_33] : memref<1024x32xi32, #tpu.memory_space<hbm>> -> memref<32x32xi32, #tpu.memory_space<hbm>>
      %dma_start3A_35 = arith.constant 0 : i32
      %dma_start3A_36 = tpu.memref_slice %arg2[%mul3A_2, %dma_start3A_35] : memref<1024x32xi32, #tpu.memory_space<hbm>> -> memref<32x32xi32, #tpu.memory_space<hbm>>
      tpu.enqueue_dma source(%dma_start3A_36 : memref<32x32xi32, #tpu.memory_space<hbm>>) target(%arg7 : memref<32x32xi32, #tpu.memory_space<vmem>>) target_semaphore(%run_scoped3A : memref<!tpu.dma_semaphore, #tpu.memory_space<semaphore_mem>>)
      %dma_wait3A_37 = arith.constant 0 : i32
      %dma_wait3A_38 = tpu.memref_slice %arg2[%mul3A_2, %dma_wait3A_37] : memref<1024x32xi32, #tpu.memory_space<hbm>> -> memref<32x32xi32, #tpu.memory_space<hbm>>
      %dma_wait3A_39 = arith.constant 0 : i32
      %dma_wait3A_40 = tpu.memref_slice %arg2[%mul3A_2, %dma_wait3A_39] : memref<1024x32xi32, #tpu.memory_space<hbm>> -> memref<32x32xi32, #tpu.memory_space<hbm>>
      tpu.wait_dma2 semaphore(%run_scoped3A : memref<!tpu.dma_semaphore, #tpu.memory_space<semaphore_mem>>) src(%dma_wait3A_40 : memref<32x32xi32, #tpu.memory_space<hbm>>) dst(%arg7 : memref<32x32xi32, #tpu.memory_space<vmem>>)
      tpu.yield
    }) : () -> ()
    %dma_start3A = arith.constant 0 : i32
    %dma_start3A_3 = arith.constant 0 : i32
    %dma_start3A_4 = tpu.memref_slice %arg7[%dma_start3A, %dma_start3A_3] : memref<32x32xi32, #tpu.memory_space<vmem>> -> memref<1x32xi32, #tpu.memory_space<vmem>>
    %dma_start3A_5 = tpu.memref_squeeze %dma_start3A_4 : memref<1x32xi32, #tpu.memory_space<vmem>> -> memref<32xi32, #tpu.memory_space<vmem>>
    %dma_start3A_6 = arith.constant 0 : i32
    %dma_start3A_7 = arith.constant 0 : i32
    %dma_start3A_8 = tpu.memref_slice %arg4[%dma_start3A_6, %dma_start3A_7] : memref<50257x768xf32, #tpu.memory_space<hbm>> -> memref<50257x768xf32, #tpu.memory_space<hbm>>
    tpu.enqueue_indirect_dma source(%dma_start3A_8 : memref<50257x768xf32, #tpu.memory_space<hbm>>) target(%arg10 : memref<32x768xf32, #tpu.memory_space<vmem>>) offsets(%dma_start3A_5 : memref<32xi32, #tpu.memory_space<vmem>>) semaphore(%arg14 : memref<!tpu.dma_semaphore, #tpu.memory_space<semaphore_mem>>)
    %dma_start3A_9 = arith.constant 1 : i32
    %dma_start3A_10 = arith.constant 0 : i32
    %dma_start3A_11 = tpu.memref_slice %arg7[%dma_start3A_9, %dma_start3A_10] : memref<32x32xi32, #tpu.memory_space<vmem>> -> memref<1x32xi32, #tpu.memory_space<vmem>>
    %dma_start3A_12 = tpu.memref_squeeze %dma_start3A_11 : memref<1x32xi32, #tpu.memory_space<vmem>> -> memref<32xi32, #tpu.memory_space<vmem>>
    %dma_start3A_13 = arith.constant 0 : i32
    %dma_start3A_14 = arith.constant 0 : i32
    %dma_start3A_15 = tpu.memref_slice %arg4[%dma_start3A_13, %dma_start3A_14] : memref<50257x768xf32, #tpu.memory_space<hbm>> -> memref<50257x768xf32, #tpu.memory_space<hbm>>
    tpu.enqueue_indirect_dma source(%dma_start3A_15 : memref<50257x768xf32, #tpu.memory_space<hbm>>) target(%arg11 : memref<32x768xf32, #tpu.memory_space<vmem>>) offsets(%dma_start3A_12 : memref<32xi32, #tpu.memory_space<vmem>>) semaphore(%arg15 : memref<!tpu.dma_semaphore, #tpu.memory_space<semaphore_mem>>)
    "tpu.region"() ({
      %run_scoped3A = tpu.sem_alloc : memref<!tpu.dma_semaphore, #tpu.memory_space<semaphore_mem>>
      %dma_start3A_33 = arith.constant 0 : i32
      %dma_start3A_34 = tpu.memref_slice %arg3[%mul3A_2, %dma_start3A_33] : memref<1024x32xi32, #tpu.memory_space<hbm>> -> memref<32x32xi32, #tpu.memory_space<hbm>>
      %dma_start3A_35 = arith.constant 0 : i32
      %dma_start3A_36 = tpu.memref_slice %arg3[%mul3A_2, %dma_start3A_35] : memref<1024x32xi32, #tpu.memory_space<hbm>> -> memref<32x32xi32, #tpu.memory_space<hbm>>
      tpu.enqueue_dma source(%dma_start3A_36 : memref<32x32xi32, #tpu.memory_space<hbm>>) target(%arg8 : memref<32x32xi32, #tpu.memory_space<vmem>>) target_semaphore(%run_scoped3A : memref<!tpu.dma_semaphore, #tpu.memory_space<semaphore_mem>>)
      %dma_wait3A_37 = arith.constant 0 : i32
      %dma_wait3A_38 = tpu.memref_slice %arg3[%mul3A_2, %dma_wait3A_37] : memref<1024x32xi32, #tpu.memory_space<hbm>> -> memref<32x32xi32, #tpu.memory_space<hbm>>
      %dma_wait3A_39 = arith.constant 0 : i32
      %dma_wait3A_40 = tpu.memref_slice %arg3[%mul3A_2, %dma_wait3A_39] : memref<1024x32xi32, #tpu.memory_space<hbm>> -> memref<32x32xi32, #tpu.memory_space<hbm>>
      tpu.wait_dma2 semaphore(%run_scoped3A : memref<!tpu.dma_semaphore, #tpu.memory_space<semaphore_mem>>) src(%dma_wait3A_40 : memref<32x32xi32, #tpu.memory_space<hbm>>) dst(%arg8 : memref<32x32xi32, #tpu.memory_space<vmem>>)
      tpu.yield
    }) : () -> ()
    "tpu.region"() ({
      %run_scoped3A = tpu.sem_alloc : memref<!tpu.dma_semaphore, #tpu.memory_space<semaphore_mem>>
      %dma_start3A_33 = arith.constant 0 : i32
      %dma_start3A_34 = tpu.memref_slice %arg5[%mul3A_2, %dma_start3A_33] : memref<1024x768xf32, #tpu.memory_space<hbm>> -> memref<32x768xf32, #tpu.memory_space<hbm>>
      %dma_start3A_35 = arith.constant 0 : i32
      %dma_start3A_36 = tpu.memref_slice %arg5[%mul3A_2, %dma_start3A_35] : memref<1024x768xf32, #tpu.memory_space<hbm>> -> memref<32x768xf32, #tpu.memory_space<hbm>>
      tpu.enqueue_dma source(%dma_start3A_36 : memref<32x768xf32, #tpu.memory_space<hbm>>) target(%arg9 : memref<32x768xf32, #tpu.memory_space<vmem>>) target_semaphore(%run_scoped3A : memref<!tpu.dma_semaphore, #tpu.memory_space<semaphore_mem>>)
      %dma_wait3A_37 = arith.constant 0 : i32
      %dma_wait3A_38 = tpu.memref_slice %arg5[%mul3A_2, %dma_wait3A_37] : memref<1024x768xf32, #tpu.memory_space<hbm>> -> memref<32x768xf32, #tpu.memory_space<hbm>>
      %dma_wait3A_39 = arith.constant 0 : i32
      %dma_wait3A_40 = tpu.memref_slice %arg5[%mul3A_2, %dma_wait3A_39] : memref<1024x768xf32, #tpu.memory_space<hbm>> -> memref<32x768xf32, #tpu.memory_space<hbm>>
      tpu.wait_dma2 semaphore(%run_scoped3A : memref<!tpu.dma_semaphore, #tpu.memory_space<semaphore_mem>>) src(%dma_wait3A_40 : memref<32x768xf32, #tpu.memory_space<hbm>>) dst(%arg9 : memref<32x768xf32, #tpu.memory_space<vmem>>)
      tpu.yield
    }) : () -> ()
    %scan3A = arith.constant 0 : i32
    %scan3A_16 = arith.constant 8 : i32
    %scan3A_17 = arith.addi %scan3A, %scan3A_16 : i32
    %scan3A_18 = arith.constant 1 : i32
    scf.for %scan3A_33 = %scan3A to %scan3A_17 step %scan3A_18  : i32 {
      %mul3A_34 = arith.constant 4 : i32
      %mul3A_35 = arith.muli %scan3A_33, %mul3A_34 : i32
      %add3A_36 = arith.constant 0 : i32
      %add3A_37 = arith.addi %mul3A_35, %add3A_36 : i32
      %ge3A = arith.constant 2 : i32
      %ge3A_38 = arith.cmpi sge, %add3A_37, %ge3A : i32
      %convert_element_type3A = arith.extui %ge3A_38 : i1 to i32
      %cond3A = arith.constant 0 : i32
      %cond3A_39 = arith.cmpi ne, %convert_element_type3A, %cond3A : i32
      scf.if %cond3A_39 {
        %sub3A = arith.constant 2 : i32
        %sub3A_153 = arith.subi %add3A_37, %sub3A : i32
        %dma_wait3A_154 = arith.constant 0 : i32
        %dma_wait3A_155 = tpu.memref_slice %arg8[%sub3A_153, %dma_wait3A_154] : memref<32x32xi32, #tpu.memory_space<vmem>> -> memref<1x32xi32, #tpu.memory_space<vmem>>
        %dma_wait3A_156 = tpu.memref_squeeze %dma_wait3A_155 : memref<1x32xi32, #tpu.memory_space<vmem>> -> memref<32xi32, #tpu.memory_space<vmem>>
        %dma_wait3A_157 = arith.constant 0 : i32
        %dma_wait3A_158 = arith.constant 0 : i32
        %dma_wait3A_159 = tpu.memref_slice %arg6[%dma_wait3A_157, %dma_wait3A_158] : memref<32768x768xf32, #tpu.memory_space<hbm>> -> memref<32768x768xf32, #tpu.memory_space<hbm>>
        tpu.wait_indirect_dma semaphore(%arg20 : memref<!tpu.dma_semaphore, #tpu.memory_space<semaphore_mem>>) src(%arg12 : memref<32x768xf32, #tpu.memory_space<vmem>>) dst(%dma_wait3A_159 : memref<32768x768xf32, #tpu.memory_space<hbm>>)
      } else {
      }
      %add3A_40 = arith.constant 2 : i32
      %add3A_41 = arith.addi %add3A_37, %add3A_40 : i32
      %lt3A = arith.constant 32 : i32
      %lt3A_42 = arith.cmpi slt, %add3A_41, %lt3A : i32
      %convert_element_type3A_43 = arith.extui %lt3A_42 : i1 to i32
      %cond3A_44 = arith.constant 0 : i32
      %cond3A_45 = arith.cmpi ne, %convert_element_type3A_43, %cond3A_44 : i32
      scf.if %cond3A_45 {
        %add3A_153 = arith.constant 2 : i32
        %add3A_154 = arith.addi %add3A_37, %add3A_153 : i32
        %dma_start3A_155 = arith.constant 0 : i32
        %dma_start3A_156 = tpu.memref_slice %arg7[%add3A_154, %dma_start3A_155] : memref<32x32xi32, #tpu.memory_space<vmem>> -> memref<1x32xi32, #tpu.memory_space<vmem>>
        %dma_start3A_157 = tpu.memref_squeeze %dma_start3A_156 : memref<1x32xi32, #tpu.memory_space<vmem>> -> memref<32xi32, #tpu.memory_space<vmem>>
        %dma_start3A_158 = arith.constant 0 : i32
        %dma_start3A_159 = arith.constant 0 : i32
        %dma_start3A_160 = tpu.memref_slice %arg4[%dma_start3A_158, %dma_start3A_159] : memref<50257x768xf32, #tpu.memory_space<hbm>> -> memref<50257x768xf32, #tpu.memory_space<hbm>>
        tpu.enqueue_indirect_dma source(%dma_start3A_160 : memref<50257x768xf32, #tpu.memory_space<hbm>>) target(%arg12 : memref<32x768xf32, #tpu.memory_space<vmem>>) offsets(%dma_start3A_157 : memref<32xi32, #tpu.memory_space<vmem>>) semaphore(%arg16 : memref<!tpu.dma_semaphore, #tpu.memory_space<semaphore_mem>>)
      } else {
      }
      %dma_wait3A_46 = arith.constant 0 : i32
      %dma_wait3A_47 = tpu.memref_slice %arg7[%add3A_37, %dma_wait3A_46] : memref<32x32xi32, #tpu.memory_space<vmem>> -> memref<1x32xi32, #tpu.memory_space<vmem>>
      %dma_wait3A_48 = tpu.memref_squeeze %dma_wait3A_47 : memref<1x32xi32, #tpu.memory_space<vmem>> -> memref<32xi32, #tpu.memory_space<vmem>>
      %dma_wait3A_49 = arith.constant 0 : i32
      %dma_wait3A_50 = arith.constant 0 : i32
      %dma_wait3A_51 = tpu.memref_slice %arg4[%dma_wait3A_49, %dma_wait3A_50] : memref<50257x768xf32, #tpu.memory_space<hbm>> -> memref<50257x768xf32, #tpu.memory_space<hbm>>
      tpu.wait_indirect_dma semaphore(%arg14 : memref<!tpu.dma_semaphore, #tpu.memory_space<semaphore_mem>>) src(%dma_wait3A_51 : memref<50257x768xf32, #tpu.memory_space<hbm>>) dst(%arg10 : memref<32x768xf32, #tpu.memory_space<vmem>>)
      %parallel_loop3A = arith.constant 0 : i32
      %parallel_loop3A_52 = arith.constant 48 : i32
      %parallel_loop3A_53 = arith.constant 1 : i32
      scf.for %parallel_loop3A_153 = %parallel_loop3A to %parallel_loop3A_52 step %parallel_loop3A_53  : i32 {
        %parallel_loop3A_154 = arith.constant 16 : i32
        %parallel_loop3A_155 = arith.muli %parallel_loop3A_153, %parallel_loop3A_154 : i32
        %parallel_loop3A_156 = arith.index_cast %add3A_37 : i32 to index
        %parallel_loop3A_157 = arith.index_cast %parallel_loop3A_155 : i32 to index
        %parallel_loop3A_158 = tpu.vector_load %arg9[%parallel_loop3A_156, %parallel_loop3A_157] {strides = array<i32>} : memref<32x768xf32, #tpu.memory_space<vmem>>, vector<1x16xf32>,
        %parallel_loop3A_159 = vector.shape_cast %parallel_loop3A_158 : vector<1x16xf32> to vector<16xf32>
        %parallel_loop3A_160 = arith.constant 0 : i32
        %parallel_loop3A_161 = arith.index_cast %parallel_loop3A_160 : i32 to index
        %parallel_loop3A_162 = arith.index_cast %parallel_loop3A_155 : i32 to index
        %parallel_loop3A_163 = tpu.vector_load %arg10[%parallel_loop3A_161, %parallel_loop3A_162] {strides = array<i32>} : memref<32x768xf32, #tpu.memory_space<vmem>>, vector<1x16xf32>,
        %parallel_loop3A_164 = vector.shape_cast %parallel_loop3A_163 : vector<1x16xf32> to vector<16xf32>
        %parallel_loop3A_165 = arith.addf %parallel_loop3A_164, %parallel_loop3A_159 : vector<16xf32>
        %parallel_loop3A_166 = arith.constant 0 : i32
        %parallel_loop3A_167 = arith.index_cast %parallel_loop3A_166 : i32 to index
        %parallel_loop3A_168 = arith.index_cast %parallel_loop3A_155 : i32 to index
        %parallel_loop3A_169 = tpu.vector_load %arg10[%parallel_loop3A_167, %parallel_loop3A_168] {strides = array<i32>} : memref<32x768xf32, #tpu.memory_space<vmem>>, vector<1x16xf32>,
        %parallel_loop3A_170 = vector.shape_cast %parallel_loop3A_169 : vector<1x16xf32> to vector<16xf32>
        %parallel_loop3A_171 = vector.shape_cast %parallel_loop3A_165 : vector<16xf32> to vector<1x16xf32>
        tpu.vector_store %arg10[%parallel_loop3A_167, %parallel_loop3A_168], %parallel_loop3A_171 {strides = array<i32>} : memref<32x768xf32, #tpu.memory_space<vmem>>, vector<1x16xf32>,
        %parallel_loop3A_172 = arith.constant 1 : i32
        %parallel_loop3A_173 = arith.index_cast %parallel_loop3A_172 : i32 to index
        %parallel_loop3A_174 = arith.index_cast %parallel_loop3A_155 : i32 to index
        %parallel_loop3A_175 = tpu.vector_load %arg10[%parallel_loop3A_173, %parallel_loop3A_174] {strides = array<i32>} : memref<32x768xf32, #tpu.memory_space<vmem>>, vector<1x16xf32>,
        %parallel_loop3A_176 = vector.shape_cast %parallel_loop3A_175 : vector<1x16xf32> to vector<16xf32>
        %parallel_loop3A_177 = arith.addf %parallel_loop3A_176, %parallel_loop3A_159 : vector<16xf32>
        %parallel_loop3A_178 = arith.constant 1 : i32
        %parallel_loop3A_179 = arith.index_cast %parallel_loop3A_178 : i32 to index
        %parallel_loop3A_180 = arith.index_cast %parallel_loop3A_155 : i32 to index
        %parallel_loop3A_181 = tpu.vector_load %arg10[%parallel_loop3A_179, %parallel_loop3A_180] {strides = array<i32>} : memref<32x768xf32, #tpu.memory_space<vmem>>, vector<1x16xf32>,
        %parallel_loop3A_182 = vector.shape_cast %parallel_loop3A_181 : vector<1x16xf32> to vector<16xf32>
        %parallel_loop3A_183 = vector.shape_cast %parallel_loop3A_177 : vector<16xf32> to vector<1x16xf32>
        tpu.vector_store %arg10[%parallel_loop3A_179, %parallel_loop3A_180], %parallel_loop3A_183 {strides = array<i32>} : memref<32x768xf32, #tpu.memory_space<vmem>>, vector<1x16xf32>,
        %parallel_loop3A_184 = arith.constant 2 : i32
        %parallel_loop3A_185 = arith.index_cast %parallel_loop3A_184 : i32 to index
        %parallel_loop3A_186 = arith.index_cast %parallel_loop3A_155 : i32 to index
        %parallel_loop3A_187 = tpu.vector_load %arg10[%parallel_loop3A_185, %parallel_loop3A_186] {strides = array<i32>} : memref<32x768xf32, #tpu.memory_space<vmem>>, vector<1x16xf32>,
        %parallel_loop3A_188 = vector.shape_cast %parallel_loop3A_187 : vector<1x16xf32> to vector<16xf32>
        %parallel_loop3A_189 = arith.addf %parallel_loop3A_188, %parallel_loop3A_159 : vector<16xf32>
        %parallel_loop3A_190 = arith.constant 2 : i32
        %parallel_loop3A_191 = arith.index_cast %parallel_loop3A_190 : i32 to index
        %parallel_loop3A_192 = arith.index_cast %parallel_loop3A_155 : i32 to index
        %parallel_loop3A_193 = tpu.vector_load %arg10[%parallel_loop3A_191, %parallel_loop3A_192] {strides = array<i32>} : memref<32x768xf32, #tpu.memory_space<vmem>>, vector<1x16xf32>,
        %parallel_loop3A_194 = vector.shape_cast %parallel_loop3A_193 : vector<1x16xf32> to vector<16xf32>
        %parallel_loop3A_195 = vector.shape_cast %parallel_loop3A_189 : vector<16xf32> to vector<1x16xf32>
        tpu.vector_store %arg10[%parallel_loop3A_191, %parallel_loop3A_192], %parallel_loop3A_195 {strides = array<i32>} : memref<32x768xf32, #tpu.memory_space<vmem>>, vector<1x16xf32>,
        %parallel_loop3A_196 = arith.constant 3 : i32
        %parallel_loop3A_197 = arith.index_cast %parallel_loop3A_196 : i32 to index
        %parallel_loop3A_198 = arith.index_cast %parallel_loop3A_155 : i32 to index
        %parallel_loop3A_199 = tpu.vector_load %arg10[%parallel_loop3A_197, %parallel_loop3A_198] {strides = array<i32>} : memref<32x768xf32, #tpu.memory_space<vmem>>, vector<1x16xf32>,
        %parallel_loop3A_200 = vector.shape_cast %parallel_loop3A_199 : vector<1x16xf32> to vector<16xf32>
        %parallel_loop3A_201 = arith.addf %parallel_loop3A_200, %parallel_loop3A_159 : vector<16xf32>
        %parallel_loop3A_202 = arith.constant 3 : i32
        %parallel_loop3A_203 = arith.index_cast %parallel_loop3A_202 : i32 to index
        %parallel_loop3A_204 = arith.index_cast %parallel_loop3A_155 : i32 to index
        %parallel_loop3A_205 = tpu.vector_load %arg10[%parallel_loop3A_203, %parallel_loop3A_204] {strides = array<i32>} : memref<32x768xf32, #tpu.memory_space<vmem>>, vector<1x16xf32>,
        %parallel_loop3A_206 = vector.shape_cast %parallel_loop3A_205 : vector<1x16xf32> to vector<16xf32>
        %parallel_loop3A_207 = vector.shape_cast %parallel_loop3A_201 : vector<16xf32> to vector<1x16xf32>
        tpu.vector_store %arg10[%parallel_loop3A_203, %parallel_loop3A_204], %parallel_loop3A_207 {strides = array<i32>} : memref<32x768xf32, #tpu.memory_space<vmem>>, vector<1x16xf32>,
        %parallel_loop3A_208 = arith.constant 4 : i32
        %parallel_loop3A_209 = arith.index_cast %parallel_loop3A_208 : i32 to index
        %parallel_loop3A_210 = arith.index_cast %parallel_loop3A_155 : i32 to index
        %parallel_loop3A_211 = tpu.vector_load %arg10[%parallel_loop3A_209, %parallel_loop3A_210] {strides = array<i32>} : memref<32x768xf32, #tpu.memory_space<vmem>>, vector<1x16xf32>,
        %parallel_loop3A_212 = vector.shape_cast %parallel_loop3A_211 : vector<1x16xf32> to vector<16xf32>
        %parallel_loop3A_213 = arith.addf %parallel_loop3A_212, %parallel_loop3A_159 : vector<16xf32>
        %parallel_loop3A_214 = arith.constant 4 : i32
        %parallel_loop3A_215 = arith.index_cast %parallel_loop3A_214 : i32 to index
        %parallel_loop3A_216 = arith.index_cast %parallel_loop3A_155 : i32 to index
        %parallel_loop3A_217 = tpu.vector_load %arg10[%parallel_loop3A_215, %parallel_loop3A_216] {strides = array<i32>} : memref<32x768xf32, #tpu.memory_space<vmem>>, vector<1x16xf32>,
        %parallel_loop3A_218 = vector.shape_cast %parallel_loop3A_217 : vector<1x16xf32> to vector<16xf32>
        %parallel_loop3A_219 = vector.shape_cast %parallel_loop3A_213 : vector<16xf32> to vector<1x16xf32>
        tpu.vector_store %arg10[%parallel_loop3A_215, %parallel_loop3A_216], %parallel_loop3A_219 {strides = array<i32>} : memref<32x768xf32, #tpu.memory_space<vmem>>, vector<1x16xf32>,
        %parallel_loop3A_220 = arith.constant 5 : i32
        %parallel_loop3A_221 = arith.index_cast %parallel_loop3A_220 : i32 to index
        %parallel_loop3A_222 = arith.index_cast %parallel_loop3A_155 : i32 to index
        %parallel_loop3A_223 = tpu.vector_load %arg10[%parallel_loop3A_221, %parallel_loop3A_222] {strides = array<i32>} : memref<32x768xf32, #tpu.memory_space<vmem>>, vector<1x16xf32>,
        %parallel_loop3A_224 = vector.shape_cast %parallel_loop3A_223 : vector<1x16xf32> to vector<16xf32>
        %parallel_loop3A_225 = arith.addf %parallel_loop3A_224, %parallel_loop3A_159 : vector<16xf32>
        %parallel_loop3A_226 = arith.constant 5 : i32
        %parallel_loop3A_227 = arith.index_cast %parallel_loop3A_226 : i32 to index
        %parallel_loop3A_228 = arith.index_cast %parallel_loop3A_155 : i32 to index
        %parallel_loop3A_229 = tpu.vector_load %arg10[%parallel_loop3A_227, %parallel_loop3A_228] {strides = array<i32>} : memref<32x768xf32, #tpu.memory_space<vmem>>, vector<1x16xf32>,
        %parallel_loop3A_230 = vector.shape_cast %parallel_loop3A_229 : vector<1x16xf32> to vector<16xf32>
        %parallel_loop3A_231 = vector.shape_cast %parallel_loop3A_225 : vector<16xf32> to vector<1x16xf32>
        tpu.vector_store %arg10[%parallel_loop3A_227, %parallel_loop3A_228], %parallel_loop3A_231 {strides = array<i32>} : memref<32x768xf32, #tpu.memory_space<vmem>>, vector<1x16xf32>,
        %parallel_loop3A_232 = arith.constant 6 : i32
        %parallel_loop3A_233 = arith.index_cast %parallel_loop3A_232 : i32 to index
        %parallel_loop3A_234 = arith.index_cast %parallel_loop3A_155 : i32 to index
        %parallel_loop3A_235 = tpu.vector_load %arg10[%parallel_loop3A_233, %parallel_loop3A_234] {strides = array<i32>} : memref<32x768xf32, #tpu.memory_space<vmem>>, vector<1x16xf32>,
        %parallel_loop3A_236 = vector.shape_cast %parallel_loop3A_235 : vector<1x16xf32> to vector<16xf32>
        %parallel_loop3A_237 = arith.addf %parallel_loop3A_236, %parallel_loop3A_159 : vector<16xf32>
        %parallel_loop3A_238 = arith.constant 6 : i32
        %parallel_loop3A_239 = arith.index_cast %parallel_loop3A_238 : i32 to index
        %parallel_loop3A_240 = arith.index_cast %parallel_loop3A_155 : i32 to index
        %parallel_loop3A_241 = tpu.vector_load %arg10[%parallel_loop3A_239, %parallel_loop3A_240] {strides = array<i32>} : memref<32x768xf32, #tpu.memory_space<vmem>>, vector<1x16xf32>,
        %parallel_loop3A_242 = vector.shape_cast %parallel_loop3A_241 : vector<1x16xf32> to vector<16xf32>
        %parallel_loop3A_243 = vector.shape_cast %parallel_loop3A_237 : vector<16xf32> to vector<1x16xf32>
        tpu.vector_store %arg10[%parallel_loop3A_239, %parallel_loop3A_240], %parallel_loop3A_243 {strides = array<i32>} : memref<32x768xf32, #tpu.memory_space<vmem>>, vector<1x16xf32>,
        %parallel_loop3A_244 = arith.constant 7 : i32
        %parallel_loop3A_245 = arith.index_cast %parallel_loop3A_244 : i32 to index
        %parallel_loop3A_246 = arith.index_cast %parallel_loop3A_155 : i32 to index
        %parallel_loop3A_247 = tpu.vector_load %arg10[%parallel_loop3A_245, %parallel_loop3A_246] {strides = array<i32>} : memref<32x768xf32, #tpu.memory_space<vmem>>, vector<1x16xf32>,
        %parallel_loop3A_248 = vector.shape_cast %parallel_loop3A_247 : vector<1x16xf32> to vector<16xf32>
        %parallel_loop3A_249 = arith.addf %parallel_loop3A_248, %parallel_loop3A_159 : vector<16xf32>
        %parallel_loop3A_250 = arith.constant 7 : i32
        %parallel_loop3A_251 = arith.index_cast %parallel_loop3A_250 : i32 to index
        %parallel_loop3A_252 = arith.index_cast %parallel_loop3A_155 : i32 to index
        %parallel_loop3A_253 = tpu.vector_load %arg10[%parallel_loop3A_251, %parallel_loop3A_252] {strides = array<i32>} : memref<32x768xf32, #tpu.memory_space<vmem>>, vector<1x16xf32>,
        %parallel_loop3A_254 = vector.shape_cast %parallel_loop3A_253 : vector<1x16xf32> to vector<16xf32>
        %parallel_loop3A_255 = vector.shape_cast %parallel_loop3A_249 : vector<16xf32> to vector<1x16xf32>
        tpu.vector_store %arg10[%parallel_loop3A_251, %parallel_loop3A_252], %parallel_loop3A_255 {strides = array<i32>} : memref<32x768xf32, #tpu.memory_space<vmem>>, vector<1x16xf32>,
        %parallel_loop3A_256 = arith.constant 8 : i32
        %parallel_loop3A_257 = arith.index_cast %parallel_loop3A_256 : i32 to index
        %parallel_loop3A_258 = arith.index_cast %parallel_loop3A_155 : i32 to index
        %parallel_loop3A_259 = tpu.vector_load %arg10[%parallel_loop3A_257, %parallel_loop3A_258] {strides = array<i32>} : memref<32x768xf32, #tpu.memory_space<vmem>>, vector<1x16xf32>,
        %parallel_loop3A_260 = vector.shape_cast %parallel_loop3A_259 : vector<1x16xf32> to vector<16xf32>
        %parallel_loop3A_261 = arith.addf %parallel_loop3A_260, %parallel_loop3A_159 : vector<16xf32>
        %parallel_loop3A_262 = arith.constant 8 : i32
        %parallel_loop3A_263 = arith.index_cast %parallel_loop3A_262 : i32 to index
        %parallel_loop3A_264 = arith.index_cast %parallel_loop3A_155 : i32 to index
        %parallel_loop3A_265 = tpu.vector_load %arg10[%parallel_loop3A_263, %parallel_loop3A_264] {strides = array<i32>} : memref<32x768xf32, #tpu.memory_space<vmem>>, vector<1x16xf32>,
        %parallel_loop3A_266 = vector.shape_cast %parallel_loop3A_265 : vector<1x16xf32> to vector<16xf32>
        %parallel_loop3A_267 = vector.shape_cast %parallel_loop3A_261 : vector<16xf32> to vector<1x16xf32>
        tpu.vector_store %arg10[%parallel_loop3A_263, %parallel_loop3A_264], %parallel_loop3A_267 {strides = array<i32>} : memref<32x768xf32, #tpu.memory_space<vmem>>, vector<1x16xf32>,
        %parallel_loop3A_268 = arith.constant 9 : i32
        %parallel_loop3A_269 = arith.index_cast %parallel_loop3A_268 : i32 to index
        %parallel_loop3A_270 = arith.index_cast %parallel_loop3A_155 : i32 to index
        %parallel_loop3A_271 = tpu.vector_load %arg10[%parallel_loop3A_269, %parallel_loop3A_270] {strides = array<i32>} : memref<32x768xf32, #tpu.memory_space<vmem>>, vector<1x16xf32>,
        %parallel_loop3A_272 = vector.shape_cast %parallel_loop3A_271 : vector<1x16xf32> to vector<16xf32>
        %parallel_loop3A_273 = arith.addf %parallel_loop3A_272, %parallel_loop3A_159 : vector<16xf32>
        %parallel_loop3A_274 = arith.constant 9 : i32
        %parallel_loop3A_275 = arith.index_cast %parallel_loop3A_274 : i32 to index
        %parallel_loop3A_276 = arith.index_cast %parallel_loop3A_155 : i32 to index
        %parallel_loop3A_277 = tpu.vector_load %arg10[%parallel_loop3A_275, %parallel_loop3A_276] {strides = array<i32>} : memref<32x768xf32, #tpu.memory_space<vmem>>, vector<1x16xf32>,
        %parallel_loop3A_278 = vector.shape_cast %parallel_loop3A_277 : vector<1x16xf32> to vector<16xf32>
        %parallel_loop3A_279 = vector.shape_cast %parallel_loop3A_273 : vector<16xf32> to vector<1x16xf32>
        tpu.vector_store %arg10[%parallel_loop3A_275, %parallel_loop3A_276], %parallel_loop3A_279 {strides = array<i32>} : memref<32x768xf32, #tpu.memory_space<vmem>>, vector<1x16xf32>,
        %parallel_loop3A_280 = arith.constant 10 : i32
        %parallel_loop3A_281 = arith.index_cast %parallel_loop3A_280 : i32 to index
        %parallel_loop3A_282 = arith.index_cast %parallel_loop3A_155 : i32 to index
        %parallel_loop3A_283 = tpu.vector_load %arg10[%parallel_loop3A_281, %parallel_loop3A_282] {strides = array<i32>} : memref<32x768xf32, #tpu.memory_space<vmem>>, vector<1x16xf32>,
        %parallel_loop3A_284 = vector.shape_cast %parallel_loop3A_283 : vector<1x16xf32> to vector<16xf32>
        %parallel_loop3A_285 = arith.addf %parallel_loop3A_284, %parallel_loop3A_159 : vector<16xf32>
        %parallel_loop3A_286 = arith.constant 10 : i32
        %parallel_loop3A_287 = arith.index_cast %parallel_loop3A_286 : i32 to index
        %parallel_loop3A_288 = arith.index_cast %parallel_loop3A_155 : i32 to index
        %parallel_loop3A_289 = tpu.vector_load %arg10[%parallel_loop3A_287, %parallel_loop3A_288] {strides = array<i32>} : memref<32x768xf32, #tpu.memory_space<vmem>>, vector<1x16xf32>,
        %parallel_loop3A_290 = vector.shape_cast %parallel_loop3A_289 : vector<1x16xf32> to vector<16xf32>
        %parallel_loop3A_291 = vector.shape_cast %parallel_loop3A_285 : vector<16xf32> to vector<1x16xf32>
        tpu.vector_store %arg10[%parallel_loop3A_287, %parallel_loop3A_288], %parallel_loop3A_291 {strides = array<i32>} : memref<32x768xf32, #tpu.memory_space<vmem>>, vector<1x16xf32>,
        %parallel_loop3A_292 = arith.constant 11 : i32
        %parallel_loop3A_293 = arith.index_cast %parallel_loop3A_292 : i32 to index
        %parallel_loop3A_294 = arith.index_cast %parallel_loop3A_155 : i32 to index
        %parallel_loop3A_295 = tpu.vector_load %arg10[%parallel_loop3A_293, %parallel_loop3A_294] {strides = array<i32>} : memref<32x768xf32, #tpu.memory_space<vmem>>, vector<1x16xf32>,
        %parallel_loop3A_296 = vector.shape_cast %parallel_loop3A_295 : vector<1x16xf32> to vector<16xf32>
        %parallel_loop3A_297 = arith.addf %parallel_loop3A_296, %parallel_loop3A_159 : vector<16xf32>
        %parallel_loop3A_298 = arith.constant 11 : i32
        %parallel_loop3A_299 = arith.index_cast %parallel_loop3A_298 : i32 to index
        %parallel_loop3A_300 = arith.index_cast %parallel_loop3A_155 : i32 to index
        %parallel_loop3A_301 = tpu.vector_load %arg10[%parallel_loop3A_299, %parallel_loop3A_300] {strides = array<i32>} : memref<32x768xf32, #tpu.memory_space<vmem>>, vector<1x16xf32>,
        %parallel_loop3A_302 = vector.shape_cast %parallel_loop3A_301 : vector<1x16xf32> to vector<16xf32>
        %parallel_loop3A_303 = vector.shape_cast %parallel_loop3A_297 : vector<16xf32> to vector<1x16xf32>
        tpu.vector_store %arg10[%parallel_loop3A_299, %parallel_loop3A_300], %parallel_loop3A_303 {strides = array<i32>} : memref<32x768xf32, #tpu.memory_space<vmem>>, vector<1x16xf32>,
        %parallel_loop3A_304 = arith.constant 12 : i32
        %parallel_loop3A_305 = arith.index_cast %parallel_loop3A_304 : i32 to index
        %parallel_loop3A_306 = arith.index_cast %parallel_loop3A_155 : i32 to index
        %parallel_loop3A_307 = tpu.vector_load %arg10[%parallel_loop3A_305, %parallel_loop3A_306] {strides = array<i32>} : memref<32x768xf32, #tpu.memory_space<vmem>>, vector<1x16xf32>,
        %parallel_loop3A_308 = vector.shape_cast %parallel_loop3A_307 : vector<1x16xf32> to vector<16xf32>
        %parallel_loop3A_309 = arith.addf %parallel_loop3A_308, %parallel_loop3A_159 : vector<16xf32>
        %parallel_loop3A_310 = arith.constant 12 : i32
        %parallel_loop3A_311 = arith.index_cast %parallel_loop3A_310 : i32 to index
        %parallel_loop3A_312 = arith.index_cast %parallel_loop3A_155 : i32 to index
        %parallel_loop3A_313 = tpu.vector_load %arg10[%parallel_loop3A_311, %parallel_loop3A_312] {strides = array<i32>} : memref<32x768xf32, #tpu.memory_space<vmem>>, vector<1x16xf32>,
        %parallel_loop3A_314 = vector.shape_cast %parallel_loop3A_313 : vector<1x16xf32> to vector<16xf32>
        %parallel_loop3A_315 = vector.shape_cast %parallel_loop3A_309 : vector<16xf32> to vector<1x16xf32>
        tpu.vector_store %arg10[%parallel_loop3A_311, %parallel_loop3A_312], %parallel_loop3A_315 {strides = array<i32>} : memref<32x768xf32, #tpu.memory_space<vmem>>, vector<1x16xf32>,
        %parallel_loop3A_316 = arith.constant 13 : i32
        %parallel_loop3A_317 = arith.index_cast %parallel_loop3A_316 : i32 to index
        %parallel_loop3A_318 = arith.index_cast %parallel_loop3A_155 : i32 to index
        %parallel_loop3A_319 = tpu.vector_load %arg10[%parallel_loop3A_317, %parallel_loop3A_318] {strides = array<i32>} : memref<32x768xf32, #tpu.memory_space<vmem>>, vector<1x16xf32>,
        %parallel_loop3A_320 = vector.shape_cast %parallel_loop3A_319 : vector<1x16xf32> to vector<16xf32>
        %parallel_loop3A_321 = arith.addf %parallel_loop3A_320, %parallel_loop3A_159 : vector<16xf32>
        %parallel_loop3A_322 = arith.constant 13 : i32
        %parallel_loop3A_323 = arith.index_cast %parallel_loop3A_322 : i32 to index
        %parallel_loop3A_324 = arith.index_cast %parallel_loop3A_155 : i32 to index
        %parallel_loop3A_325 = tpu.vector_load %arg10[%parallel_loop3A_323, %parallel_loop3A_324] {strides = array<i32>} : memref<32x768xf32, #tpu.memory_space<vmem>>, vector<1x16xf32>,
        %parallel_loop3A_326 = vector.shape_cast %parallel_loop3A_325 : vector<1x16xf32> to vector<16xf32>
        %parallel_loop3A_327 = vector.shape_cast %parallel_loop3A_321 : vector<16xf32> to vector<1x16xf32>
        tpu.vector_store %arg10[%parallel_loop3A_323, %parallel_loop3A_324], %parallel_loop3A_327 {strides = array<i32>} : memref<32x768xf32, #tpu.memory_space<vmem>>, vector<1x16xf32>,
        %parallel_loop3A_328 = arith.constant 14 : i32
        %parallel_loop3A_329 = arith.index_cast %parallel_loop3A_328 : i32 to index
        %parallel_loop3A_330 = arith.index_cast %parallel_loop3A_155 : i32 to index
        %parallel_loop3A_331 = tpu.vector_load %arg10[%parallel_loop3A_329, %parallel_loop3A_330] {strides = array<i32>} : memref<32x768xf32, #tpu.memory_space<vmem>>, vector<1x16xf32>,
        %parallel_loop3A_332 = vector.shape_cast %parallel_loop3A_331 : vector<1x16xf32> to vector<16xf32>
        %parallel_loop3A_333 = arith.addf %parallel_loop3A_332, %parallel_loop3A_159 : vector<16xf32>
        %parallel_loop3A_334 = arith.constant 14 : i32
        %parallel_loop3A_335 = arith.index_cast %parallel_loop3A_334 : i32 to index
        %parallel_loop3A_336 = arith.index_cast %parallel_loop3A_155 : i32 to index
        %parallel_loop3A_337 = tpu.vector_load %arg10[%parallel_loop3A_335, %parallel_loop3A_336] {strides = array<i32>} : memref<32x768xf32, #tpu.memory_space<vmem>>, vector<1x16xf32>,
        %parallel_loop3A_338 = vector.shape_cast %parallel_loop3A_337 : vector<1x16xf32> to vector<16xf32>
        %parallel_loop3A_339 = vector.shape_cast %parallel_loop3A_333 : vector<16xf32> to vector<1x16xf32>
        tpu.vector_store %arg10[%parallel_loop3A_335, %parallel_loop3A_336], %parallel_loop3A_339 {strides = array<i32>} : memref<32x768xf32, #tpu.memory_space<vmem>>, vector<1x16xf32>,
        %parallel_loop3A_340 = arith.constant 15 : i32
        %parallel_loop3A_341 = arith.index_cast %parallel_loop3A_340 : i32 to index
        %parallel_loop3A_342 = arith.index_cast %parallel_loop3A_155 : i32 to index
        %parallel_loop3A_343 = tpu.vector_load %arg10[%parallel_loop3A_341, %parallel_loop3A_342] {strides = array<i32>} : memref<32x768xf32, #tpu.memory_space<vmem>>, vector<1x16xf32>,
        %parallel_loop3A_344 = vector.shape_cast %parallel_loop3A_343 : vector<1x16xf32> to vector<16xf32>
        %parallel_loop3A_345 = arith.addf %parallel_loop3A_344, %parallel_loop3A_159 : vector<16xf32>
        %parallel_loop3A_346 = arith.constant 15 : i32
        %parallel_loop3A_347 = arith.index_cast %parallel_loop3A_346 : i32 to index
        %parallel_loop3A_348 = arith.index_cast %parallel_loop3A_155 : i32 to index
        %parallel_loop3A_349 = tpu.vector_load %arg10[%parallel_loop3A_347, %parallel_loop3A_348] {strides = array<i32>} : memref<32x768xf32, #tpu.memory_space<vmem>>, vector<1x16xf32>,
        %parallel_loop3A_350 = vector.shape_cast %parallel_loop3A_349 : vector<1x16xf32> to vector<16xf32>
        %parallel_loop3A_351 = vector.shape_cast %parallel_loop3A_345 : vector<16xf32> to vector<1x16xf32>
        tpu.vector_store %arg10[%parallel_loop3A_347, %parallel_loop3A_348], %parallel_loop3A_351 {strides = array<i32>} : memref<32x768xf32, #tpu.memory_space<vmem>>, vector<1x16xf32>,
        %parallel_loop3A_352 = arith.constant 16 : i32
        %parallel_loop3A_353 = arith.index_cast %parallel_loop3A_352 : i32 to index
        %parallel_loop3A_354 = arith.index_cast %parallel_loop3A_155 : i32 to index
        %parallel_loop3A_355 = tpu.vector_load %arg10[%parallel_loop3A_353, %parallel_loop3A_354] {strides = array<i32>} : memref<32x768xf32, #tpu.memory_space<vmem>>, vector<1x16xf32>,
        %parallel_loop3A_356 = vector.shape_cast %parallel_loop3A_355 : vector<1x16xf32> to vector<16xf32>
        %parallel_loop3A_357 = arith.addf %parallel_loop3A_356, %parallel_loop3A_159 : vector<16xf32>
        %parallel_loop3A_358 = arith.constant 16 : i32
        %parallel_loop3A_359 = arith.index_cast %parallel_loop3A_358 : i32 to index
        %parallel_loop3A_360 = arith.index_cast %parallel_loop3A_155 : i32 to index
        %parallel_loop3A_361 = tpu.vector_load %arg10[%parallel_loop3A_359, %parallel_loop3A_360] {strides = array<i32>} : memref<32x768xf32, #tpu.memory_space<vmem>>, vector<1x16xf32>,
        %parallel_loop3A_362 = vector.shape_cast %parallel_loop3A_361 : vector<1x16xf32> to vector<16xf32>
        %parallel_loop3A_363 = vector.shape_cast %parallel_loop3A_357 : vector<16xf32> to vector<1x16xf32>
        tpu.vector_store %arg10[%parallel_loop3A_359, %parallel_loop3A_360], %parallel_loop3A_363 {strides = array<i32>} : memref<32x768xf32, #tpu.memory_space<vmem>>, vector<1x16xf32>,
        %parallel_loop3A_364 = arith.constant 17 : i32
        %parallel_loop3A_365 = arith.index_cast %parallel_loop3A_364 : i32 to index
        %parallel_loop3A_366 = arith.index_cast %parallel_loop3A_155 : i32 to index
        %parallel_loop3A_367 = tpu.vector_load %arg10[%parallel_loop3A_365, %parallel_loop3A_366] {strides = array<i32>} : memref<32x768xf32, #tpu.memory_space<vmem>>, vector<1x16xf32>,
        %parallel_loop3A_368 = vector.shape_cast %parallel_loop3A_367 : vector<1x16xf32> to vector<16xf32>
        %parallel_loop3A_369 = arith.addf %parallel_loop3A_368, %parallel_loop3A_159 : vector<16xf32>
        %parallel_loop3A_370 = arith.constant 17 : i32
        %parallel_loop3A_371 = arith.index_cast %parallel_loop3A_370 : i32 to index
        %parallel_loop3A_372 = arith.index_cast %parallel_loop3A_155 : i32 to index
        %parallel_loop3A_373 = tpu.vector_load %arg10[%parallel_loop3A_371, %parallel_loop3A_372] {strides = array<i32>} : memref<32x768xf32, #tpu.memory_space<vmem>>, vector<1x16xf32>,
        %parallel_loop3A_374 = vector.shape_cast %parallel_loop3A_373 : vector<1x16xf32> to vector<16xf32>
        %parallel_loop3A_375 = vector.shape_cast %parallel_loop3A_369 : vector<16xf32> to vector<1x16xf32>
        tpu.vector_store %arg10[%parallel_loop3A_371, %parallel_loop3A_372], %parallel_loop3A_375 {strides = array<i32>} : memref<32x768xf32, #tpu.memory_space<vmem>>, vector<1x16xf32>,
        %parallel_loop3A_376 = arith.constant 18 : i32
        %parallel_loop3A_377 = arith.index_cast %parallel_loop3A_376 : i32 to index
        %parallel_loop3A_378 = arith.index_cast %parallel_loop3A_155 : i32 to index
        %parallel_loop3A_379 = tpu.vector_load %arg10[%parallel_loop3A_377, %parallel_loop3A_378] {strides = array<i32>} : memref<32x768xf32, #tpu.memory_space<vmem>>, vector<1x16xf32>,
        %parallel_loop3A_380 = vector.shape_cast %parallel_loop3A_379 : vector<1x16xf32> to vector<16xf32>
        %parallel_loop3A_381 = arith.addf %parallel_loop3A_380, %parallel_loop3A_159 : vector<16xf32>
        %parallel_loop3A_382 = arith.constant 18 : i32
        %parallel_loop3A_383 = arith.index_cast %parallel_loop3A_382 : i32 to index
        %parallel_loop3A_384 = arith.index_cast %parallel_loop3A_155 : i32 to index
        %parallel_loop3A_385 = tpu.vector_load %arg10[%parallel_loop3A_383, %parallel_loop3A_384] {strides = array<i32>} : memref<32x768xf32, #tpu.memory_space<vmem>>, vector<1x16xf32>,
        %parallel_loop3A_386 = vector.shape_cast %parallel_loop3A_385 : vector<1x16xf32> to vector<16xf32>
        %parallel_loop3A_387 = vector.shape_cast %parallel_loop3A_381 : vector<16xf32> to vector<1x16xf32>
        tpu.vector_store %arg10[%parallel_loop3A_383, %parallel_loop3A_384], %parallel_loop3A_387 {strides = array<i32>} : memref<32x768xf32, #tpu.memory_space<vmem>>, vector<1x16xf32>,
        %parallel_loop3A_388 = arith.constant 19 : i32
        %parallel_loop3A_389 = arith.index_cast %parallel_loop3A_388 : i32 to index
        %parallel_loop3A_390 = arith.index_cast %parallel_loop3A_155 : i32 to index
        %parallel_loop3A_391 = tpu.vector_load %arg10[%parallel_loop3A_389, %parallel_loop3A_390] {strides = array<i32>} : memref<32x768xf32, #tpu.memory_space<vmem>>, vector<1x16xf32>,
        %parallel_loop3A_392 = vector.shape_cast %parallel_loop3A_391 : vector<1x16xf32> to vector<16xf32>
        %parallel_loop3A_393 = arith.addf %parallel_loop3A_392, %parallel_loop3A_159 : vector<16xf32>
        %parallel_loop3A_394 = arith.constant 19 : i32
        %parallel_loop3A_395 = arith.index_cast %parallel_loop3A_394 : i32 to index
        %parallel_loop3A_396 = arith.index_cast %parallel_loop3A_155 : i32 to index
        %parallel_loop3A_397 = tpu.vector_load %arg10[%parallel_loop3A_395, %parallel_loop3A_396] {strides = array<i32>} : memref<32x768xf32, #tpu.memory_space<vmem>>, vector<1x16xf32>,
        %parallel_loop3A_398 = vector.shape_cast %parallel_loop3A_397 : vector<1x16xf32> to vector<16xf32>
        %parallel_loop3A_399 = vector.shape_cast %parallel_loop3A_393 : vector<16xf32> to vector<1x16xf32>
        tpu.vector_store %arg10[%parallel_loop3A_395, %parallel_loop3A_396], %parallel_loop3A_399 {strides = array<i32>} : memref<32x768xf32, #tpu.memory_space<vmem>>, vector<1x16xf32>,
        %parallel_loop3A_400 = arith.constant 20 : i32
        %parallel_loop3A_401 = arith.index_cast %parallel_loop3A_400 : i32 to index
        %parallel_loop3A_402 = arith.index_cast %parallel_loop3A_155 : i32 to index
        %parallel_loop3A_403 = tpu.vector_load %arg10[%parallel_loop3A_401, %parallel_loop3A_402] {strides = array<i32>} : memref<32x768xf32, #tpu.memory_space<vmem>>, vector<1x16xf32>,
        %parallel_loop3A_404 = vector.shape_cast %parallel_loop3A_403 : vector<1x16xf32> to vector<16xf32>
        %parallel_loop3A_405 = arith.addf %parallel_loop3A_404, %parallel_loop3A_159 : vector<16xf32>
        %parallel_loop3A_406 = arith.constant 20 : i32
        %parallel_loop3A_407 = arith.index_cast %parallel_loop3A_406 : i32 to index
        %parallel_loop3A_408 = arith.index_cast %parallel_loop3A_155 : i32 to index
        %parallel_loop3A_409 = tpu.vector_load %arg10[%parallel_loop3A_407, %parallel_loop3A_408] {strides = array<i32>} : memref<32x768xf32, #tpu.memory_space<vmem>>, vector<1x16xf32>,
        %parallel_loop3A_410 = vector.shape_cast %parallel_loop3A_409 : vector<1x16xf32> to vector<16xf32>
        %parallel_loop3A_411 = vector.shape_cast %parallel_loop3A_405 : vector<16xf32> to vector<1x16xf32>
        tpu.vector_store %arg10[%parallel_loop3A_407, %parallel_loop3A_408], %parallel_loop3A_411 {strides = array<i32>} : memref<32x768xf32, #tpu.memory_space<vmem>>, vector<1x16xf32>,
        %parallel_loop3A_412 = arith.constant 21 : i32
        %parallel_loop3A_413 = arith.index_cast %parallel_loop3A_412 : i32 to index
        %parallel_loop3A_414 = arith.index_cast %parallel_loop3A_155 : i32 to index
        %parallel_loop3A_415 = tpu.vector_load %arg10[%parallel_loop3A_413, %parallel_loop3A_414] {strides = array<i32>} : memref<32x768xf32, #tpu.memory_space<vmem>>, vector<1x16xf32>,
        %parallel_loop3A_416 = vector.shape_cast %parallel_loop3A_415 : vector<1x16xf32> to vector<16xf32>
        %parallel_loop3A_417 = arith.addf %parallel_loop3A_416, %parallel_loop3A_159 : vector<16xf32>
        %parallel_loop3A_418 = arith.constant 21 : i32
        %parallel_loop3A_419 = arith.index_cast %parallel_loop3A_418 : i32 to index
        %parallel_loop3A_420 = arith.index_cast %parallel_loop3A_155 : i32 to index
        %parallel_loop3A_421 = tpu.vector_load %arg10[%parallel_loop3A_419, %parallel_loop3A_420] {strides = array<i32>} : memref<32x768xf32, #tpu.memory_space<vmem>>, vector<1x16xf32>,
        %parallel_loop3A_422 = vector.shape_cast %parallel_loop3A_421 : vector<1x16xf32> to vector<16xf32>
        %parallel_loop3A_423 = vector.shape_cast %parallel_loop3A_417 : vector<16xf32> to vector<1x16xf32>
        tpu.vector_store %arg10[%parallel_loop3A_419, %parallel_loop3A_420], %parallel_loop3A_423 {strides = array<i32>} : memref<32x768xf32, #tpu.memory_space<vmem>>, vector<1x16xf32>,
        %parallel_loop3A_424 = arith.constant 22 : i32
        %parallel_loop3A_425 = arith.index_cast %parallel_loop3A_424 : i32 to index
        %parallel_loop3A_426 = arith.index_cast %parallel_loop3A_155 : i32 to index
        %parallel_loop3A_427 = tpu.vector_load %arg10[%parallel_loop3A_425, %parallel_loop3A_426] {strides = array<i32>} : memref<32x768xf32, #tpu.memory_space<vmem>>, vector<1x16xf32>,
        %parallel_loop3A_428 = vector.shape_cast %parallel_loop3A_427 : vector<1x16xf32> to vector<16xf32>
        %parallel_loop3A_429 = arith.addf %parallel_loop3A_428, %parallel_loop3A_159 : vector<16xf32>
        %parallel_loop3A_430 = arith.constant 22 : i32
        %parallel_loop3A_431 = arith.index_cast %parallel_loop3A_430 : i32 to index
        %parallel_loop3A_432 = arith.index_cast %parallel_loop3A_155 : i32 to index
        %parallel_loop3A_433 = tpu.vector_load %arg10[%parallel_loop3A_431, %parallel_loop3A_432] {strides = array<i32>} : memref<32x768xf32, #tpu.memory_space<vmem>>, vector<1x16xf32>,
        %parallel_loop3A_434 = vector.shape_cast %parallel_loop3A_433 : vector<1x16xf32> to vector<16xf32>
        %parallel_loop3A_435 = vector.shape_cast %parallel_loop3A_429 : vector<16xf32> to vector<1x16xf32>
        tpu.vector_store %arg10[%parallel_loop3A_431, %parallel_loop3A_432], %parallel_loop3A_435 {strides = array<i32>} : memref<32x768xf32, #tpu.memory_space<vmem>>, vector<1x16xf32>,
        %parallel_loop3A_436 = arith.constant 23 : i32
        %parallel_loop3A_437 = arith.index_cast %parallel_loop3A_436 : i32 to index
        %parallel_loop3A_438 = arith.index_cast %parallel_loop3A_155 : i32 to index
        %parallel_loop3A_439 = tpu.vector_load %arg10[%parallel_loop3A_437, %parallel_loop3A_438] {strides = array<i32>} : memref<32x768xf32, #tpu.memory_space<vmem>>, vector<1x16xf32>,
        %parallel_loop3A_440 = vector.shape_cast %parallel_loop3A_439 : vector<1x16xf32> to vector<16xf32>
        %parallel_loop3A_441 = arith.addf %parallel_loop3A_440, %parallel_loop3A_159 : vector<16xf32>
        %parallel_loop3A_442 = arith.constant 23 : i32
        %parallel_loop3A_443 = arith.index_cast %parallel_loop3A_442 : i32 to index
        %parallel_loop3A_444 = arith.index_cast %parallel_loop3A_155 : i32 to index
        %parallel_loop3A_445 = tpu.vector_load %arg10[%parallel_loop3A_443, %parallel_loop3A_444] {strides = array<i32>} : memref<32x768xf32, #tpu.memory_space<vmem>>, vector<1x16xf32>,
        %parallel_loop3A_446 = vector.shape_cast %parallel_loop3A_445 : vector<1x16xf32> to vector<16xf32>
        %parallel_loop3A_447 = vector.shape_cast %parallel_loop3A_441 : vector<16xf32> to vector<1x16xf32>
        tpu.vector_store %arg10[%parallel_loop3A_443, %parallel_loop3A_444], %parallel_loop3A_447 {strides = array<i32>} : memref<32x768xf32, #tpu.memory_space<vmem>>, vector<1x16xf32>,
        %parallel_loop3A_448 = arith.constant 24 : i32
        %parallel_loop3A_449 = arith.index_cast %parallel_loop3A_448 : i32 to index
        %parallel_loop3A_450 = arith.index_cast %parallel_loop3A_155 : i32 to index
        %parallel_loop3A_451 = tpu.vector_load %arg10[%parallel_loop3A_449, %parallel_loop3A_450] {strides = array<i32>} : memref<32x768xf32, #tpu.memory_space<vmem>>, vector<1x16xf32>,
        %parallel_loop3A_452 = vector.shape_cast %parallel_loop3A_451 : vector<1x16xf32> to vector<16xf32>
        %parallel_loop3A_453 = arith.addf %parallel_loop3A_452, %parallel_loop3A_159 : vector<16xf32>
        %parallel_loop3A_454 = arith.constant 24 : i32
        %parallel_loop3A_455 = arith.index_cast %parallel_loop3A_454 : i32 to index
        %parallel_loop3A_456 = arith.index_cast %parallel_loop3A_155 : i32 to index
        %parallel_loop3A_457 = tpu.vector_load %arg10[%parallel_loop3A_455, %parallel_loop3A_456] {strides = array<i32>} : memref<32x768xf32, #tpu.memory_space<vmem>>, vector<1x16xf32>,
        %parallel_loop3A_458 = vector.shape_cast %parallel_loop3A_457 : vector<1x16xf32> to vector<16xf32>
        %parallel_loop3A_459 = vector.shape_cast %parallel_loop3A_453 : vector<16xf32> to vector<1x16xf32>
        tpu.vector_store %arg10[%parallel_loop3A_455, %parallel_loop3A_456], %parallel_loop3A_459 {strides = array<i32>} : memref<32x768xf32, #tpu.memory_space<vmem>>, vector<1x16xf32>,
        %parallel_loop3A_460 = arith.constant 25 : i32
        %parallel_loop3A_461 = arith.index_cast %parallel_loop3A_460 : i32 to index
        %parallel_loop3A_462 = arith.index_cast %parallel_loop3A_155 : i32 to index
        %parallel_loop3A_463 = tpu.vector_load %arg10[%parallel_loop3A_461, %parallel_loop3A_462] {strides = array<i32>} : memref<32x768xf32, #tpu.memory_space<vmem>>, vector<1x16xf32>,
        %parallel_loop3A_464 = vector.shape_cast %parallel_loop3A_463 : vector<1x16xf32> to vector<16xf32>
        %parallel_loop3A_465 = arith.addf %parallel_loop3A_464, %parallel_loop3A_159 : vector<16xf32>
        %parallel_loop3A_466 = arith.constant 25 : i32
        %parallel_loop3A_467 = arith.index_cast %parallel_loop3A_466 : i32 to index
        %parallel_loop3A_468 = arith.index_cast %parallel_loop3A_155 : i32 to index
        %parallel_loop3A_469 = tpu.vector_load %arg10[%parallel_loop3A_467, %parallel_loop3A_468] {strides = array<i32>} : memref<32x768xf32, #tpu.memory_space<vmem>>, vector<1x16xf32>,
        %parallel_loop3A_470 = vector.shape_cast %parallel_loop3A_469 : vector<1x16xf32> to vector<16xf32>
        %parallel_loop3A_471 = vector.shape_cast %parallel_loop3A_465 : vector<16xf32> to vector<1x16xf32>
        tpu.vector_store %arg10[%parallel_loop3A_467, %parallel_loop3A_468], %parallel_loop3A_471 {strides = array<i32>} : memref<32x768xf32, #tpu.memory_space<vmem>>, vector<1x16xf32>,
        %parallel_loop3A_472 = arith.constant 26 : i32
        %parallel_loop3A_473 = arith.index_cast %parallel_loop3A_472 : i32 to index
        %parallel_loop3A_474 = arith.index_cast %parallel_loop3A_155 : i32 to index
        %parallel_loop3A_475 = tpu.vector_load %arg10[%parallel_loop3A_473, %parallel_loop3A_474] {strides = array<i32>} : memref<32x768xf32, #tpu.memory_space<vmem>>, vector<1x16xf32>,
        %parallel_loop3A_476 = vector.shape_cast %parallel_loop3A_475 : vector<1x16xf32> to vector<16xf32>
        %parallel_loop3A_477 = arith.addf %parallel_loop3A_476, %parallel_loop3A_159 : vector<16xf32>
        %parallel_loop3A_478 = arith.constant 26 : i32
        %parallel_loop3A_479 = arith.index_cast %parallel_loop3A_478 : i32 to index
        %parallel_loop3A_480 = arith.index_cast %parallel_loop3A_155 : i32 to index
        %parallel_loop3A_481 = tpu.vector_load %arg10[%parallel_loop3A_479, %parallel_loop3A_480] {strides = array<i32>} : memref<32x768xf32, #tpu.memory_space<vmem>>, vector<1x16xf32>,
        %parallel_loop3A_482 = vector.shape_cast %parallel_loop3A_481 : vector<1x16xf32> to vector<16xf32>
        %parallel_loop3A_483 = vector.shape_cast %parallel_loop3A_477 : vector<16xf32> to vector<1x16xf32>
        tpu.vector_store %arg10[%parallel_loop3A_479, %parallel_loop3A_480], %parallel_loop3A_483 {strides = array<i32>} : memref<32x768xf32, #tpu.memory_space<vmem>>, vector<1x16xf32>,
        %parallel_loop3A_484 = arith.constant 27 : i32
        %parallel_loop3A_485 = arith.index_cast %parallel_loop3A_484 : i32 to index
        %parallel_loop3A_486 = arith.index_cast %parallel_loop3A_155 : i32 to index
        %parallel_loop3A_487 = tpu.vector_load %arg10[%parallel_loop3A_485, %parallel_loop3A_486] {strides = array<i32>} : memref<32x768xf32, #tpu.memory_space<vmem>>, vector<1x16xf32>,
        %parallel_loop3A_488 = vector.shape_cast %parallel_loop3A_487 : vector<1x16xf32> to vector<16xf32>
        %parallel_loop3A_489 = arith.addf %parallel_loop3A_488, %parallel_loop3A_159 : vector<16xf32>
        %parallel_loop3A_490 = arith.constant 27 : i32
        %parallel_loop3A_491 = arith.index_cast %parallel_loop3A_490 : i32 to index
        %parallel_loop3A_492 = arith.index_cast %parallel_loop3A_155 : i32 to index
        %parallel_loop3A_493 = tpu.vector_load %arg10[%parallel_loop3A_491, %parallel_loop3A_492] {strides = array<i32>} : memref<32x768xf32, #tpu.memory_space<vmem>>, vector<1x16xf32>,
        %parallel_loop3A_494 = vector.shape_cast %parallel_loop3A_493 : vector<1x16xf32> to vector<16xf32>
        %parallel_loop3A_495 = vector.shape_cast %parallel_loop3A_489 : vector<16xf32> to vector<1x16xf32>
        tpu.vector_store %arg10[%parallel_loop3A_491, %parallel_loop3A_492], %parallel_loop3A_495 {strides = array<i32>} : memref<32x768xf32, #tpu.memory_space<vmem>>, vector<1x16xf32>,
        %parallel_loop3A_496 = arith.constant 28 : i32
        %parallel_loop3A_497 = arith.index_cast %parallel_loop3A_496 : i32 to index
        %parallel_loop3A_498 = arith.index_cast %parallel_loop3A_155 : i32 to index
        %parallel_loop3A_499 = tpu.vector_load %arg10[%parallel_loop3A_497, %parallel_loop3A_498] {strides = array<i32>} : memref<32x768xf32, #tpu.memory_space<vmem>>, vector<1x16xf32>,
        %parallel_loop3A_500 = vector.shape_cast %parallel_loop3A_499 : vector<1x16xf32> to vector<16xf32>
        %parallel_loop3A_501 = arith.addf %parallel_loop3A_500, %parallel_loop3A_159 : vector<16xf32>
        %parallel_loop3A_502 = arith.constant 28 : i32
        %parallel_loop3A_503 = arith.index_cast %parallel_loop3A_502 : i32 to index
        %parallel_loop3A_504 = arith.index_cast %parallel_loop3A_155 : i32 to index
        %parallel_loop3A_505 = tpu.vector_load %arg10[%parallel_loop3A_503, %parallel_loop3A_504] {strides = array<i32>} : memref<32x768xf32, #tpu.memory_space<vmem>>, vector<1x16xf32>,
        %parallel_loop3A_506 = vector.shape_cast %parallel_loop3A_505 : vector<1x16xf32> to vector<16xf32>
        %parallel_loop3A_507 = vector.shape_cast %parallel_loop3A_501 : vector<16xf32> to vector<1x16xf32>
        tpu.vector_store %arg10[%parallel_loop3A_503, %parallel_loop3A_504], %parallel_loop3A_507 {strides = array<i32>} : memref<32x768xf32, #tpu.memory_space<vmem>>, vector<1x16xf32>,
        %parallel_loop3A_508 = arith.constant 29 : i32
        %parallel_loop3A_509 = arith.index_cast %parallel_loop3A_508 : i32 to index
        %parallel_loop3A_510 = arith.index_cast %parallel_loop3A_155 : i32 to index
        %parallel_loop3A_511 = tpu.vector_load %arg10[%parallel_loop3A_509, %parallel_loop3A_510] {strides = array<i32>} : memref<32x768xf32, #tpu.memory_space<vmem>>, vector<1x16xf32>,
        %parallel_loop3A_512 = vector.shape_cast %parallel_loop3A_511 : vector<1x16xf32> to vector<16xf32>
        %parallel_loop3A_513 = arith.addf %parallel_loop3A_512, %parallel_loop3A_159 : vector<16xf32>
        %parallel_loop3A_514 = arith.constant 29 : i32
        %parallel_loop3A_515 = arith.index_cast %parallel_loop3A_514 : i32 to index
        %parallel_loop3A_516 = arith.index_cast %parallel_loop3A_155 : i32 to index
        %parallel_loop3A_517 = tpu.vector_load %arg10[%parallel_loop3A_515, %parallel_loop3A_516] {strides = array<i32>} : memref<32x768xf32, #tpu.memory_space<vmem>>, vector<1x16xf32>,
        %parallel_loop3A_518 = vector.shape_cast %parallel_loop3A_517 : vector<1x16xf32> to vector<16xf32>
        %parallel_loop3A_519 = vector.shape_cast %parallel_loop3A_513 : vector<16xf32> to vector<1x16xf32>
        tpu.vector_store %arg10[%parallel_loop3A_515, %parallel_loop3A_516], %parallel_loop3A_519 {strides = array<i32>} : memref<32x768xf32, #tpu.memory_space<vmem>>, vector<1x16xf32>,
        %parallel_loop3A_520 = arith.constant 30 : i32
        %parallel_loop3A_521 = arith.index_cast %parallel_loop3A_520 : i32 to index
        %parallel_loop3A_522 = arith.index_cast %parallel_loop3A_155 : i32 to index
        %parallel_loop3A_523 = tpu.vector_load %arg10[%parallel_loop3A_521, %parallel_loop3A_522] {strides = array<i32>} : memref<32x768xf32, #tpu.memory_space<vmem>>, vector<1x16xf32>,
        %parallel_loop3A_524 = vector.shape_cast %parallel_loop3A_523 : vector<1x16xf32> to vector<16xf32>
        %parallel_loop3A_525 = arith.addf %parallel_loop3A_524, %parallel_loop3A_159 : vector<16xf32>
        %parallel_loop3A_526 = arith.constant 30 : i32
        %parallel_loop3A_527 = arith.index_cast %parallel_loop3A_526 : i32 to index
        %parallel_loop3A_528 = arith.index_cast %parallel_loop3A_155 : i32 to index
        %parallel_loop3A_529 = tpu.vector_load %arg10[%parallel_loop3A_527, %parallel_loop3A_528] {strides = array<i32>} : memref<32x768xf32, #tpu.memory_space<vmem>>, vector<1x16xf32>,
        %parallel_loop3A_530 = vector.shape_cast %parallel_loop3A_529 : vector<1x16xf32> to vector<16xf32>
        %parallel_loop3A_531 = vector.shape_cast %parallel_loop3A_525 : vector<16xf32> to vector<1x16xf32>
        tpu.vector_store %arg10[%parallel_loop3A_527, %parallel_loop3A_528], %parallel_loop3A_531 {strides = array<i32>} : memref<32x768xf32, #tpu.memory_space<vmem>>, vector<1x16xf32>,
        %parallel_loop3A_532 = arith.constant 31 : i32
        %parallel_loop3A_533 = arith.index_cast %parallel_loop3A_532 : i32 to index
        %parallel_loop3A_534 = arith.index_cast %parallel_loop3A_155 : i32 to index
        %parallel_loop3A_535 = tpu.vector_load %arg10[%parallel_loop3A_533, %parallel_loop3A_534] {strides = array<i32>} : memref<32x768xf32, #tpu.memory_space<vmem>>, vector<1x16xf32>,
        %parallel_loop3A_536 = vector.shape_cast %parallel_loop3A_535 : vector<1x16xf32> to vector<16xf32>
        %parallel_loop3A_537 = arith.addf %parallel_loop3A_536, %parallel_loop3A_159 : vector<16xf32>
        %parallel_loop3A_538 = arith.constant 31 : i32
        %parallel_loop3A_539 = arith.index_cast %parallel_loop3A_538 : i32 to index
        %parallel_loop3A_540 = arith.index_cast %parallel_loop3A_155 : i32 to index
        %parallel_loop3A_541 = tpu.vector_load %arg10[%parallel_loop3A_539, %parallel_loop3A_540] {strides = array<i32>} : memref<32x768xf32, #tpu.memory_space<vmem>>, vector<1x16xf32>,
        %parallel_loop3A_542 = vector.shape_cast %parallel_loop3A_541 : vector<1x16xf32> to vector<16xf32>
        %parallel_loop3A_543 = vector.shape_cast %parallel_loop3A_537 : vector<16xf32> to vector<1x16xf32>
        tpu.vector_store %arg10[%parallel_loop3A_539, %parallel_loop3A_540], %parallel_loop3A_543 {strides = array<i32>} : memref<32x768xf32, #tpu.memory_space<vmem>>, vector<1x16xf32>,
      } {sc.loop_unroll_factor = 1 : i64, sc.parallel_access}
      %dma_start3A_54 = arith.constant 0 : i32
      %dma_start3A_55 = tpu.memref_slice %arg8[%add3A_37, %dma_start3A_54] : memref<32x32xi32, #tpu.memory_space<vmem>> -> memref<1x32xi32, #tpu.memory_space<vmem>>
      %dma_start3A_56 = tpu.memref_squeeze %dma_start3A_55 : memref<1x32xi32, #tpu.memory_space<vmem>> -> memref<32xi32, #tpu.memory_space<vmem>>
      %dma_start3A_57 = arith.constant 0 : i32
      %dma_start3A_58 = arith.constant 0 : i32
      %dma_start3A_59 = tpu.memref_slice %arg6[%dma_start3A_57, %dma_start3A_58] : memref<32768x768xf32, #tpu.memory_space<hbm>> -> memref<32768x768xf32, #tpu.memory_space<hbm>>
      tpu.enqueue_indirect_dma source(%arg10 : memref<32x768xf32, #tpu.memory_space<vmem>>) target(%dma_start3A_59 : memref<32768x768xf32, #tpu.memory_space<hbm>>) offsets(%dma_start3A_56 : memref<32xi32, #tpu.memory_space<vmem>>) semaphore(%arg18 : memref<!tpu.dma_semaphore, #tpu.memory_space<semaphore_mem>>)
      %mul3A_60 = arith.constant 4 : i32
      %mul3A_61 = arith.muli %scan3A_33, %mul3A_60 : i32
      %add3A_62 = arith.constant 1 : i32
      %add3A_63 = arith.addi %mul3A_61, %add3A_62 : i32
      %ge3A_64 = arith.constant 2 : i32
      %ge3A_65 = arith.cmpi sge, %add3A_63, %ge3A_64 : i32
      %convert_element_type3A_66 = arith.extui %ge3A_65 : i1 to i32
      %cond3A_67 = arith.constant 0 : i32
      %cond3A_68 = arith.cmpi ne, %convert_element_type3A_66, %cond3A_67 : i32
      scf.if %cond3A_68 {
        %sub3A = arith.constant 2 : i32
        %sub3A_153 = arith.subi %add3A_63, %sub3A : i32
        %dma_wait3A_154 = arith.constant 0 : i32
        %dma_wait3A_155 = tpu.memref_slice %arg8[%sub3A_153, %dma_wait3A_154] : memref<32x32xi32, #tpu.memory_space<vmem>> -> memref<1x32xi32, #tpu.memory_space<vmem>>
        %dma_wait3A_156 = tpu.memref_squeeze %dma_wait3A_155 : memref<1x32xi32, #tpu.memory_space<vmem>> -> memref<32xi32, #tpu.memory_space<vmem>>
        %dma_wait3A_157 = arith.constant 0 : i32
        %dma_wait3A_158 = arith.constant 0 : i32
        %dma_wait3A_159 = tpu.memref_slice %arg6[%dma_wait3A_157, %dma_wait3A_158] : memref<32768x768xf32, #tpu.memory_space<hbm>> -> memref<32768x768xf32, #tpu.memory_space<hbm>>
        tpu.wait_indirect_dma semaphore(%arg21 : memref<!tpu.dma_semaphore, #tpu.memory_space<semaphore_mem>>) src(%arg13 : memref<32x768xf32, #tpu.memory_space<vmem>>) dst(%dma_wait3A_159 : memref<32768x768xf32, #tpu.memory_space<hbm>>)
      } else {
      }
      %add3A_69 = arith.constant 2 : i32
      %add3A_70 = arith.addi %add3A_63, %add3A_69 : i32
      %lt3A_71 = arith.constant 32 : i32
      %lt3A_72 = arith.cmpi slt, %add3A_70, %lt3A_71 : i32
      %convert_element_type3A_73 = arith.extui %lt3A_72 : i1 to i32
      %cond3A_74 = arith.constant 0 : i32
      %cond3A_75 = arith.cmpi ne, %convert_element_type3A_73, %cond3A_74 : i32
      scf.if %cond3A_75 {
        %add3A_153 = arith.constant 2 : i32
        %add3A_154 = arith.addi %add3A_63, %add3A_153 : i32
        %dma_start3A_155 = arith.constant 0 : i32
        %dma_start3A_156 = tpu.memref_slice %arg7[%add3A_154, %dma_start3A_155] : memref<32x32xi32, #tpu.memory_space<vmem>> -> memref<1x32xi32, #tpu.memory_space<vmem>>
        %dma_start3A_157 = tpu.memref_squeeze %dma_start3A_156 : memref<1x32xi32, #tpu.memory_space<vmem>> -> memref<32xi32, #tpu.memory_space<vmem>>
        %dma_start3A_158 = arith.constant 0 : i32
        %dma_start3A_159 = arith.constant 0 : i32
        %dma_start3A_160 = tpu.memref_slice %arg4[%dma_start3A_158, %dma_start3A_159] : memref<50257x768xf32, #tpu.memory_space<hbm>> -> memref<50257x768xf32, #tpu.memory_space<hbm>>
        tpu.enqueue_indirect_dma source(%dma_start3A_160 : memref<50257x768xf32, #tpu.memory_space<hbm>>) target(%arg13 : memref<32x768xf32, #tpu.memory_space<vmem>>) offsets(%dma_start3A_157 : memref<32xi32, #tpu.memory_space<vmem>>) semaphore(%arg17 : memref<!tpu.dma_semaphore, #tpu.memory_space<semaphore_mem>>)
      } else {
      }
      %dma_wait3A_76 = arith.constant 0 : i32
      %dma_wait3A_77 = tpu.memref_slice %arg7[%add3A_63, %dma_wait3A_76] : memref<32x32xi32, #tpu.memory_space<vmem>> -> memref<1x32xi32, #tpu.memory_space<vmem>>
      %dma_wait3A_78 = tpu.memref_squeeze %dma_wait3A_77 : memref<1x32xi32, #tpu.memory_space<vmem>> -> memref<32xi32, #tpu.memory_space<vmem>>
      %dma_wait3A_79 = arith.constant 0 : i32
      %dma_wait3A_80 = arith.constant 0 : i32
      %dma_wait3A_81 = tpu.memref_slice %arg4[%dma_wait3A_79, %dma_wait3A_80] : memref<50257x768xf32, #tpu.memory_space<hbm>> -> memref<50257x768xf32, #tpu.memory_space<hbm>>
      tpu.wait_indirect_dma semaphore(%arg15 : memref<!tpu.dma_semaphore, #tpu.memory_space<semaphore_mem>>) src(%dma_wait3A_81 : memref<50257x768xf32, #tpu.memory_space<hbm>>) dst(%arg11 : memref<32x768xf32, #tpu.memory_space<vmem>>)
      %parallel_loop3A_82 = arith.constant 0 : i32
      %parallel_loop3A_83 = arith.constant 48 : i32
      %parallel_loop3A_84 = arith.constant 1 : i32
      scf.for %parallel_loop3A_153 = %parallel_loop3A_82 to %parallel_loop3A_83 step %parallel_loop3A_84  : i32 {
        %parallel_loop3A_154 = arith.constant 16 : i32
        %parallel_loop3A_155 = arith.muli %parallel_loop3A_153, %parallel_loop3A_154 : i32
        %parallel_loop3A_156 = arith.index_cast %add3A_63 : i32 to index
        %parallel_loop3A_157 = arith.index_cast %parallel_loop3A_155 : i32 to index
        %parallel_loop3A_158 = tpu.vector_load %arg9[%parallel_loop3A_156, %parallel_loop3A_157] {strides = array<i32>} : memref<32x768xf32, #tpu.memory_space<vmem>>, vector<1x16xf32>,
        %parallel_loop3A_159 = vector.shape_cast %parallel_loop3A_158 : vector<1x16xf32> to vector<16xf32>
        %parallel_loop3A_160 = arith.constant 0 : i32
        %parallel_loop3A_161 = arith.index_cast %parallel_loop3A_160 : i32 to index
        %parallel_loop3A_162 = arith.index_cast %parallel_loop3A_155 : i32 to index
        %parallel_loop3A_163 = tpu.vector_load %arg11[%parallel_loop3A_161, %parallel_loop3A_162] {strides = array<i32>} : memref<32x768xf32, #tpu.memory_space<vmem>>, vector<1x16xf32>,
        %parallel_loop3A_164 = vector.shape_cast %parallel_loop3A_163 : vector<1x16xf32> to vector<16xf32>
        %parallel_loop3A_165 = arith.addf %parallel_loop3A_164, %parallel_loop3A_159 : vector<16xf32>
        %parallel_loop3A_166 = arith.constant 0 : i32
        %parallel_loop3A_167 = arith.index_cast %parallel_loop3A_166 : i32 to index
        %parallel_loop3A_168 = arith.index_cast %parallel_loop3A_155 : i32 to index
        %parallel_loop3A_169 = tpu.vector_load %arg11[%parallel_loop3A_167, %parallel_loop3A_168] {strides = array<i32>} : memref<32x768xf32, #tpu.memory_space<vmem>>, vector<1x16xf32>,
        %parallel_loop3A_170 = vector.shape_cast %parallel_loop3A_169 : vector<1x16xf32> to vector<16xf32>
        %parallel_loop3A_171 = vector.shape_cast %parallel_loop3A_165 : vector<16xf32> to vector<1x16xf32>
        tpu.vector_store %arg11[%parallel_loop3A_167, %parallel_loop3A_168], %parallel_loop3A_171 {strides = array<i32>} : memref<32x768xf32, #tpu.memory_space<vmem>>, vector<1x16xf32>,
        %parallel_loop3A_172 = arith.constant 1 : i32
        %parallel_loop3A_173 = arith.index_cast %parallel_loop3A_172 : i32 to index
        %parallel_loop3A_174 = arith.index_cast %parallel_loop3A_155 : i32 to index
        %parallel_loop3A_175 = tpu.vector_load %arg11[%parallel_loop3A_173, %parallel_loop3A_174] {strides = array<i32>} : memref<32x768xf32, #tpu.memory_space<vmem>>, vector<1x16xf32>,
        %parallel_loop3A_176 = vector.shape_cast %parallel_loop3A_175 : vector<1x16xf32> to vector<16xf32>
        %parallel_loop3A_177 = arith.addf %parallel_loop3A_176, %parallel_loop3A_159 : vector<16xf32>
        %parallel_loop3A_178 = arith.constant 1 : i32
        %parallel_loop3A_179 = arith.index_cast %parallel_loop3A_178 : i32 to index
        %parallel_loop3A_180 = arith.index_cast %parallel_loop3A_155 : i32 to index
        %parallel_loop3A_181 = tpu.vector_load %arg11[%parallel_loop3A_179, %parallel_loop3A_180] {strides = array<i32>} : memref<32x768xf32, #tpu.memory_space<vmem>>, vector<1x16xf32>,
        %parallel_loop3A_182 = vector.shape_cast %parallel_loop3A_181 : vector<1x16xf32> to vector<16xf32>
        %parallel_loop3A_183 = vector.shape_cast %parallel_loop3A_177 : vector<16xf32> to vector<1x16xf32>
        tpu.vector_store %arg11[%parallel_loop3A_179, %parallel_loop3A_180], %parallel_loop3A_183 {strides = array<i32>} : memref<32x768xf32, #tpu.memory_space<vmem>>, vector<1x16xf32>,
        %parallel_loop3A_184 = arith.constant 2 : i32
        %parallel_loop3A_185 = arith.index_cast %parallel_loop3A_184 : i32 to index
        %parallel_loop3A_186 = arith.index_cast %parallel_loop3A_155 : i32 to index
        %parallel_loop3A_187 = tpu.vector_load %arg11[%parallel_loop3A_185, %parallel_loop3A_186] {strides = array<i32>} : memref<32x768xf32, #tpu.memory_space<vmem>>, vector<1x16xf32>,
        %parallel_loop3A_188 = vector.shape_cast %parallel_loop3A_187 : vector<1x16xf32> to vector<16xf32>
        %parallel_loop3A_189 = arith.addf %parallel_loop3A_188, %parallel_loop3A_159 : vector<16xf32>
        %parallel_loop3A_190 = arith.constant 2 : i32
        %parallel_loop3A_191 = arith.index_cast %parallel_loop3A_190 : i32 to index
        %parallel_loop3A_192 = arith.index_cast %parallel_loop3A_155 : i32 to index
        %parallel_loop3A_193 = tpu.vector_load %arg11[%parallel_loop3A_191, %parallel_loop3A_192] {strides = array<i32>} : memref<32x768xf32, #tpu.memory_space<vmem>>, vector<1x16xf32>,
        %parallel_loop3A_194 = vector.shape_cast %parallel_loop3A_193 : vector<1x16xf32> to vector<16xf32>
        %parallel_loop3A_195 = vector.shape_cast %parallel_loop3A_189 : vector<16xf32> to vector<1x16xf32>
        tpu.vector_store %arg11[%parallel_loop3A_191, %parallel_loop3A_192], %parallel_loop3A_195 {strides = array<i32>} : memref<32x768xf32, #tpu.memory_space<vmem>>, vector<1x16xf32>,
        %parallel_loop3A_196 = arith.constant 3 : i32
        %parallel_loop3A_197 = arith.index_cast %parallel_loop3A_196 : i32 to index
        %parallel_loop3A_198 = arith.index_cast %parallel_loop3A_155 : i32 to index
        %parallel_loop3A_199 = tpu.vector_load %arg11[%parallel_loop3A_197, %parallel_loop3A_198] {strides = array<i32>} : memref<32x768xf32, #tpu.memory_space<vmem>>, vector<1x16xf32>,
        %parallel_loop3A_200 = vector.shape_cast %parallel_loop3A_199 : vector<1x16xf32> to vector<16xf32>
        %parallel_loop3A_201 = arith.addf %parallel_loop3A_200, %parallel_loop3A_159 : vector<16xf32>
        %parallel_loop3A_202 = arith.constant 3 : i32
        %parallel_loop3A_203 = arith.index_cast %parallel_loop3A_202 : i32 to index
        %parallel_loop3A_204 = arith.index_cast %parallel_loop3A_155 : i32 to index
        %parallel_loop3A_205 = tpu.vector_load %arg11[%parallel_loop3A_203, %parallel_loop3A_204] {strides = array<i32>} : memref<32x768xf32, #tpu.memory_space<vmem>>, vector<1x16xf32>,
        %parallel_loop3A_206 = vector.shape_cast %parallel_loop3A_205 : vector<1x16xf32> to vector<16xf32>
        %parallel_loop3A_207 = vector.shape_cast %parallel_loop3A_201 : vector<16xf32> to vector<1x16xf32>
        tpu.vector_store %arg11[%parallel_loop3A_203, %parallel_loop3A_204], %parallel_loop3A_207 {strides = array<i32>} : memref<32x768xf32, #tpu.memory_space<vmem>>, vector<1x16xf32>,
        %parallel_loop3A_208 = arith.constant 4 : i32
        %parallel_loop3A_209 = arith.index_cast %parallel_loop3A_208 : i32 to index
        %parallel_loop3A_210 = arith.index_cast %parallel_loop3A_155 : i32 to index
        %parallel_loop3A_211 = tpu.vector_load %arg11[%parallel_loop3A_209, %parallel_loop3A_210] {strides = array<i32>} : memref<32x768xf32, #tpu.memory_space<vmem>>, vector<1x16xf32>,
        %parallel_loop3A_212 = vector.shape_cast %parallel_loop3A_211 : vector<1x16xf32> to vector<16xf32>
        %parallel_loop3A_213 = arith.addf %parallel_loop3A_212, %parallel_loop3A_159 : vector<16xf32>
        %parallel_loop3A_214 = arith.constant 4 : i32
        %parallel_loop3A_215 = arith.index_cast %parallel_loop3A_214 : i32 to index
        %parallel_loop3A_216 = arith.index_cast %parallel_loop3A_155 : i32 to index
        %parallel_loop3A_217 = tpu.vector_load %arg11[%parallel_loop3A_215, %parallel_loop3A_216] {strides = array<i32>} : memref<32x768xf32, #tpu.memory_space<vmem>>, vector<1x16xf32>,
        %parallel_loop3A_218 = vector.shape_cast %parallel_loop3A_217 : vector<1x16xf32> to vector<16xf32>
        %parallel_loop3A_219 = vector.shape_cast %parallel_loop3A_213 : vector<16xf32> to vector<1x16xf32>
        tpu.vector_store %arg11[%parallel_loop3A_215, %parallel_loop3A_216], %parallel_loop3A_219 {strides = array<i32>} : memref<32x768xf32, #tpu.memory_space<vmem>>, vector<1x16xf32>,
        %parallel_loop3A_220 = arith.constant 5 : i32
        %parallel_loop3A_221 = arith.index_cast %parallel_loop3A_220 : i32 to index
        %parallel_loop3A_222 = arith.index_cast %parallel_loop3A_155 : i32 to index
        %parallel_loop3A_223 = tpu.vector_load %arg11[%parallel_loop3A_221, %parallel_loop3A_222] {strides = array<i32>} : memref<32x768xf32, #tpu.memory_space<vmem>>, vector<1x16xf32>,
        %parallel_loop3A_224 = vector.shape_cast %parallel_loop3A_223 : vector<1x16xf32> to vector<16xf32>
        %parallel_loop3A_225 = arith.addf %parallel_loop3A_224, %parallel_loop3A_159 : vector<16xf32>
        %parallel_loop3A_226 = arith.constant 5 : i32
        %parallel_loop3A_227 = arith.index_cast %parallel_loop3A_226 : i32 to index
        %parallel_loop3A_228 = arith.index_cast %parallel_loop3A_155 : i32 to index
        %parallel_loop3A_229 = tpu.vector_load %arg11[%parallel_loop3A_227, %parallel_loop3A_228] {strides = array<i32>} : memref<32x768xf32, #tpu.memory_space<vmem>>, vector<1x16xf32>,
        %parallel_loop3A_230 = vector.shape_cast %parallel_loop3A_229 : vector<1x16xf32> to vector<16xf32>
        %parallel_loop3A_231 = vector.shape_cast %parallel_loop3A_225 : vector<16xf32> to vector<1x16xf32>
        tpu.vector_store %arg11[%parallel_loop3A_227, %parallel_loop3A_228], %parallel_loop3A_231 {strides = array<i32>} : memref<32x768xf32, #tpu.memory_space<vmem>>, vector<1x16xf32>,
        %parallel_loop3A_232 = arith.constant 6 : i32
        %parallel_loop3A_233 = arith.index_cast %parallel_loop3A_232 : i32 to index
        %parallel_loop3A_234 = arith.index_cast %parallel_loop3A_155 : i32 to index
        %parallel_loop3A_235 = tpu.vector_load %arg11[%parallel_loop3A_233, %parallel_loop3A_234] {strides = array<i32>} : memref<32x768xf32, #tpu.memory_space<vmem>>, vector<1x16xf32>,
        %parallel_loop3A_236 = vector.shape_cast %parallel_loop3A_235 : vector<1x16xf32> to vector<16xf32>
        %parallel_loop3A_237 = arith.addf %parallel_loop3A_236, %parallel_loop3A_159 : vector<16xf32>
        %parallel_loop3A_238 = arith.constant 6 : i32
        %parallel_loop3A_239 = arith.index_cast %parallel_loop3A_238 : i32 to index
        %parallel_loop3A_240 = arith.index_cast %parallel_loop3A_155 : i32 to index
        %parallel_loop3A_241 = tpu.vector_load %arg11[%parallel_loop3A_239, %parallel_loop3A_240] {strides = array<i32>} : memref<32x768xf32, #tpu.memory_space<vmem>>, vector<1x16xf32>,
        %parallel_loop3A_242 = vector.shape_cast %parallel_loop3A_241 : vector<1x16xf32> to vector<16xf32>
        %parallel_loop3A_243 = vector.shape_cast %parallel_loop3A_237 : vector<16xf32> to vector<1x16xf32>
        tpu.vector_store %arg11[%parallel_loop3A_239, %parallel_loop3A_240], %parallel_loop3A_243 {strides = array<i32>} : memref<32x768xf32, #tpu.memory_space<vmem>>, vector<1x16xf32>,
        %parallel_loop3A_244 = arith.constant 7 : i32
        %parallel_loop3A_245 = arith.index_cast %parallel_loop3A_244 : i32 to index
        %parallel_loop3A_246 = arith.index_cast %parallel_loop3A_155 : i32 to index
        %parallel_loop3A_247 = tpu.vector_load %arg11[%parallel_loop3A_245, %parallel_loop3A_246] {strides = array<i32>} : memref<32x768xf32, #tpu.memory_space<vmem>>, vector<1x16xf32>,
        %parallel_loop3A_248 = vector.shape_cast %parallel_loop3A_247 : vector<1x16xf32> to vector<16xf32>
        %parallel_loop3A_249 = arith.addf %parallel_loop3A_248, %parallel_loop3A_159 : vector<16xf32>
        %parallel_loop3A_250 = arith.constant 7 : i32
        %parallel_loop3A_251 = arith.index_cast %parallel_loop3A_250 : i32 to index
        %parallel_loop3A_252 = arith.index_cast %parallel_loop3A_155 : i32 to index
        %parallel_loop3A_253 = tpu.vector_load %arg11[%parallel_loop3A_251, %parallel_loop3A_252] {strides = array<i32>} : memref<32x768xf32, #tpu.memory_space<vmem>>, vector<1x16xf32>,
        %parallel_loop3A_254 = vector.shape_cast %parallel_loop3A_253 : vector<1x16xf32> to vector<16xf32>
        %parallel_loop3A_255 = vector.shape_cast %parallel_loop3A_249 : vector<16xf32> to vector<1x16xf32>
        tpu.vector_store %arg11[%parallel_loop3A_251, %parallel_loop3A_252], %parallel_loop3A_255 {strides = array<i32>} : memref<32x768xf32, #tpu.memory_space<vmem>>, vector<1x16xf32>,
        %parallel_loop3A_256 = arith.constant 8 : i32
        %parallel_loop3A_257 = arith.index_cast %parallel_loop3A_256 : i32 to index
        %parallel_loop3A_258 = arith.index_cast %parallel_loop3A_155 : i32 to index
        %parallel_loop3A_259 = tpu.vector_load %arg11[%parallel_loop3A_257, %parallel_loop3A_258] {strides = array<i32>} : memref<32x768xf32, #tpu.memory_space<vmem>>, vector<1x16xf32>,
        %parallel_loop3A_260 = vector.shape_cast %parallel_loop3A_259 : vector<1x16xf32> to vector<16xf32>
        %parallel_loop3A_261 = arith.addf %parallel_loop3A_260, %parallel_loop3A_159 : vector<16xf32>
        %parallel_loop3A_262 = arith.constant 8 : i32
        %parallel_loop3A_263 = arith.index_cast %parallel_loop3A_262 : i32 to index
        %parallel_loop3A_264 = arith.index_cast %parallel_loop3A_155 : i32 to index
        %parallel_loop3A_265 = tpu.vector_load %arg11[%parallel_loop3A_263, %parallel_loop3A_264] {strides = array<i32>} : memref<32x768xf32, #tpu.memory_space<vmem>>, vector<1x16xf32>,
        %parallel_loop3A_266 = vector.shape_cast %parallel_loop3A_265 : vector<1x16xf32> to vector<16xf32>
        %parallel_loop3A_267 = vector.shape_cast %parallel_loop3A_261 : vector<16xf32> to vector<1x16xf32>
        tpu.vector_store %arg11[%parallel_loop3A_263, %parallel_loop3A_264], %parallel_loop3A_267 {strides = array<i32>} : memref<32x768xf32, #tpu.memory_space<vmem>>, vector<1x16xf32>,
        %parallel_loop3A_268 = arith.constant 9 : i32
        %parallel_loop3A_269 = arith.index_cast %parallel_loop3A_268 : i32 to index
        %parallel_loop3A_270 = arith.index_cast %parallel_loop3A_155 : i32 to index
        %parallel_loop3A_271 = tpu.vector_load %arg11[%parallel_loop3A_269, %parallel_loop3A_270] {strides = array<i32>} : memref<32x768xf32, #tpu.memory_space<vmem>>, vector<1x16xf32>,
        %parallel_loop3A_272 = vector.shape_cast %parallel_loop3A_271 : vector<1x16xf32> to vector<16xf32>
        %parallel_loop3A_273 = arith.addf %parallel_loop3A_272, %parallel_loop3A_159 : vector<16xf32>
        %parallel_loop3A_274 = arith.constant 9 : i32
        %parallel_loop3A_275 = arith.index_cast %parallel_loop3A_274 : i32 to index
        %parallel_loop3A_276 = arith.index_cast %parallel_loop3A_155 : i32 to index
        %parallel_loop3A_277 = tpu.vector_load %arg11[%parallel_loop3A_275, %parallel_loop3A_276] {strides = array<i32>} : memref<32x768xf32, #tpu.memory_space<vmem>>, vector<1x16xf32>,
        %parallel_loop3A_278 = vector.shape_cast %parallel_loop3A_277 : vector<1x16xf32> to vector<16xf32>
        %parallel_loop3A_279 = vector.shape_cast %parallel_loop3A_273 : vector<16xf32> to vector<1x16xf32>
        tpu.vector_store %arg11[%parallel_loop3A_275, %parallel_loop3A_276], %parallel_loop3A_279 {strides = array<i32>} : memref<32x768xf32, #tpu.memory_space<vmem>>, vector<1x16xf32>,
        %parallel_loop3A_280 = arith.constant 10 : i32
        %parallel_loop3A_281 = arith.index_cast %parallel_loop3A_280 : i32 to index
        %parallel_loop3A_282 = arith.index_cast %parallel_loop3A_155 : i32 to index
        %parallel_loop3A_283 = tpu.vector_load %arg11[%parallel_loop3A_281, %parallel_loop3A_282] {strides = array<i32>} : memref<32x768xf32, #tpu.memory_space<vmem>>, vector<1x16xf32>,
        %parallel_loop3A_284 = vector.shape_cast %parallel_loop3A_283 : vector<1x16xf32> to vector<16xf32>
        %parallel_loop3A_285 = arith.addf %parallel_loop3A_284, %parallel_loop3A_159 : vector<16xf32>
        %parallel_loop3A_286 = arith.constant 10 : i32
        %parallel_loop3A_287 = arith.index_cast %parallel_loop3A_286 : i32 to index
        %parallel_loop3A_288 = arith.index_cast %parallel_loop3A_155 : i32 to index
        %parallel_loop3A_289 = tpu.vector_load %arg11[%parallel_loop3A_287, %parallel_loop3A_288] {strides = array<i32>} : memref<32x768xf32, #tpu.memory_space<vmem>>, vector<1x16xf32>,
        %parallel_loop3A_290 = vector.shape_cast %parallel_loop3A_289 : vector<1x16xf32> to vector<16xf32>
        %parallel_loop3A_291 = vector.shape_cast %parallel_loop3A_285 : vector<16xf32> to vector<1x16xf32>
        tpu.vector_store %arg11[%parallel_loop3A_287, %parallel_loop3A_288], %parallel_loop3A_291 {strides = array<i32>} : memref<32x768xf32, #tpu.memory_space<vmem>>, vector<1x16xf32>,
        %parallel_loop3A_292 = arith.constant 11 : i32
        %parallel_loop3A_293 = arith.index_cast %parallel_loop3A_292 : i32 to index
        %parallel_loop3A_294 = arith.index_cast %parallel_loop3A_155 : i32 to index
        %parallel_loop3A_295 = tpu.vector_load %arg11[%parallel_loop3A_293, %parallel_loop3A_294] {strides = array<i32>} : memref<32x768xf32, #tpu.memory_space<vmem>>, vector<1x16xf32>,
        %parallel_loop3A_296 = vector.shape_cast %parallel_loop3A_295 : vector<1x16xf32> to vector<16xf32>
        %parallel_loop3A_297 = arith.addf %parallel_loop3A_296, %parallel_loop3A_159 : vector<16xf32>
        %parallel_loop3A_298 = arith.constant 11 : i32
        %parallel_loop3A_299 = arith.index_cast %parallel_loop3A_298 : i32 to index
        %parallel_loop3A_300 = arith.index_cast %parallel_loop3A_155 : i32 to index
        %parallel_loop3A_301 = tpu.vector_load %arg11[%parallel_loop3A_299, %parallel_loop3A_300] {strides = array<i32>} : memref<32x768xf32, #tpu.memory_space<vmem>>, vector<1x16xf32>,
        %parallel_loop3A_302 = vector.shape_cast %parallel_loop3A_301 : vector<1x16xf32> to vector<16xf32>
        %parallel_loop3A_303 = vector.shape_cast %parallel_loop3A_297 : vector<16xf32> to vector<1x16xf32>
        tpu.vector_store %arg11[%parallel_loop3A_299, %parallel_loop3A_300], %parallel_loop3A_303 {strides = array<i32>} : memref<32x768xf32, #tpu.memory_space<vmem>>, vector<1x16xf32>,
        %parallel_loop3A_304 = arith.constant 12 : i32
        %parallel_loop3A_305 = arith.index_cast %parallel_loop3A_304 : i32 to index
        %parallel_loop3A_306 = arith.index_cast %parallel_loop3A_155 : i32 to index
        %parallel_loop3A_307 = tpu.vector_load %arg11[%parallel_loop3A_305, %parallel_loop3A_306] {strides = array<i32>} : memref<32x768xf32, #tpu.memory_space<vmem>>, vector<1x16xf32>,
        %parallel_loop3A_308 = vector.shape_cast %parallel_loop3A_307 : vector<1x16xf32> to vector<16xf32>
        %parallel_loop3A_309 = arith.addf %parallel_loop3A_308, %parallel_loop3A_159 : vector<16xf32>
        %parallel_loop3A_310 = arith.constant 12 : i32
        %parallel_loop3A_311 = arith.index_cast %parallel_loop3A_310 : i32 to index
        %parallel_loop3A_312 = arith.index_cast %parallel_loop3A_155 : i32 to index
        %parallel_loop3A_313 = tpu.vector_load %arg11[%parallel_loop3A_311, %parallel_loop3A_312] {strides = array<i32>} : memref<32x768xf32, #tpu.memory_space<vmem>>, vector<1x16xf32>,
        %parallel_loop3A_314 = vector.shape_cast %parallel_loop3A_313 : vector<1x16xf32> to vector<16xf32>
        %parallel_loop3A_315 = vector.shape_cast %parallel_loop3A_309 : vector<16xf32> to vector<1x16xf32>
        tpu.vector_store %arg11[%parallel_loop3A_311, %parallel_loop3A_312], %parallel_loop3A_315 {strides = array<i32>} : memref<32x768xf32, #tpu.memory_space<vmem>>, vector<1x16xf32>,
        %parallel_loop3A_316 = arith.constant 13 : i32
        %parallel_loop3A_317 = arith.index_cast %parallel_loop3A_316 : i32 to index
        %parallel_loop3A_318 = arith.index_cast %parallel_loop3A_155 : i32 to index
        %parallel_loop3A_319 = tpu.vector_load %arg11[%parallel_loop3A_317, %parallel_loop3A_318] {strides = array<i32>} : memref<32x768xf32, #tpu.memory_space<vmem>>, vector<1x16xf32>,
        %parallel_loop3A_320 = vector.shape_cast %parallel_loop3A_319 : vector<1x16xf32> to vector<16xf32>
        %parallel_loop3A_321 = arith.addf %parallel_loop3A_320, %parallel_loop3A_159 : vector<16xf32>
        %parallel_loop3A_322 = arith.constant 13 : i32
        %parallel_loop3A_323 = arith.index_cast %parallel_loop3A_322 : i32 to index
        %parallel_loop3A_324 = arith.index_cast %parallel_loop3A_155 : i32 to index
        %parallel_loop3A_325 = tpu.vector_load %arg11[%parallel_loop3A_323, %parallel_loop3A_324] {strides = array<i32>} : memref<32x768xf32, #tpu.memory_space<vmem>>, vector<1x16xf32>,
        %parallel_loop3A_326 = vector.shape_cast %parallel_loop3A_325 : vector<1x16xf32> to vector<16xf32>
        %parallel_loop3A_327 = vector.shape_cast %parallel_loop3A_321 : vector<16xf32> to vector<1x16xf32>
        tpu.vector_store %arg11[%parallel_loop3A_323, %parallel_loop3A_324], %parallel_loop3A_327 {strides = array<i32>} : memref<32x768xf32, #tpu.memory_space<vmem>>, vector<1x16xf32>,
        %parallel_loop3A_328 = arith.constant 14 : i32
        %parallel_loop3A_329 = arith.index_cast %parallel_loop3A_328 : i32 to index
        %parallel_loop3A_330 = arith.index_cast %parallel_loop3A_155 : i32 to index
        %parallel_loop3A_331 = tpu.vector_load %arg11[%parallel_loop3A_329, %parallel_loop3A_330] {strides = array<i32>} : memref<32x768xf32, #tpu.memory_space<vmem>>, vector<1x16xf32>,
        %parallel_loop3A_332 = vector.shape_cast %parallel_loop3A_331 : vector<1x16xf32> to vector<16xf32>
        %parallel_loop3A_333 = arith.addf %parallel_loop3A_332, %parallel_loop3A_159 : vector<16xf32>
        %parallel_loop3A_334 = arith.constant 14 : i32
        %parallel_loop3A_335 = arith.index_cast %parallel_loop3A_334 : i32 to index
        %parallel_loop3A_336 = arith.index_cast %parallel_loop3A_155 : i32 to index
        %parallel_loop3A_337 = tpu.vector_load %arg11[%parallel_loop3A_335, %parallel_loop3A_336] {strides = array<i32>} : memref<32x768xf32, #tpu.memory_space<vmem>>, vector<1x16xf32>,
        %parallel_loop3A_338 = vector.shape_cast %parallel_loop3A_337 : vector<1x16xf32> to vector<16xf32>
        %parallel_loop3A_339 = vector.shape_cast %parallel_loop3A_333 : vector<16xf32> to vector<1x16xf32>
        tpu.vector_store %arg11[%parallel_loop3A_335, %parallel_loop3A_336], %parallel_loop3A_339 {strides = array<i32>} : memref<32x768xf32, #tpu.memory_space<vmem>>, vector<1x16xf32>,
        %parallel_loop3A_340 = arith.constant 15 : i32
        %parallel_loop3A_341 = arith.index_cast %parallel_loop3A_340 : i32 to index
        %parallel_loop3A_342 = arith.index_cast %parallel_loop3A_155 : i32 to index
        %parallel_loop3A_343 = tpu.vector_load %arg11[%parallel_loop3A_341, %parallel_loop3A_342] {strides = array<i32>} : memref<32x768xf32, #tpu.memory_space<vmem>>, vector<1x16xf32>,
        %parallel_loop3A_344 = vector.shape_cast %parallel_loop3A_343 : vector<1x16xf32> to vector<16xf32>
        %parallel_loop3A_345 = arith.addf %parallel_loop3A_344, %parallel_loop3A_159 : vector<16xf32>
        %parallel_loop3A_346 = arith.constant 15 : i32
        %parallel_loop3A_347 = arith.index_cast %parallel_loop3A_346 : i32 to index
        %parallel_loop3A_348 = arith.index_cast %parallel_loop3A_155 : i32 to index
        %parallel_loop3A_349 = tpu.vector_load %arg11[%parallel_loop3A_347, %parallel_loop3A_348] {strides = array<i32>} : memref<32x768xf32, #tpu.memory_space<vmem>>, vector<1x16xf32>,
        %parallel_loop3A_350 = vector.shape_cast %parallel_loop3A_349 : vector<1x16xf32> to vector<16xf32>
        %parallel_loop3A_351 = vector.shape_cast %parallel_loop3A_345 : vector<16xf32> to vector<1x16xf32>
        tpu.vector_store %arg11[%parallel_loop3A_347, %parallel_loop3A_348], %parallel_loop3A_351 {strides = array<i32>} : memref<32x768xf32, #tpu.memory_space<vmem>>, vector<1x16xf32>,
        %parallel_loop3A_352 = arith.constant 16 : i32
        %parallel_loop3A_353 = arith.index_cast %parallel_loop3A_352 : i32 to index
        %parallel_loop3A_354 = arith.index_cast %parallel_loop3A_155 : i32 to index
        %parallel_loop3A_355 = tpu.vector_load %arg11[%parallel_loop3A_353, %parallel_loop3A_354] {strides = array<i32>} : memref<32x768xf32, #tpu.memory_space<vmem>>, vector<1x16xf32>,
        %parallel_loop3A_356 = vector.shape_cast %parallel_loop3A_355 : vector<1x16xf32> to vector<16xf32>
        %parallel_loop3A_357 = arith.addf %parallel_loop3A_356, %parallel_loop3A_159 : vector<16xf32>
        %parallel_loop3A_358 = arith.constant 16 : i32
        %parallel_loop3A_359 = arith.index_cast %parallel_loop3A_358 : i32 to index
        %parallel_loop3A_360 = arith.index_cast %parallel_loop3A_155 : i32 to index
        %parallel_loop3A_361 = tpu.vector_load %arg11[%parallel_loop3A_359, %parallel_loop3A_360] {strides = array<i32>} : memref<32x768xf32, #tpu.memory_space<vmem>>, vector<1x16xf32>,
        %parallel_loop3A_362 = vector.shape_cast %parallel_loop3A_361 : vector<1x16xf32> to vector<16xf32>
        %parallel_loop3A_363 = vector.shape_cast %parallel_loop3A_357 : vector<16xf32> to vector<1x16xf32>
        tpu.vector_store %arg11[%parallel_loop3A_359, %parallel_loop3A_360], %parallel_loop3A_363 {strides = array<i32>} : memref<32x768xf32, #tpu.memory_space<vmem>>, vector<1x16xf32>,
        %parallel_loop3A_364 = arith.constant 17 : i32
        %parallel_loop3A_365 = arith.index_cast %parallel_loop3A_364 : i32 to index
        %parallel_loop3A_366 = arith.index_cast %parallel_loop3A_155 : i32 to index
        %parallel_loop3A_367 = tpu.vector_load %arg11[%parallel_loop3A_365, %parallel_loop3A_366] {strides = array<i32>} : memref<32x768xf32, #tpu.memory_space<vmem>>, vector<1x16xf32>,
        %parallel_loop3A_368 = vector.shape_cast %parallel_loop3A_367 : vector<1x16xf32> to vector<16xf32>
        %parallel_loop3A_369 = arith.addf %parallel_loop3A_368, %parallel_loop3A_159 : vector<16xf32>
        %parallel_loop3A_370 = arith.constant 17 : i32
        %parallel_loop3A_371 = arith.index_cast %parallel_loop3A_370 : i32 to index
        %parallel_loop3A_372 = arith.index_cast %parallel_loop3A_155 : i32 to index
        %parallel_loop3A_373 = tpu.vector_load %arg11[%parallel_loop3A_371, %parallel_loop3A_372] {strides = array<i32>} : memref<32x768xf32, #tpu.memory_space<vmem>>, vector<1x16xf32>,
        %parallel_loop3A_374 = vector.shape_cast %parallel_loop3A_373 : vector<1x16xf32> to vector<16xf32>
        %parallel_loop3A_375 = vector.shape_cast %parallel_loop3A_369 : vector<16xf32> to vector<1x16xf32>
        tpu.vector_store %arg11[%parallel_loop3A_371, %parallel_loop3A_372], %parallel_loop3A_375 {strides = array<i32>} : memref<32x768xf32, #tpu.memory_space<vmem>>, vector<1x16xf32>,
        %parallel_loop3A_376 = arith.constant 18 : i32
        %parallel_loop3A_377 = arith.index_cast %parallel_loop3A_376 : i32 to index
        %parallel_loop3A_378 = arith.index_cast %parallel_loop3A_155 : i32 to index
        %parallel_loop3A_379 = tpu.vector_load %arg11[%parallel_loop3A_377, %parallel_loop3A_378] {strides = array<i32>} : memref<32x768xf32, #tpu.memory_space<vmem>>, vector<1x16xf32>,
        %parallel_loop3A_380 = vector.shape_cast %parallel_loop3A_379 : vector<1x16xf32> to vector<16xf32>
        %parallel_loop3A_381 = arith.addf %parallel_loop3A_380, %parallel_loop3A_159 : vector<16xf32>
        %parallel_loop3A_382 = arith.constant 18 : i32
        %parallel_loop3A_383 = arith.index_cast %parallel_loop3A_382 : i32 to index
        %parallel_loop3A_384 = arith.index_cast %parallel_loop3A_155 : i32 to index
        %parallel_loop3A_385 = tpu.vector_load %arg11[%parallel_loop3A_383, %parallel_loop3A_384] {strides = array<i32>} : memref<32x768xf32, #tpu.memory_space<vmem>>, vector<1x16xf32>,
        %parallel_loop3A_386 = vector.shape_cast %parallel_loop3A_385 : vector<1x16xf32> to vector<16xf32>
        %parallel_loop3A_387 = vector.shape_cast %parallel_loop3A_381 : vector<16xf32> to vector<1x16xf32>
        tpu.vector_store %arg11[%parallel_loop3A_383, %parallel_loop3A_384], %parallel_loop3A_387 {strides = array<i32>} : memref<32x768xf32, #tpu.memory_space<vmem>>, vector<1x16xf32>,
        %parallel_loop3A_388 = arith.constant 19 : i32
        %parallel_loop3A_389 = arith.index_cast %parallel_loop3A_388 : i32 to index
        %parallel_loop3A_390 = arith.index_cast %parallel_loop3A_155 : i32 to index
        %parallel_loop3A_391 = tpu.vector_load %arg11[%parallel_loop3A_389, %parallel_loop3A_390] {strides = array<i32>} : memref<32x768xf32, #tpu.memory_space<vmem>>, vector<1x16xf32>,
        %parallel_loop3A_392 = vector.shape_cast %parallel_loop3A_391 : vector<1x16xf32> to vector<16xf32>
        %parallel_loop3A_393 = arith.addf %parallel_loop3A_392, %parallel_loop3A_159 : vector<16xf32>
        %parallel_loop3A_394 = arith.constant 19 : i32
        %parallel_loop3A_395 = arith.index_cast %parallel_loop3A_394 : i32 to index
        %parallel_loop3A_396 = arith.index_cast %parallel_loop3A_155 : i32 to index
        %parallel_loop3A_397 = tpu.vector_load %arg11[%parallel_loop3A_395, %parallel_loop3A_396] {strides = array<i32>} : memref<32x768xf32, #tpu.memory_space<vmem>>, vector<1x16xf32>,
        %parallel_loop3A_398 = vector.shape_cast %parallel_loop3A_397 : vector<1x16xf32> to vector<16xf32>
        %parallel_loop3A_399 = vector.shape_cast %parallel_loop3A_393 : vector<16xf32> to vector<1x16xf32>
        tpu.vector_store %arg11[%parallel_loop3A_395, %parallel_loop3A_396], %parallel_loop3A_399 {strides = array<i32>} : memref<32x768xf32, #tpu.memory_space<vmem>>, vector<1x16xf32>,
        %parallel_loop3A_400 = arith.constant 20 : i32
        %parallel_loop3A_401 = arith.index_cast %parallel_loop3A_400 : i32 to index
        %parallel_loop3A_402 = arith.index_cast %parallel_loop3A_155 : i32 to index
        %parallel_loop3A_403 = tpu.vector_load %arg11[%parallel_loop3A_401, %parallel_loop3A_402] {strides = array<i32>} : memref<32x768xf32, #tpu.memory_space<vmem>>, vector<1x16xf32>,
        %parallel_loop3A_404 = vector.shape_cast %parallel_loop3A_403 : vector<1x16xf32> to vector<16xf32>
        %parallel_loop3A_405 = arith.addf %parallel_loop3A_404, %parallel_loop3A_159 : vector<16xf32>
        %parallel_loop3A_406 = arith.constant 20 : i32
        %parallel_loop3A_407 = arith.index_cast %parallel_loop3A_406 : i32 to index
        %parallel_loop3A_408 = arith.index_cast %parallel_loop3A_155 : i32 to index
        %parallel_loop3A_409 = tpu.vector_load %arg11[%parallel_loop3A_407, %parallel_loop3A_408] {strides = array<i32>} : memref<32x768xf32, #tpu.memory_space<vmem>>, vector<1x16xf32>,
        %parallel_loop3A_410 = vector.shape_cast %parallel_loop3A_409 : vector<1x16xf32> to vector<16xf32>
        %parallel_loop3A_411 = vector.shape_cast %parallel_loop3A_405 : vector<16xf32> to vector<1x16xf32>
        tpu.vector_store %arg11[%parallel_loop3A_407, %parallel_loop3A_408], %parallel_loop3A_411 {strides = array<i32>} : memref<32x768xf32, #tpu.memory_space<vmem>>, vector<1x16xf32>,
        %parallel_loop3A_412 = arith.constant 21 : i32
        %parallel_loop3A_413 = arith.index_cast %parallel_loop3A_412 : i32 to index
        %parallel_loop3A_414 = arith.index_cast %parallel_loop3A_155 : i32 to index
        %parallel_loop3A_415 = tpu.vector_load %arg11[%parallel_loop3A_413, %parallel_loop3A_414] {strides = array<i32>} : memref<32x768xf32, #tpu.memory_space<vmem>>, vector<1x16xf32>,
        %parallel_loop3A_416 = vector.shape_cast %parallel_loop3A_415 : vector<1x16xf32> to vector<16xf32>
        %parallel_loop3A_417 = arith.addf %parallel_loop3A_416, %parallel_loop3A_159 : vector<16xf32>
        %parallel_loop3A_418 = arith.constant 21 : i32
        %parallel_loop3A_419 = arith.index_cast %parallel_loop3A_418 : i32 to index
        %parallel_loop3A_420 = arith.index_cast %parallel_loop3A_155 : i32 to index
        %parallel_loop3A_421 = tpu.vector_load %arg11[%parallel_loop3A_419, %parallel_loop3A_420] {strides = array<i32>} : memref<32x768xf32, #tpu.memory_space<vmem>>, vector<1x16xf32>,
        %parallel_loop3A_422 = vector.shape_cast %parallel_loop3A_421 : vector<1x16xf32> to vector<16xf32>
        %parallel_loop3A_423 = vector.shape_cast %parallel_loop3A_417 : vector<16xf32> to vector<1x16xf32>
        tpu.vector_store %arg11[%parallel_loop3A_419, %parallel_loop3A_420], %parallel_loop3A_423 {strides = array<i32>} : memref<32x768xf32, #tpu.memory_space<vmem>>, vector<1x16xf32>,
        %parallel_loop3A_424 = arith.constant 22 : i32
        %parallel_loop3A_425 = arith.index_cast %parallel_loop3A_424 : i32 to index
        %parallel_loop3A_426 = arith.index_cast %parallel_loop3A_155 : i32 to index
        %parallel_loop3A_427 = tpu.vector_load %arg11[%parallel_loop3A_425, %parallel_loop3A_426] {strides = array<i32>} : memref<32x768xf32, #tpu.memory_space<vmem>>, vector<1x16xf32>,
        %parallel_loop3A_428 = vector.shape_cast %parallel_loop3A_427 : vector<1x16xf32> to vector<16xf32>
        %parallel_loop3A_429 = arith.addf %parallel_loop3A_428, %parallel_loop3A_159 : vector<16xf32>
        %parallel_loop3A_430 = arith.constant 22 : i32
        %parallel_loop3A_431 = arith.index_cast %parallel_loop3A_430 : i32 to index
        %parallel_loop3A_432 = arith.index_cast %parallel_loop3A_155 : i32 to index
        %parallel_loop3A_433 = tpu.vector_load %arg11[%parallel_loop3A_431, %parallel_loop3A_432] {strides = array<i32>} : memref<32x768xf32, #tpu.memory_space<vmem>>, vector<1x16xf32>,
        %parallel_loop3A_434 = vector.shape_cast %parallel_loop3A_433 : vector<1x16xf32> to vector<16xf32>
        %parallel_loop3A_435 = vector.shape_cast %parallel_loop3A_429 : vector<16xf32> to vector<1x16xf32>
        tpu.vector_store %arg11[%parallel_loop3A_431, %parallel_loop3A_432], %parallel_loop3A_435 {strides = array<i32>} : memref<32x768xf32, #tpu.memory_space<vmem>>, vector<1x16xf32>,
        %parallel_loop3A_436 = arith.constant 23 : i32
        %parallel_loop3A_437 = arith.index_cast %parallel_loop3A_436 : i32 to index
        %parallel_loop3A_438 = arith.index_cast %parallel_loop3A_155 : i32 to index
        %parallel_loop3A_439 = tpu.vector_load %arg11[%parallel_loop3A_437, %parallel_loop3A_438] {strides = array<i32>} : memref<32x768xf32, #tpu.memory_space<vmem>>, vector<1x16xf32>,
        %parallel_loop3A_440 = vector.shape_cast %parallel_loop3A_439 : vector<1x16xf32> to vector<16xf32>
        %parallel_loop3A_441 = arith.addf %parallel_loop3A_440, %parallel_loop3A_159 : vector<16xf32>
        %parallel_loop3A_442 = arith.constant 23 : i32
        %parallel_loop3A_443 = arith.index_cast %parallel_loop3A_442 : i32 to index
        %parallel_loop3A_444 = arith.index_cast %parallel_loop3A_155 : i32 to index
        %parallel_loop3A_445 = tpu.vector_load %arg11[%parallel_loop3A_443, %parallel_loop3A_444] {strides = array<i32>} : memref<32x768xf32, #tpu.memory_space<vmem>>, vector<1x16xf32>,
        %parallel_loop3A_446 = vector.shape_cast %parallel_loop3A_445 : vector<1x16xf32> to vector<16xf32>
        %parallel_loop3A_447 = vector.shape_cast %parallel_loop3A_441 : vector<16xf32> to vector<1x16xf32>
        tpu.vector_store %arg11[%parallel_loop3A_443, %parallel_loop3A_444], %parallel_loop3A_447 {strides = array<i32>} : memref<32x768xf32, #tpu.memory_space<vmem>>, vector<1x16xf32>,
        %parallel_loop3A_448 = arith.constant 24 : i32
        %parallel_loop3A_449 = arith.index_cast %parallel_loop3A_448 : i32 to index
        %parallel_loop3A_450 = arith.index_cast %parallel_loop3A_155 : i32 to index
        %parallel_loop3A_451 = tpu.vector_load %arg11[%parallel_loop3A_449, %parallel_loop3A_450] {strides = array<i32>} : memref<32x768xf32, #tpu.memory_space<vmem>>, vector<1x16xf32>,
        %parallel_loop3A_452 = vector.shape_cast %parallel_loop3A_451 : vector<1x16xf32> to vector<16xf32>
        %parallel_loop3A_453 = arith.addf %parallel_loop3A_452, %parallel_loop3A_159 : vector<16xf32>
        %parallel_loop3A_454 = arith.constant 24 : i32
        %parallel_loop3A_455 = arith.index_cast %parallel_loop3A_454 : i32 to index
        %parallel_loop3A_456 = arith.index_cast %parallel_loop3A_155 : i32 to index
        %parallel_loop3A_457 = tpu.vector_load %arg11[%parallel_loop3A_455, %parallel_loop3A_456] {strides = array<i32>} : memref<32x768xf32, #tpu.memory_space<vmem>>, vector<1x16xf32>,
        %parallel_loop3A_458 = vector.shape_cast %parallel_loop3A_457 : vector<1x16xf32> to vector<16xf32>
        %parallel_loop3A_459 = vector.shape_cast %parallel_loop3A_453 : vector<16xf32> to vector<1x16xf32>
        tpu.vector_store %arg11[%parallel_loop3A_455, %parallel_loop3A_456], %parallel_loop3A_459 {strides = array<i32>} : memref<32x768xf32, #tpu.memory_space<vmem>>, vector<1x16xf32>,
        %parallel_loop3A_460 = arith.constant 25 : i32
        %parallel_loop3A_461 = arith.index_cast %parallel_loop3A_460 : i32 to index
        %parallel_loop3A_462 = arith.index_cast %parallel_loop3A_155 : i32 to index
        %parallel_loop3A_463 = tpu.vector_load %arg11[%parallel_loop3A_461, %parallel_loop3A_462] {strides = array<i32>} : memref<32x768xf32, #tpu.memory_space<vmem>>, vector<1x16xf32>,
        %parallel_loop3A_464 = vector.shape_cast %parallel_loop3A_463 : vector<1x16xf32> to vector<16xf32>
        %parallel_loop3A_465 = arith.addf %parallel_loop3A_464, %parallel_loop3A_159 : vector<16xf32>
        %parallel_loop3A_466 = arith.constant 25 : i32
        %parallel_loop3A_467 = arith.index_cast %parallel_loop3A_466 : i32 to index
        %parallel_loop3A_468 = arith.index_cast %parallel_loop3A_155 : i32 to index
        %parallel_loop3A_469 = tpu.vector_load %arg11[%parallel_loop3A_467, %parallel_loop3A_468] {strides = array<i32>} : memref<32x768xf32, #tpu.memory_space<vmem>>, vector<1x16xf32>,
        %parallel_loop3A_470 = vector.shape_cast %parallel_loop3A_469 : vector<1x16xf32> to vector<16xf32>
        %parallel_loop3A_471 = vector.shape_cast %parallel_loop3A_465 : vector<16xf32> to vector<1x16xf32>
        tpu.vector_store %arg11[%parallel_loop3A_467, %parallel_loop3A_468], %parallel_loop3A_471 {strides = array<i32>} : memref<32x768xf32, #tpu.memory_space<vmem>>, vector<1x16xf32>,
        %parallel_loop3A_472 = arith.constant 26 : i32
        %parallel_loop3A_473 = arith.index_cast %parallel_loop3A_472 : i32 to index
        %parallel_loop3A_474 = arith.index_cast %parallel_loop3A_155 : i32 to index
        %parallel_loop3A_475 = tpu.vector_load %arg11[%parallel_loop3A_473, %parallel_loop3A_474] {strides = array<i32>} : memref<32x768xf32, #tpu.memory_space<vmem>>, vector<1x16xf32>,
        %parallel_loop3A_476 = vector.shape_cast %parallel_loop3A_475 : vector<1x16xf32> to vector<16xf32>
        %parallel_loop3A_477 = arith.addf %parallel_loop3A_476, %parallel_loop3A_159 : vector<16xf32>
        %parallel_loop3A_478 = arith.constant 26 : i32
        %parallel_loop3A_479 = arith.index_cast %parallel_loop3A_478 : i32 to index
        %parallel_loop3A_480 = arith.index_cast %parallel_loop3A_155 : i32 to index
        %parallel_loop3A_481 = tpu.vector_load %arg11[%parallel_loop3A_479, %parallel_loop3A_480] {strides = array<i32>} : memref<32x768xf32, #tpu.memory_space<vmem>>, vector<1x16xf32>,
        %parallel_loop3A_482 = vector.shape_cast %parallel_loop3A_481 : vector<1x16xf32> to vector<16xf32>
        %parallel_loop3A_483 = vector.shape_cast %parallel_loop3A_477 : vector<16xf32> to vector<1x16xf32>
        tpu.vector_store %arg11[%parallel_loop3A_479, %parallel_loop3A_480], %parallel_loop3A_483 {strides = array<i32>} : memref<32x768xf32, #tpu.memory_space<vmem>>, vector<1x16xf32>,
        %parallel_loop3A_484 = arith.constant 27 : i32
        %parallel_loop3A_485 = arith.index_cast %parallel_loop3A_484 : i32 to index
        %parallel_loop3A_486 = arith.index_cast %parallel_loop3A_155 : i32 to index
        %parallel_loop3A_487 = tpu.vector_load %arg11[%parallel_loop3A_485, %parallel_loop3A_486] {strides = array<i32>} : memref<32x768xf32, #tpu.memory_space<vmem>>, vector<1x16xf32>,
        %parallel_loop3A_488 = vector.shape_cast %parallel_loop3A_487 : vector<1x16xf32> to vector<16xf32>
        %parallel_loop3A_489 = arith.addf %parallel_loop3A_488, %parallel_loop3A_159 : vector<16xf32>
        %parallel_loop3A_490 = arith.constant 27 : i32
        %parallel_loop3A_491 = arith.index_cast %parallel_loop3A_490 : i32 to index
        %parallel_loop3A_492 = arith.index_cast %parallel_loop3A_155 : i32 to index
        %parallel_loop3A_493 = tpu.vector_load %arg11[%parallel_loop3A_491, %parallel_loop3A_492] {strides = array<i32>} : memref<32x768xf32, #tpu.memory_space<vmem>>, vector<1x16xf32>,
        %parallel_loop3A_494 = vector.shape_cast %parallel_loop3A_493 : vector<1x16xf32> to vector<16xf32>
        %parallel_loop3A_495 = vector.shape_cast %parallel_loop3A_489 : vector<16xf32> to vector<1x16xf32>
        tpu.vector_store %arg11[%parallel_loop3A_491, %parallel_loop3A_492], %parallel_loop3A_495 {strides = array<i32>} : memref<32x768xf32, #tpu.memory_space<vmem>>, vector<1x16xf32>,
        %parallel_loop3A_496 = arith.constant 28 : i32
        %parallel_loop3A_497 = arith.index_cast %parallel_loop3A_496 : i32 to index
        %parallel_loop3A_498 = arith.index_cast %parallel_loop3A_155 : i32 to index
        %parallel_loop3A_499 = tpu.vector_load %arg11[%parallel_loop3A_497, %parallel_loop3A_498] {strides = array<i32>} : memref<32x768xf32, #tpu.memory_space<vmem>>, vector<1x16xf32>,
        %parallel_loop3A_500 = vector.shape_cast %parallel_loop3A_499 : vector<1x16xf32> to vector<16xf32>
        %parallel_loop3A_501 = arith.addf %parallel_loop3A_500, %parallel_loop3A_159 : vector<16xf32>
        %parallel_loop3A_502 = arith.constant 28 : i32
        %parallel_loop3A_503 = arith.index_cast %parallel_loop3A_502 : i32 to index
        %parallel_loop3A_504 = arith.index_cast %parallel_loop3A_155 : i32 to index
        %parallel_loop3A_505 = tpu.vector_load %arg11[%parallel_loop3A_503, %parallel_loop3A_504] {strides = array<i32>} : memref<32x768xf32, #tpu.memory_space<vmem>>, vector<1x16xf32>,
        %parallel_loop3A_506 = vector.shape_cast %parallel_loop3A_505 : vector<1x16xf32> to vector<16xf32>
        %parallel_loop3A_507 = vector.shape_cast %parallel_loop3A_501 : vector<16xf32> to vector<1x16xf32>
        tpu.vector_store %arg11[%parallel_loop3A_503, %parallel_loop3A_504], %parallel_loop3A_507 {strides = array<i32>} : memref<32x768xf32, #tpu.memory_space<vmem>>, vector<1x16xf32>,
        %parallel_loop3A_508 = arith.constant 29 : i32
        %parallel_loop3A_509 = arith.index_cast %parallel_loop3A_508 : i32 to index
        %parallel_loop3A_510 = arith.index_cast %parallel_loop3A_155 : i32 to index
        %parallel_loop3A_511 = tpu.vector_load %arg11[%parallel_loop3A_509, %parallel_loop3A_510] {strides = array<i32>} : memref<32x768xf32, #tpu.memory_space<vmem>>, vector<1x16xf32>,
        %parallel_loop3A_512 = vector.shape_cast %parallel_loop3A_511 : vector<1x16xf32> to vector<16xf32>
        %parallel_loop3A_513 = arith.addf %parallel_loop3A_512, %parallel_loop3A_159 : vector<16xf32>
        %parallel_loop3A_514 = arith.constant 29 : i32
        %parallel_loop3A_515 = arith.index_cast %parallel_loop3A_514 : i32 to index
        %parallel_loop3A_516 = arith.index_cast %parallel_loop3A_155 : i32 to index
        %parallel_loop3A_517 = tpu.vector_load %arg11[%parallel_loop3A_515, %parallel_loop3A_516] {strides = array<i32>} : memref<32x768xf32, #tpu.memory_space<vmem>>, vector<1x16xf32>,
        %parallel_loop3A_518 = vector.shape_cast %parallel_loop3A_517 : vector<1x16xf32> to vector<16xf32>
        %parallel_loop3A_519 = vector.shape_cast %parallel_loop3A_513 : vector<16xf32> to vector<1x16xf32>
        tpu.vector_store %arg11[%parallel_loop3A_515, %parallel_loop3A_516], %parallel_loop3A_519 {strides = array<i32>} : memref<32x768xf32, #tpu.memory_space<vmem>>, vector<1x16xf32>,
        %parallel_loop3A_520 = arith.constant 30 : i32
        %parallel_loop3A_521 = arith.index_cast %parallel_loop3A_520 : i32 to index
        %parallel_loop3A_522 = arith.index_cast %parallel_loop3A_155 : i32 to index
        %parallel_loop3A_523 = tpu.vector_load %arg11[%parallel_loop3A_521, %parallel_loop3A_522] {strides = array<i32>} : memref<32x768xf32, #tpu.memory_space<vmem>>, vector<1x16xf32>,
        %parallel_loop3A_524 = vector.shape_cast %parallel_loop3A_523 : vector<1x16xf32> to vector<16xf32>
        %parallel_loop3A_525 = arith.addf %parallel_loop3A_524, %parallel_loop3A_159 : vector<16xf32>
        %parallel_loop3A_526 = arith.constant 30 : i32
        %parallel_loop3A_527 = arith.index_cast %parallel_loop3A_526 : i32 to index
        %parallel_loop3A_528 = arith.index_cast %parallel_loop3A_155 : i32 to index
        %parallel_loop3A_529 = tpu.vector_load %arg11[%parallel_loop3A_527, %parallel_loop3A_528] {strides = array<i32>} : memref<32x768xf32, #tpu.memory_space<vmem>>, vector<1x16xf32>,
        %parallel_loop3A_530 = vector.shape_cast %parallel_loop3A_529 : vector<1x16xf32> to vector<16xf32>
        %parallel_loop3A_531 = vector.shape_cast %parallel_loop3A_525 : vector<16xf32> to vector<1x16xf32>
        tpu.vector_store %arg11[%parallel_loop3A_527, %parallel_loop3A_528], %parallel_loop3A_531 {strides = array<i32>} : memref<32x768xf32, #tpu.memory_space<vmem>>, vector<1x16xf32>,
        %parallel_loop3A_532 = arith.constant 31 : i32
        %parallel_loop3A_533 = arith.index_cast %parallel_loop3A_532 : i32 to index
        %parallel_loop3A_534 = arith.index_cast %parallel_loop3A_155 : i32 to index
        %parallel_loop3A_535 = tpu.vector_load %arg11[%parallel_loop3A_533, %parallel_loop3A_534] {strides = array<i32>} : memref<32x768xf32, #tpu.memory_space<vmem>>, vector<1x16xf32>,
        %parallel_loop3A_536 = vector.shape_cast %parallel_loop3A_535 : vector<1x16xf32> to vector<16xf32>
        %parallel_loop3A_537 = arith.addf %parallel_loop3A_536, %parallel_loop3A_159 : vector<16xf32>
        %parallel_loop3A_538 = arith.constant 31 : i32
        %parallel_loop3A_539 = arith.index_cast %parallel_loop3A_538 : i32 to index
        %parallel_loop3A_540 = arith.index_cast %parallel_loop3A_155 : i32 to index
        %parallel_loop3A_541 = tpu.vector_load %arg11[%parallel_loop3A_539, %parallel_loop3A_540] {strides = array<i32>} : memref<32x768xf32, #tpu.memory_space<vmem>>, vector<1x16xf32>,
        %parallel_loop3A_542 = vector.shape_cast %parallel_loop3A_541 : vector<1x16xf32> to vector<16xf32>
        %parallel_loop3A_543 = vector.shape_cast %parallel_loop3A_537 : vector<16xf32> to vector<1x16xf32>
        tpu.vector_store %arg11[%parallel_loop3A_539, %parallel_loop3A_540], %parallel_loop3A_543 {strides = array<i32>} : memref<32x768xf32, #tpu.memory_space<vmem>>, vector<1x16xf32>,
      } {sc.loop_unroll_factor = 1 : i64, sc.parallel_access}
      %dma_start3A_85 = arith.constant 0 : i32
      %dma_start3A_86 = tpu.memref_slice %arg8[%add3A_63, %dma_start3A_85] : memref<32x32xi32, #tpu.memory_space<vmem>> -> memref<1x32xi32, #tpu.memory_space<vmem>>
      %dma_start3A_87 = tpu.memref_squeeze %dma_start3A_86 : memref<1x32xi32, #tpu.memory_space<vmem>> -> memref<32xi32, #tpu.memory_space<vmem>>
      %dma_start3A_88 = arith.constant 0 : i32
      %dma_start3A_89 = arith.constant 0 : i32
      %dma_start3A_90 = tpu.memref_slice %arg6[%dma_start3A_88, %dma_start3A_89] : memref<32768x768xf32, #tpu.memory_space<hbm>> -> memref<32768x768xf32, #tpu.memory_space<hbm>>
      tpu.enqueue_indirect_dma source(%arg11 : memref<32x768xf32, #tpu.memory_space<vmem>>) target(%dma_start3A_90 : memref<32768x768xf32, #tpu.memory_space<hbm>>) offsets(%dma_start3A_87 : memref<32xi32, #tpu.memory_space<vmem>>) semaphore(%arg19 : memref<!tpu.dma_semaphore, #tpu.memory_space<semaphore_mem>>)
      %mul3A_91 = arith.constant 4 : i32
      %mul3A_92 = arith.muli %scan3A_33, %mul3A_91 : i32
      %add3A_93 = arith.constant 2 : i32
      %add3A_94 = arith.addi %mul3A_92, %add3A_93 : i32
      %ge3A_95 = arith.constant 2 : i32
      %ge3A_96 = arith.cmpi sge, %add3A_94, %ge3A_95 : i32
      %convert_element_type3A_97 = arith.extui %ge3A_96 : i1 to i32
      %cond3A_98 = arith.constant 0 : i32
      %cond3A_99 = arith.cmpi ne, %convert_element_type3A_97, %cond3A_98 : i32
      scf.if %cond3A_99 {
        %sub3A = arith.constant 2 : i32
        %sub3A_153 = arith.subi %add3A_94, %sub3A : i32
        %dma_wait3A_154 = arith.constant 0 : i32
        %dma_wait3A_155 = tpu.memref_slice %arg8[%sub3A_153, %dma_wait3A_154] : memref<32x32xi32, #tpu.memory_space<vmem>> -> memref<1x32xi32, #tpu.memory_space<vmem>>
        %dma_wait3A_156 = tpu.memref_squeeze %dma_wait3A_155 : memref<1x32xi32, #tpu.memory_space<vmem>> -> memref<32xi32, #tpu.memory_space<vmem>>
        %dma_wait3A_157 = arith.constant 0 : i32
        %dma_wait3A_158 = arith.constant 0 : i32
        %dma_wait3A_159 = tpu.memref_slice %arg6[%dma_wait3A_157, %dma_wait3A_158] : memref<32768x768xf32, #tpu.memory_space<hbm>> -> memref<32768x768xf32, #tpu.memory_space<hbm>>
        tpu.wait_indirect_dma semaphore(%arg18 : memref<!tpu.dma_semaphore, #tpu.memory_space<semaphore_mem>>) src(%arg10 : memref<32x768xf32, #tpu.memory_space<vmem>>) dst(%dma_wait3A_159 : memref<32768x768xf32, #tpu.memory_space<hbm>>)
      } else {
      }
      %add3A_100 = arith.constant 2 : i32
      %add3A_101 = arith.addi %add3A_94, %add3A_100 : i32
      %lt3A_102 = arith.constant 32 : i32
      %lt3A_103 = arith.cmpi slt, %add3A_101, %lt3A_102 : i32
      %convert_element_type3A_104 = arith.extui %lt3A_103 : i1 to i32
      %cond3A_105 = arith.constant 0 : i32
      %cond3A_106 = arith.cmpi ne, %convert_element_type3A_104, %cond3A_105 : i32
      scf.if %cond3A_106 {
        %add3A_153 = arith.constant 2 : i32
        %add3A_154 = arith.addi %add3A_94, %add3A_153 : i32
        %dma_start3A_155 = arith.constant 0 : i32
        %dma_start3A_156 = tpu.memref_slice %arg7[%add3A_154, %dma_start3A_155] : memref<32x32xi32, #tpu.memory_space<vmem>> -> memref<1x32xi32, #tpu.memory_space<vmem>>
        %dma_start3A_157 = tpu.memref_squeeze %dma_start3A_156 : memref<1x32xi32, #tpu.memory_space<vmem>> -> memref<32xi32, #tpu.memory_space<vmem>>
        %dma_start3A_158 = arith.constant 0 : i32
        %dma_start3A_159 = arith.constant 0 : i32
        %dma_start3A_160 = tpu.memref_slice %arg4[%dma_start3A_158, %dma_start3A_159] : memref<50257x768xf32, #tpu.memory_space<hbm>> -> memref<50257x768xf32, #tpu.memory_space<hbm>>
        tpu.enqueue_indirect_dma source(%dma_start3A_160 : memref<50257x768xf32, #tpu.memory_space<hbm>>) target(%arg10 : memref<32x768xf32, #tpu.memory_space<vmem>>) offsets(%dma_start3A_157 : memref<32xi32, #tpu.memory_space<vmem>>) semaphore(%arg14 : memref<!tpu.dma_semaphore, #tpu.memory_space<semaphore_mem>>)
      } else {
      }
      %dma_wait3A_107 = arith.constant 0 : i32
      %dma_wait3A_108 = tpu.memref_slice %arg7[%add3A_94, %dma_wait3A_107] : memref<32x32xi32, #tpu.memory_space<vmem>> -> memref<1x32xi32, #tpu.memory_space<vmem>>
      %dma_wait3A_109 = tpu.memref_squeeze %dma_wait3A_108 : memref<1x32xi32, #tpu.memory_space<vmem>> -> memref<32xi32, #tpu.memory_space<vmem>>
      %dma_wait3A_110 = arith.constant 0 : i32
      %dma_wait3A_111 = arith.constant 0 : i32
      %dma_wait3A_112 = tpu.memref_slice %arg4[%dma_wait3A_110, %dma_wait3A_111] : memref<50257x768xf32, #tpu.memory_space<hbm>> -> memref<50257x768xf32, #tpu.memory_space<hbm>>
      tpu.wait_indirect_dma semaphore(%arg16 : memref<!tpu.dma_semaphore, #tpu.memory_space<semaphore_mem>>) src(%dma_wait3A_112 : memref<50257x768xf32, #tpu.memory_space<hbm>>) dst(%arg12 : memref<32x768xf32, #tpu.memory_space<vmem>>)
      %parallel_loop3A_113 = arith.constant 0 : i32
      %parallel_loop3A_114 = arith.constant 48 : i32
      %parallel_loop3A_115 = arith.constant 1 : i32
      scf.for %parallel_loop3A_153 = %parallel_loop3A_113 to %parallel_loop3A_114 step %parallel_loop3A_115  : i32 {
        %parallel_loop3A_154 = arith.constant 16 : i32
        %parallel_loop3A_155 = arith.muli %parallel_loop3A_153, %parallel_loop3A_154 : i32
        %parallel_loop3A_156 = arith.index_cast %add3A_94 : i32 to index
        %parallel_loop3A_157 = arith.index_cast %parallel_loop3A_155 : i32 to index
        %parallel_loop3A_158 = tpu.vector_load %arg9[%parallel_loop3A_156, %parallel_loop3A_157] {strides = array<i32>} : memref<32x768xf32, #tpu.memory_space<vmem>>, vector<1x16xf32>,
        %parallel_loop3A_159 = vector.shape_cast %parallel_loop3A_158 : vector<1x16xf32> to vector<16xf32>
        %parallel_loop3A_160 = arith.constant 0 : i32
        %parallel_loop3A_161 = arith.index_cast %parallel_loop3A_160 : i32 to index
        %parallel_loop3A_162 = arith.index_cast %parallel_loop3A_155 : i32 to index
        %parallel_loop3A_163 = tpu.vector_load %arg12[%parallel_loop3A_161, %parallel_loop3A_162] {strides = array<i32>} : memref<32x768xf32, #tpu.memory_space<vmem>>, vector<1x16xf32>,
        %parallel_loop3A_164 = vector.shape_cast %parallel_loop3A_163 : vector<1x16xf32> to vector<16xf32>
        %parallel_loop3A_165 = arith.addf %parallel_loop3A_164, %parallel_loop3A_159 : vector<16xf32>
        %parallel_loop3A_166 = arith.constant 0 : i32
        %parallel_loop3A_167 = arith.index_cast %parallel_loop3A_166 : i32 to index
        %parallel_loop3A_168 = arith.index_cast %parallel_loop3A_155 : i32 to index
        %parallel_loop3A_169 = tpu.vector_load %arg12[%parallel_loop3A_167, %parallel_loop3A_168] {strides = array<i32>} : memref<32x768xf32, #tpu.memory_space<vmem>>, vector<1x16xf32>,
        %parallel_loop3A_170 = vector.shape_cast %parallel_loop3A_169 : vector<1x16xf32> to vector<16xf32>
        %parallel_loop3A_171 = vector.shape_cast %parallel_loop3A_165 : vector<16xf32> to vector<1x16xf32>
        tpu.vector_store %arg12[%parallel_loop3A_167, %parallel_loop3A_168], %parallel_loop3A_171 {strides = array<i32>} : memref<32x768xf32, #tpu.memory_space<vmem>>, vector<1x16xf32>,
        %parallel_loop3A_172 = arith.constant 1 : i32
        %parallel_loop3A_173 = arith.index_cast %parallel_loop3A_172 : i32 to index
        %parallel_loop3A_174 = arith.index_cast %parallel_loop3A_155 : i32 to index
        %parallel_loop3A_175 = tpu.vector_load %arg12[%parallel_loop3A_173, %parallel_loop3A_174] {strides = array<i32>} : memref<32x768xf32, #tpu.memory_space<vmem>>, vector<1x16xf32>,
        %parallel_loop3A_176 = vector.shape_cast %parallel_loop3A_175 : vector<1x16xf32> to vector<16xf32>
        %parallel_loop3A_177 = arith.addf %parallel_loop3A_176, %parallel_loop3A_159 : vector<16xf32>
        %parallel_loop3A_178 = arith.constant 1 : i32
        %parallel_loop3A_179 = arith.index_cast %parallel_loop3A_178 : i32 to index
        %parallel_loop3A_180 = arith.index_cast %parallel_loop3A_155 : i32 to index
        %parallel_loop3A_181 = tpu.vector_load %arg12[%parallel_loop3A_179, %parallel_loop3A_180] {strides = array<i32>} : memref<32x768xf32, #tpu.memory_space<vmem>>, vector<1x16xf32>,
        %parallel_loop3A_182 = vector.shape_cast %parallel_loop3A_181 : vector<1x16xf32> to vector<16xf32>
        %parallel_loop3A_183 = vector.shape_cast %parallel_loop3A_177 : vector<16xf32> to vector<1x16xf32>
        tpu.vector_store %arg12[%parallel_loop3A_179, %parallel_loop3A_180], %parallel_loop3A_183 {strides = array<i32>} : memref<32x768xf32, #tpu.memory_space<vmem>>, vector<1x16xf32>,
        %parallel_loop3A_184 = arith.constant 2 : i32
        %parallel_loop3A_185 = arith.index_cast %parallel_loop3A_184 : i32 to index
        %parallel_loop3A_186 = arith.index_cast %parallel_loop3A_155 : i32 to index
        %parallel_loop3A_187 = tpu.vector_load %arg12[%parallel_loop3A_185, %parallel_loop3A_186] {strides = array<i32>} : memref<32x768xf32, #tpu.memory_space<vmem>>, vector<1x16xf32>,
        %parallel_loop3A_188 = vector.shape_cast %parallel_loop3A_187 : vector<1x16xf32> to vector<16xf32>
        %parallel_loop3A_189 = arith.addf %parallel_loop3A_188, %parallel_loop3A_159 : vector<16xf32>
        %parallel_loop3A_190 = arith.constant 2 : i32
        %parallel_loop3A_191 = arith.index_cast %parallel_loop3A_190 : i32 to index
        %parallel_loop3A_192 = arith.index_cast %parallel_loop3A_155 : i32 to index
        %parallel_loop3A_193 = tpu.vector_load %arg12[%parallel_loop3A_191, %parallel_loop3A_192] {strides = array<i32>} : memref<32x768xf32, #tpu.memory_space<vmem>>, vector<1x16xf32>,
        %parallel_loop3A_194 = vector.shape_cast %parallel_loop3A_193 : vector<1x16xf32> to vector<16xf32>
        %parallel_loop3A_195 = vector.shape_cast %parallel_loop3A_189 : vector<16xf32> to vector<1x16xf32>
        tpu.vector_store %arg12[%parallel_loop3A_191, %parallel_loop3A_192], %parallel_loop3A_195 {strides = array<i32>} : memref<32x768xf32, #tpu.memory_space<vmem>>, vector<1x16xf32>,
        %parallel_loop3A_196 = arith.constant 3 : i32
        %parallel_loop3A_197 = arith.index_cast %parallel_loop3A_196 : i32 to index
        %parallel_loop3A_198 = arith.index_cast %parallel_loop3A_155 : i32 to index
        %parallel_loop3A_199 = tpu.vector_load %arg12[%parallel_loop3A_197, %parallel_loop3A_198] {strides = array<i32>} : memref<32x768xf32, #tpu.memory_space<vmem>>, vector<1x16xf32>,
        %parallel_loop3A_200 = vector.shape_cast %parallel_loop3A_199 : vector<1x16xf32> to vector<16xf32>
        %parallel_loop3A_201 = arith.addf %parallel_loop3A_200, %parallel_loop3A_159 : vector<16xf32>
        %parallel_loop3A_202 = arith.constant 3 : i32
        %parallel_loop3A_203 = arith.index_cast %parallel_loop3A_202 : i32 to index
        %parallel_loop3A_204 = arith.index_cast %parallel_loop3A_155 : i32 to index
        %parallel_loop3A_205 = tpu.vector_load %arg12[%parallel_loop3A_203, %parallel_loop3A_204] {strides = array<i32>} : memref<32x768xf32, #tpu.memory_space<vmem>>, vector<1x16xf32>,
        %parallel_loop3A_206 = vector.shape_cast %parallel_loop3A_205 : vector<1x16xf32> to vector<16xf32>
        %parallel_loop3A_207 = vector.shape_cast %parallel_loop3A_201 : vector<16xf32> to vector<1x16xf32>
        tpu.vector_store %arg12[%parallel_loop3A_203, %parallel_loop3A_204], %parallel_loop3A_207 {strides = array<i32>} : memref<32x768xf32, #tpu.memory_space<vmem>>, vector<1x16xf32>,
        %parallel_loop3A_208 = arith.constant 4 : i32
        %parallel_loop3A_209 = arith.index_cast %parallel_loop3A_208 : i32 to index
        %parallel_loop3A_210 = arith.index_cast %parallel_loop3A_155 : i32 to index
        %parallel_loop3A_211 = tpu.vector_load %arg12[%parallel_loop3A_209, %parallel_loop3A_210] {strides = array<i32>} : memref<32x768xf32, #tpu.memory_space<vmem>>, vector<1x16xf32>,
        %parallel_loop3A_212 = vector.shape_cast %parallel_loop3A_211 : vector<1x16xf32> to vector<16xf32>
        %parallel_loop3A_213 = arith.addf %parallel_loop3A_212, %parallel_loop3A_159 : vector<16xf32>
        %parallel_loop3A_214 = arith.constant 4 : i32
        %parallel_loop3A_215 = arith.index_cast %parallel_loop3A_214 : i32 to index
        %parallel_loop3A_216 = arith.index_cast %parallel_loop3A_155 : i32 to index
        %parallel_loop3A_217 = tpu.vector_load %arg12[%parallel_loop3A_215, %parallel_loop3A_216] {strides = array<i32>} : memref<32x768xf32, #tpu.memory_space<vmem>>, vector<1x16xf32>,
        %parallel_loop3A_218 = vector.shape_cast %parallel_loop3A_217 : vector<1x16xf32> to vector<16xf32>
        %parallel_loop3A_219 = vector.shape_cast %parallel_loop3A_213 : vector<16xf32> to vector<1x16xf32>
        tpu.vector_store %arg12[%parallel_loop3A_215, %parallel_loop3A_216], %parallel_loop3A_219 {strides = array<i32>} : memref<32x768xf32, #tpu.memory_space<vmem>>, vector<1x16xf32>,
        %parallel_loop3A_220 = arith.constant 5 : i32
        %parallel_loop3A_221 = arith.index_cast %parallel_loop3A_220 : i32 to index
        %parallel_loop3A_222 = arith.index_cast %parallel_loop3A_155 : i32 to index
        %parallel_loop3A_223 = tpu.vector_load %arg12[%parallel_loop3A_221, %parallel_loop3A_222] {strides = array<i32>} : memref<32x768xf32, #tpu.memory_space<vmem>>, vector<1x16xf32>,
        %parallel_loop3A_224 = vector.shape_cast %parallel_loop3A_223 : vector<1x16xf32> to vector<16xf32>
        %parallel_loop3A_225 = arith.addf %parallel_loop3A_224, %parallel_loop3A_159 : vector<16xf32>
        %parallel_loop3A_226 = arith.constant 5 : i32
        %parallel_loop3A_227 = arith.index_cast %parallel_loop3A_226 : i32 to index
        %parallel_loop3A_228 = arith.index_cast %parallel_loop3A_155 : i32 to index
        %parallel_loop3A_229 = tpu.vector_load %arg12[%parallel_loop3A_227, %parallel_loop3A_228] {strides = array<i32>} : memref<32x768xf32, #tpu.memory_space<vmem>>, vector<1x16xf32>,
        %parallel_loop3A_230 = vector.shape_cast %parallel_loop3A_229 : vector<1x16xf32> to vector<16xf32>
        %parallel_loop3A_231 = vector.shape_cast %parallel_loop3A_225 : vector<16xf32> to vector<1x16xf32>
        tpu.vector_store %arg12[%parallel_loop3A_227, %parallel_loop3A_228], %parallel_loop3A_231 {strides = array<i32>} : memref<32x768xf32, #tpu.memory_space<vmem>>, vector<1x16xf32>,
        %parallel_loop3A_232 = arith.constant 6 : i32
        %parallel_loop3A_233 = arith.index_cast %parallel_loop3A_232 : i32 to index
        %parallel_loop3A_234 = arith.index_cast %parallel_loop3A_155 : i32 to index
        %parallel_loop3A_235 = tpu.vector_load %arg12[%parallel_loop3A_233, %parallel_loop3A_234] {strides = array<i32>} : memref<32x768xf32, #tpu.memory_space<vmem>>, vector<1x16xf32>,
        %parallel_loop3A_236 = vector.shape_cast %parallel_loop3A_235 : vector<1x16xf32> to vector<16xf32>
        %parallel_loop3A_237 = arith.addf %parallel_loop3A_236, %parallel_loop3A_159 : vector<16xf32>
        %parallel_loop3A_238 = arith.constant 6 : i32
        %parallel_loop3A_239 = arith.index_cast %parallel_loop3A_238 : i32 to index
        %parallel_loop3A_240 = arith.index_cast %parallel_loop3A_155 : i32 to index
        %parallel_loop3A_241 = tpu.vector_load %arg12[%parallel_loop3A_239, %parallel_loop3A_240] {strides = array<i32>} : memref<32x768xf32, #tpu.memory_space<vmem>>, vector<1x16xf32>,
        %parallel_loop3A_242 = vector.shape_cast %parallel_loop3A_241 : vector<1x16xf32> to vector<16xf32>
        %parallel_loop3A_243 = vector.shape_cast %parallel_loop3A_237 : vector<16xf32> to vector<1x16xf32>
        tpu.vector_store %arg12[%parallel_loop3A_239, %parallel_loop3A_240], %parallel_loop3A_243 {strides = array<i32>} : memref<32x768xf32, #tpu.memory_space<vmem>>, vector<1x16xf32>,
        %parallel_loop3A_244 = arith.constant 7 : i32
        %parallel_loop3A_245 = arith.index_cast %parallel_loop3A_244 : i32 to index
        %parallel_loop3A_246 = arith.index_cast %parallel_loop3A_155 : i32 to index
        %parallel_loop3A_247 = tpu.vector_load %arg12[%parallel_loop3A_245, %parallel_loop3A_246] {strides = array<i32>} : memref<32x768xf32, #tpu.memory_space<vmem>>, vector<1x16xf32>,
        %parallel_loop3A_248 = vector.shape_cast %parallel_loop3A_247 : vector<1x16xf32> to vector<16xf32>
        %parallel_loop3A_249 = arith.addf %parallel_loop3A_248, %parallel_loop3A_159 : vector<16xf32>
        %parallel_loop3A_250 = arith.constant 7 : i32
        %parallel_loop3A_251 = arith.index_cast %parallel_loop3A_250 : i32 to index
        %parallel_loop3A_252 = arith.index_cast %parallel_loop3A_155 : i32 to index
        %parallel_loop3A_253 = tpu.vector_load %arg12[%parallel_loop3A_251, %parallel_loop3A_252] {strides = array<i32>} : memref<32x768xf32, #tpu.memory_space<vmem>>, vector<1x16xf32>,
        %parallel_loop3A_254 = vector.shape_cast %parallel_loop3A_253 : vector<1x16xf32> to vector<16xf32>
        %parallel_loop3A_255 = vector.shape_cast %parallel_loop3A_249 : vector<16xf32> to vector<1x16xf32>
        tpu.vector_store %arg12[%parallel_loop3A_251, %parallel_loop3A_252], %parallel_loop3A_255 {strides = array<i32>} : memref<32x768xf32, #tpu.memory_space<vmem>>, vector<1x16xf32>,
        %parallel_loop3A_256 = arith.constant 8 : i32
        %parallel_loop3A_257 = arith.index_cast %parallel_loop3A_256 : i32 to index
        %parallel_loop3A_258 = arith.index_cast %parallel_loop3A_155 : i32 to index
        %parallel_loop3A_259 = tpu.vector_load %arg12[%parallel_loop3A_257, %parallel_loop3A_258] {strides = array<i32>} : memref<32x768xf32, #tpu.memory_space<vmem>>, vector<1x16xf32>,
        %parallel_loop3A_260 = vector.shape_cast %parallel_loop3A_259 : vector<1x16xf32> to vector<16xf32>
        %parallel_loop3A_261 = arith.addf %parallel_loop3A_260, %parallel_loop3A_159 : vector<16xf32>
        %parallel_loop3A_262 = arith.constant 8 : i32
        %parallel_loop3A_263 = arith.index_cast %parallel_loop3A_262 : i32 to index
        %parallel_loop3A_264 = arith.index_cast %parallel_loop3A_155 : i32 to index
        %parallel_loop3A_265 = tpu.vector_load %arg12[%parallel_loop3A_263, %parallel_loop3A_264] {strides = array<i32>} : memref<32x768xf32, #tpu.memory_space<vmem>>, vector<1x16xf32>,
        %parallel_loop3A_266 = vector.shape_cast %parallel_loop3A_265 : vector<1x16xf32> to vector<16xf32>
        %parallel_loop3A_267 = vector.shape_cast %parallel_loop3A_261 : vector<16xf32> to vector<1x16xf32>
        tpu.vector_store %arg12[%parallel_loop3A_263, %parallel_loop3A_264], %parallel_loop3A_267 {strides = array<i32>} : memref<32x768xf32, #tpu.memory_space<vmem>>, vector<1x16xf32>,
        %parallel_loop3A_268 = arith.constant 9 : i32
        %parallel_loop3A_269 = arith.index_cast %parallel_loop3A_268 : i32 to index
        %parallel_loop3A_270 = arith.index_cast %parallel_loop3A_155 : i32 to index
        %parallel_loop3A_271 = tpu.vector_load %arg12[%parallel_loop3A_269, %parallel_loop3A_270] {strides = array<i32>} : memref<32x768xf32, #tpu.memory_space<vmem>>, vector<1x16xf32>,
        %parallel_loop3A_272 = vector.shape_cast %parallel_loop3A_271 : vector<1x16xf32> to vector<16xf32>
        %parallel_loop3A_273 = arith.addf %parallel_loop3A_272, %parallel_loop3A_159 : vector<16xf32>
        %parallel_loop3A_274 = arith.constant 9 : i32
        %parallel_loop3A_275 = arith.index_cast %parallel_loop3A_274 : i32 to index
        %parallel_loop3A_276 = arith.index_cast %parallel_loop3A_155 : i32 to index
        %parallel_loop3A_277 = tpu.vector_load %arg12[%parallel_loop3A_275, %parallel_loop3A_276] {strides = array<i32>} : memref<32x768xf32, #tpu.memory_space<vmem>>, vector<1x16xf32>,
        %parallel_loop3A_278 = vector.shape_cast %parallel_loop3A_277 : vector<1x16xf32> to vector<16xf32>
        %parallel_loop3A_279 = vector.shape_cast %parallel_loop3A_273 : vector<16xf32> to vector<1x16xf32>
        tpu.vector_store %arg12[%parallel_loop3A_275, %parallel_loop3A_276], %parallel_loop3A_279 {strides = array<i32>} : memref<32x768xf32, #tpu.memory_space<vmem>>, vector<1x16xf32>,
        %parallel_loop3A_280 = arith.constant 10 : i32
        %parallel_loop3A_281 = arith.index_cast %parallel_loop3A_280 : i32 to index
        %parallel_loop3A_282 = arith.index_cast %parallel_loop3A_155 : i32 to index
        %parallel_loop3A_283 = tpu.vector_load %arg12[%parallel_loop3A_281, %parallel_loop3A_282] {strides = array<i32>} : memref<32x768xf32, #tpu.memory_space<vmem>>, vector<1x16xf32>,
        %parallel_loop3A_284 = vector.shape_cast %parallel_loop3A_283 : vector<1x16xf32> to vector<16xf32>
        %parallel_loop3A_285 = arith.addf %parallel_loop3A_284, %parallel_loop3A_159 : vector<16xf32>
        %parallel_loop3A_286 = arith.constant 10 : i32
        %parallel_loop3A_287 = arith.index_cast %parallel_loop3A_286 : i32 to index
        %parallel_loop3A_288 = arith.index_cast %parallel_loop3A_155 : i32 to index
        %parallel_loop3A_289 = tpu.vector_load %arg12[%parallel_loop3A_287, %parallel_loop3A_288] {strides = array<i32>} : memref<32x768xf32, #tpu.memory_space<vmem>>, vector<1x16xf32>,
        %parallel_loop3A_290 = vector.shape_cast %parallel_loop3A_289 : vector<1x16xf32> to vector<16xf32>
        %parallel_loop3A_291 = vector.shape_cast %parallel_loop3A_285 : vector<16xf32> to vector<1x16xf32>
        tpu.vector_store %arg12[%parallel_loop3A_287, %parallel_loop3A_288], %parallel_loop3A_291 {strides = array<i32>} : memref<32x768xf32, #tpu.memory_space<vmem>>, vector<1x16xf32>,
        %parallel_loop3A_292 = arith.constant 11 : i32
        %parallel_loop3A_293 = arith.index_cast %parallel_loop3A_292 : i32 to index
        %parallel_loop3A_294 = arith.index_cast %parallel_loop3A_155 : i32 to index
        %parallel_loop3A_295 = tpu.vector_load %arg12[%parallel_loop3A_293, %parallel_loop3A_294] {strides = array<i32>} : memref<32x768xf32, #tpu.memory_space<vmem>>, vector<1x16xf32>,
        %parallel_loop3A_296 = vector.shape_cast %parallel_loop3A_295 : vector<1x16xf32> to vector<16xf32>
        %parallel_loop3A_297 = arith.addf %parallel_loop3A_296, %parallel_loop3A_159 : vector<16xf32>
        %parallel_loop3A_298 = arith.constant 11 : i32
        %parallel_loop3A_299 = arith.index_cast %parallel_loop3A_298 : i32 to index
        %parallel_loop3A_300 = arith.index_cast %parallel_loop3A_155 : i32 to index
        %parallel_loop3A_301 = tpu.vector_load %arg12[%parallel_loop3A_299, %parallel_loop3A_300] {strides = array<i32>} : memref<32x768xf32, #tpu.memory_space<vmem>>, vector<1x16xf32>,
        %parallel_loop3A_302 = vector.shape_cast %parallel_loop3A_301 : vector<1x16xf32> to vector<16xf32>
        %parallel_loop3A_303 = vector.shape_cast %parallel_loop3A_297 : vector<16xf32> to vector<1x16xf32>
        tpu.vector_store %arg12[%parallel_loop3A_299, %parallel_loop3A_300], %parallel_loop3A_303 {strides = array<i32>} : memref<32x768xf32, #tpu.memory_space<vmem>>, vector<1x16xf32>,
        %parallel_loop3A_304 = arith.constant 12 : i32
        %parallel_loop3A_305 = arith.index_cast %parallel_loop3A_304 : i32 to index
        %parallel_loop3A_306 = arith.index_cast %parallel_loop3A_155 : i32 to index
        %parallel_loop3A_307 = tpu.vector_load %arg12[%parallel_loop3A_305, %parallel_loop3A_306] {strides = array<i32>} : memref<32x768xf32, #tpu.memory_space<vmem>>, vector<1x16xf32>,
        %parallel_loop3A_308 = vector.shape_cast %parallel_loop3A_307 : vector<1x16xf32> to vector<16xf32>
        %parallel_loop3A_309 = arith.addf %parallel_loop3A_308, %parallel_loop3A_159 : vector<16xf32>
        %parallel_loop3A_310 = arith.constant 12 : i32
        %parallel_loop3A_311 = arith.index_cast %parallel_loop3A_310 : i32 to index
        %parallel_loop3A_312 = arith.index_cast %parallel_loop3A_155 : i32 to index
        %parallel_loop3A_313 = tpu.vector_load %arg12[%parallel_loop3A_311, %parallel_loop3A_312] {strides = array<i32>} : memref<32x768xf32, #tpu.memory_space<vmem>>, vector<1x16xf32>,
        %parallel_loop3A_314 = vector.shape_cast %parallel_loop3A_313 : vector<1x16xf32> to vector<16xf32>
        %parallel_loop3A_315 = vector.shape_cast %parallel_loop3A_309 : vector<16xf32> to vector<1x16xf32>
        tpu.vector_store %arg12[%parallel_loop3A_311, %parallel_loop3A_312], %parallel_loop3A_315 {strides = array<i32>} : memref<32x768xf32, #tpu.memory_space<vmem>>, vector<1x16xf32>,
        %parallel_loop3A_316 = arith.constant 13 : i32
        %parallel_loop3A_317 = arith.index_cast %parallel_loop3A_316 : i32 to index
        %parallel_loop3A_318 = arith.index_cast %parallel_loop3A_155 : i32 to index
        %parallel_loop3A_319 = tpu.vector_load %arg12[%parallel_loop3A_317, %parallel_loop3A_318] {strides = array<i32>} : memref<32x768xf32, #tpu.memory_space<vmem>>, vector<1x16xf32>,
        %parallel_loop3A_320 = vector.shape_cast %parallel_loop3A_319 : vector<1x16xf32> to vector<16xf32>
        %parallel_loop3A_321 = arith.addf %parallel_loop3A_320, %parallel_loop3A_159 : vector<16xf32>
        %parallel_loop3A_322 = arith.constant 13 : i32
        %parallel_loop3A_323 = arith.index_cast %parallel_loop3A_322 : i32 to index
        %parallel_loop3A_324 = arith.index_cast %parallel_loop3A_155 : i32 to index
        %parallel_loop3A_325 = tpu.vector_load %arg12[%parallel_loop3A_323, %parallel_loop3A_324] {strides = array<i32>} : memref<32x768xf32, #tpu.memory_space<vmem>>, vector<1x16xf32>,
        %parallel_loop3A_326 = vector.shape_cast %parallel_loop3A_325 : vector<1x16xf32> to vector<16xf32>
        %parallel_loop3A_327 = vector.shape_cast %parallel_loop3A_321 : vector<16xf32> to vector<1x16xf32>
        tpu.vector_store %arg12[%parallel_loop3A_323, %parallel_loop3A_324], %parallel_loop3A_327 {strides = array<i32>} : memref<32x768xf32, #tpu.memory_space<vmem>>, vector<1x16xf32>,
        %parallel_loop3A_328 = arith.constant 14 : i32
        %parallel_loop3A_329 = arith.index_cast %parallel_loop3A_328 : i32 to index
        %parallel_loop3A_330 = arith.index_cast %parallel_loop3A_155 : i32 to index
        %parallel_loop3A_331 = tpu.vector_load %arg12[%parallel_loop3A_329, %parallel_loop3A_330] {strides = array<i32>} : memref<32x768xf32, #tpu.memory_space<vmem>>, vector<1x16xf32>,
        %parallel_loop3A_332 = vector.shape_cast %parallel_loop3A_331 : vector<1x16xf32> to vector<16xf32>
        %parallel_loop3A_333 = arith.addf %parallel_loop3A_332, %parallel_loop3A_159 : vector<16xf32>
        %parallel_loop3A_334 = arith.constant 14 : i32
        %parallel_loop3A_335 = arith.index_cast %parallel_loop3A_334 : i32 to index
        %parallel_loop3A_336 = arith.index_cast %parallel_loop3A_155 : i32 to index
        %parallel_loop3A_337 = tpu.vector_load %arg12[%parallel_loop3A_335, %parallel_loop3A_336] {strides = array<i32>} : memref<32x768xf32, #tpu.memory_space<vmem>>, vector<1x16xf32>,
        %parallel_loop3A_338 = vector.shape_cast %parallel_loop3A_337 : vector<1x16xf32> to vector<16xf32>
        %parallel_loop3A_339 = vector.shape_cast %parallel_loop3A_333 : vector<16xf32> to vector<1x16xf32>
        tpu.vector_store %arg12[%parallel_loop3A_335, %parallel_loop3A_336], %parallel_loop3A_339 {strides = array<i32>} : memref<32x768xf32, #tpu.memory_space<vmem>>, vector<1x16xf32>,
        %parallel_loop3A_340 = arith.constant 15 : i32
        %parallel_loop3A_341 = arith.index_cast %parallel_loop3A_340 : i32 to index
        %parallel_loop3A_342 = arith.index_cast %parallel_loop3A_155 : i32 to index
        %parallel_loop3A_343 = tpu.vector_load %arg12[%parallel_loop3A_341, %parallel_loop3A_342] {strides = array<i32>} : memref<32x768xf32, #tpu.memory_space<vmem>>, vector<1x16xf32>,
        %parallel_loop3A_344 = vector.shape_cast %parallel_loop3A_343 : vector<1x16xf32> to vector<16xf32>
        %parallel_loop3A_345 = arith.addf %parallel_loop3A_344, %parallel_loop3A_159 : vector<16xf32>
        %parallel_loop3A_346 = arith.constant 15 : i32
        %parallel_loop3A_347 = arith.index_cast %parallel_loop3A_346 : i32 to index
        %parallel_loop3A_348 = arith.index_cast %parallel_loop3A_155 : i32 to index
        %parallel_loop3A_349 = tpu.vector_load %arg12[%parallel_loop3A_347, %parallel_loop3A_348] {strides = array<i32>} : memref<32x768xf32, #tpu.memory_space<vmem>>, vector<1x16xf32>,
        %parallel_loop3A_350 = vector.shape_cast %parallel_loop3A_349 : vector<1x16xf32> to vector<16xf32>
        %parallel_loop3A_351 = vector.shape_cast %parallel_loop3A_345 : vector<16xf32> to vector<1x16xf32>
        tpu.vector_store %arg12[%parallel_loop3A_347, %parallel_loop3A_348], %parallel_loop3A_351 {strides = array<i32>} : memref<32x768xf32, #tpu.memory_space<vmem>>, vector<1x16xf32>,
        %parallel_loop3A_352 = arith.constant 16 : i32
        %parallel_loop3A_353 = arith.index_cast %parallel_loop3A_352 : i32 to index
        %parallel_loop3A_354 = arith.index_cast %parallel_loop3A_155 : i32 to index
        %parallel_loop3A_355 = tpu.vector_load %arg12[%parallel_loop3A_353, %parallel_loop3A_354] {strides = array<i32>} : memref<32x768xf32, #tpu.memory_space<vmem>>, vector<1x16xf32>,
        %parallel_loop3A_356 = vector.shape_cast %parallel_loop3A_355 : vector<1x16xf32> to vector<16xf32>
        %parallel_loop3A_357 = arith.addf %parallel_loop3A_356, %parallel_loop3A_159 : vector<16xf32>
        %parallel_loop3A_358 = arith.constant 16 : i32
        %parallel_loop3A_359 = arith.index_cast %parallel_loop3A_358 : i32 to index
        %parallel_loop3A_360 = arith.index_cast %parallel_loop3A_155 : i32 to index
        %parallel_loop3A_361 = tpu.vector_load %arg12[%parallel_loop3A_359, %parallel_loop3A_360] {strides = array<i32>} : memref<32x768xf32, #tpu.memory_space<vmem>>, vector<1x16xf32>,
        %parallel_loop3A_362 = vector.shape_cast %parallel_loop3A_361 : vector<1x16xf32> to vector<16xf32>
        %parallel_loop3A_363 = vector.shape_cast %parallel_loop3A_357 : vector<16xf32> to vector<1x16xf32>
        tpu.vector_store %arg12[%parallel_loop3A_359, %parallel_loop3A_360], %parallel_loop3A_363 {strides = array<i32>} : memref<32x768xf32, #tpu.memory_space<vmem>>, vector<1x16xf32>,
        %parallel_loop3A_364 = arith.constant 17 : i32
        %parallel_loop3A_365 = arith.index_cast %parallel_loop3A_364 : i32 to index
        %parallel_loop3A_366 = arith.index_cast %parallel_loop3A_155 : i32 to index
        %parallel_loop3A_367 = tpu.vector_load %arg12[%parallel_loop3A_365, %parallel_loop3A_366] {strides = array<i32>} : memref<32x768xf32, #tpu.memory_space<vmem>>, vector<1x16xf32>,
        %parallel_loop3A_368 = vector.shape_cast %parallel_loop3A_367 : vector<1x16xf32> to vector<16xf32>
        %parallel_loop3A_369 = arith.addf %parallel_loop3A_368, %parallel_loop3A_159 : vector<16xf32>
        %parallel_loop3A_370 = arith.constant 17 : i32
        %parallel_loop3A_371 = arith.index_cast %parallel_loop3A_370 : i32 to index
        %parallel_loop3A_372 = arith.index_cast %parallel_loop3A_155 : i32 to index
        %parallel_loop3A_373 = tpu.vector_load %arg12[%parallel_loop3A_371, %parallel_loop3A_372] {strides = array<i32>} : memref<32x768xf32, #tpu.memory_space<vmem>>, vector<1x16xf32>,
        %parallel_loop3A_374 = vector.shape_cast %parallel_loop3A_373 : vector<1x16xf32> to vector<16xf32>
        %parallel_loop3A_375 = vector.shape_cast %parallel_loop3A_369 : vector<16xf32> to vector<1x16xf32>
        tpu.vector_store %arg12[%parallel_loop3A_371, %parallel_loop3A_372], %parallel_loop3A_375 {strides = array<i32>} : memref<32x768xf32, #tpu.memory_space<vmem>>, vector<1x16xf32>,
        %parallel_loop3A_376 = arith.constant 18 : i32
        %parallel_loop3A_377 = arith.index_cast %parallel_loop3A_376 : i32 to index
        %parallel_loop3A_378 = arith.index_cast %parallel_loop3A_155 : i32 to index
        %parallel_loop3A_379 = tpu.vector_load %arg12[%parallel_loop3A_377, %parallel_loop3A_378] {strides = array<i32>} : memref<32x768xf32, #tpu.memory_space<vmem>>, vector<1x16xf32>,
        %parallel_loop3A_380 = vector.shape_cast %parallel_loop3A_379 : vector<1x16xf32> to vector<16xf32>
        %parallel_loop3A_381 = arith.addf %parallel_loop3A_380, %parallel_loop3A_159 : vector<16xf32>
        %parallel_loop3A_382 = arith.constant 18 : i32
        %parallel_loop3A_383 = arith.index_cast %parallel_loop3A_382 : i32 to index
        %parallel_loop3A_384 = arith.index_cast %parallel_loop3A_155 : i32 to index
        %parallel_loop3A_385 = tpu.vector_load %arg12[%parallel_loop3A_383, %parallel_loop3A_384] {strides = array<i32>} : memref<32x768xf32, #tpu.memory_space<vmem>>, vector<1x16xf32>,
        %parallel_loop3A_386 = vector.shape_cast %parallel_loop3A_385 : vector<1x16xf32> to vector<16xf32>
        %parallel_loop3A_387 = vector.shape_cast %parallel_loop3A_381 : vector<16xf32> to vector<1x16xf32>
        tpu.vector_store %arg12[%parallel_loop3A_383, %parallel_loop3A_384], %parallel_loop3A_387 {strides = array<i32>} : memref<32x768xf32, #tpu.memory_space<vmem>>, vector<1x16xf32>,
        %parallel_loop3A_388 = arith.constant 19 : i32
        %parallel_loop3A_389 = arith.index_cast %parallel_loop3A_388 : i32 to index
        %parallel_loop3A_390 = arith.index_cast %parallel_loop3A_155 : i32 to index
        %parallel_loop3A_391 = tpu.vector_load %arg12[%parallel_loop3A_389, %parallel_loop3A_390] {strides = array<i32>} : memref<32x768xf32, #tpu.memory_space<vmem>>, vector<1x16xf32>,
        %parallel_loop3A_392 = vector.shape_cast %parallel_loop3A_391 : vector<1x16xf32> to vector<16xf32>
        %parallel_loop3A_393 = arith.addf %parallel_loop3A_392, %parallel_loop3A_159 : vector<16xf32>
        %parallel_loop3A_394 = arith.constant 19 : i32
        %parallel_loop3A_395 = arith.index_cast %parallel_loop3A_394 : i32 to index
        %parallel_loop3A_396 = arith.index_cast %parallel_loop3A_155 : i32 to index
        %parallel_loop3A_397 = tpu.vector_load %arg12[%parallel_loop3A_395, %parallel_loop3A_396] {strides = array<i32>} : memref<32x768xf32, #tpu.memory_space<vmem>>, vector<1x16xf32>,
        %parallel_loop3A_398 = vector.shape_cast %parallel_loop3A_397 : vector<1x16xf32> to vector<16xf32>
        %parallel_loop3A_399 = vector.shape_cast %parallel_loop3A_393 : vector<16xf32> to vector<1x16xf32>
        tpu.vector_store %arg12[%parallel_loop3A_395, %parallel_loop3A_396], %parallel_loop3A_399 {strides = array<i32>} : memref<32x768xf32, #tpu.memory_space<vmem>>, vector<1x16xf32>,
        %parallel_loop3A_400 = arith.constant 20 : i32
        %parallel_loop3A_401 = arith.index_cast %parallel_loop3A_400 : i32 to index
        %parallel_loop3A_402 = arith.index_cast %parallel_loop3A_155 : i32 to index
        %parallel_loop3A_403 = tpu.vector_load %arg12[%parallel_loop3A_401, %parallel_loop3A_402] {strides = array<i32>} : memref<32x768xf32, #tpu.memory_space<vmem>>, vector<1x16xf32>,
        %parallel_loop3A_404 = vector.shape_cast %parallel_loop3A_403 : vector<1x16xf32> to vector<16xf32>
        %parallel_loop3A_405 = arith.addf %parallel_loop3A_404, %parallel_loop3A_159 : vector<16xf32>
        %parallel_loop3A_406 = arith.constant 20 : i32
        %parallel_loop3A_407 = arith.index_cast %parallel_loop3A_406 : i32 to index
        %parallel_loop3A_408 = arith.index_cast %parallel_loop3A_155 : i32 to index
        %parallel_loop3A_409 = tpu.vector_load %arg12[%parallel_loop3A_407, %parallel_loop3A_408] {strides = array<i32>} : memref<32x768xf32, #tpu.memory_space<vmem>>, vector<1x16xf32>,
        %parallel_loop3A_410 = vector.shape_cast %parallel_loop3A_409 : vector<1x16xf32> to vector<16xf32>
        %parallel_loop3A_411 = vector.shape_cast %parallel_loop3A_405 : vector<16xf32> to vector<1x16xf32>
        tpu.vector_store %arg12[%parallel_loop3A_407, %parallel_loop3A_408], %parallel_loop3A_411 {strides = array<i32>} : memref<32x768xf32, #tpu.memory_space<vmem>>, vector<1x16xf32>,
        %parallel_loop3A_412 = arith.constant 21 : i32
        %parallel_loop3A_413 = arith.index_cast %parallel_loop3A_412 : i32 to index
        %parallel_loop3A_414 = arith.index_cast %parallel_loop3A_155 : i32 to index
        %parallel_loop3A_415 = tpu.vector_load %arg12[%parallel_loop3A_413, %parallel_loop3A_414] {strides = array<i32>} : memref<32x768xf32, #tpu.memory_space<vmem>>, vector<1x16xf32>,
        %parallel_loop3A_416 = vector.shape_cast %parallel_loop3A_415 : vector<1x16xf32> to vector<16xf32>
        %parallel_loop3A_417 = arith.addf %parallel_loop3A_416, %parallel_loop3A_159 : vector<16xf32>
        %parallel_loop3A_418 = arith.constant 21 : i32
        %parallel_loop3A_419 = arith.index_cast %parallel_loop3A_418 : i32 to index
        %parallel_loop3A_420 = arith.index_cast %parallel_loop3A_155 : i32 to index
        %parallel_loop3A_421 = tpu.vector_load %arg12[%parallel_loop3A_419, %parallel_loop3A_420] {strides = array<i32>} : memref<32x768xf32, #tpu.memory_space<vmem>>, vector<1x16xf32>,
        %parallel_loop3A_422 = vector.shape_cast %parallel_loop3A_421 : vector<1x16xf32> to vector<16xf32>
        %parallel_loop3A_423 = vector.shape_cast %parallel_loop3A_417 : vector<16xf32> to vector<1x16xf32>
        tpu.vector_store %arg12[%parallel_loop3A_419, %parallel_loop3A_420], %parallel_loop3A_423 {strides = array<i32>} : memref<32x768xf32, #tpu.memory_space<vmem>>, vector<1x16xf32>,
        %parallel_loop3A_424 = arith.constant 22 : i32
        %parallel_loop3A_425 = arith.index_cast %parallel_loop3A_424 : i32 to index
        %parallel_loop3A_426 = arith.index_cast %parallel_loop3A_155 : i32 to index
        %parallel_loop3A_427 = tpu.vector_load %arg12[%parallel_loop3A_425, %parallel_loop3A_426] {strides = array<i32>} : memref<32x768xf32, #tpu.memory_space<vmem>>, vector<1x16xf32>,
        %parallel_loop3A_428 = vector.shape_cast %parallel_loop3A_427 : vector<1x16xf32> to vector<16xf32>
        %parallel_loop3A_429 = arith.addf %parallel_loop3A_428, %parallel_loop3A_159 : vector<16xf32>
        %parallel_loop3A_430 = arith.constant 22 : i32
        %parallel_loop3A_431 = arith.index_cast %parallel_loop3A_430 : i32 to index
        %parallel_loop3A_432 = arith.index_cast %parallel_loop3A_155 : i32 to index
        %parallel_loop3A_433 = tpu.vector_load %arg12[%parallel_loop3A_431, %parallel_loop3A_432] {strides = array<i32>} : memref<32x768xf32, #tpu.memory_space<vmem>>, vector<1x16xf32>,
        %parallel_loop3A_434 = vector.shape_cast %parallel_loop3A_433 : vector<1x16xf32> to vector<16xf32>
        %parallel_loop3A_435 = vector.shape_cast %parallel_loop3A_429 : vector<16xf32> to vector<1x16xf32>
        tpu.vector_store %arg12[%parallel_loop3A_431, %parallel_loop3A_432], %parallel_loop3A_435 {strides = array<i32>} : memref<32x768xf32, #tpu.memory_space<vmem>>, vector<1x16xf32>,
        %parallel_loop3A_436 = arith.constant 23 : i32
        %parallel_loop3A_437 = arith.index_cast %parallel_loop3A_436 : i32 to index
        %parallel_loop3A_438 = arith.index_cast %parallel_loop3A_155 : i32 to index
        %parallel_loop3A_439 = tpu.vector_load %arg12[%parallel_loop3A_437, %parallel_loop3A_438] {strides = array<i32>} : memref<32x768xf32, #tpu.memory_space<vmem>>, vector<1x16xf32>,
        %parallel_loop3A_440 = vector.shape_cast %parallel_loop3A_439 : vector<1x16xf32> to vector<16xf32>
        %parallel_loop3A_441 = arith.addf %parallel_loop3A_440, %parallel_loop3A_159 : vector<16xf32>
        %parallel_loop3A_442 = arith.constant 23 : i32
        %parallel_loop3A_443 = arith.index_cast %parallel_loop3A_442 : i32 to index
        %parallel_loop3A_444 = arith.index_cast %parallel_loop3A_155 : i32 to index
        %parallel_loop3A_445 = tpu.vector_load %arg12[%parallel_loop3A_443, %parallel_loop3A_444] {strides = array<i32>} : memref<32x768xf32, #tpu.memory_space<vmem>>, vector<1x16xf32>,
        %parallel_loop3A_446 = vector.shape_cast %parallel_loop3A_445 : vector<1x16xf32> to vector<16xf32>
        %parallel_loop3A_447 = vector.shape_cast %parallel_loop3A_441 : vector<16xf32> to vector<1x16xf32>
        tpu.vector_store %arg12[%parallel_loop3A_443, %parallel_loop3A_444], %parallel_loop3A_447 {strides = array<i32>} : memref<32x768xf32, #tpu.memory_space<vmem>>, vector<1x16xf32>,
        %parallel_loop3A_448 = arith.constant 24 : i32
        %parallel_loop3A_449 = arith.index_cast %parallel_loop3A_448 : i32 to index
        %parallel_loop3A_450 = arith.index_cast %parallel_loop3A_155 : i32 to index
        %parallel_loop3A_451 = tpu.vector_load %arg12[%parallel_loop3A_449, %parallel_loop3A_450] {strides = array<i32>} : memref<32x768xf32, #tpu.memory_space<vmem>>, vector<1x16xf32>,
        %parallel_loop3A_452 = vector.shape_cast %parallel_loop3A_451 : vector<1x16xf32> to vector<16xf32>
        %parallel_loop3A_453 = arith.addf %parallel_loop3A_452, %parallel_loop3A_159 : vector<16xf32>
        %parallel_loop3A_454 = arith.constant 24 : i32
        %parallel_loop3A_455 = arith.index_cast %parallel_loop3A_454 : i32 to index
        %parallel_loop3A_456 = arith.index_cast %parallel_loop3A_155 : i32 to index
        %parallel_loop3A_457 = tpu.vector_load %arg12[%parallel_loop3A_455, %parallel_loop3A_456] {strides = array<i32>} : memref<32x768xf32, #tpu.memory_space<vmem>>, vector<1x16xf32>,
        %parallel_loop3A_458 = vector.shape_cast %parallel_loop3A_457 : vector<1x16xf32> to vector<16xf32>
        %parallel_loop3A_459 = vector.shape_cast %parallel_loop3A_453 : vector<16xf32> to vector<1x16xf32>
        tpu.vector_store %arg12[%parallel_loop3A_455, %parallel_loop3A_456], %parallel_loop3A_459 {strides = array<i32>} : memref<32x768xf32, #tpu.memory_space<vmem>>, vector<1x16xf32>,
        %parallel_loop3A_460 = arith.constant 25 : i32
        %parallel_loop3A_461 = arith.index_cast %parallel_loop3A_460 : i32 to index
        %parallel_loop3A_462 = arith.index_cast %parallel_loop3A_155 : i32 to index
        %parallel_loop3A_463 = tpu.vector_load %arg12[%parallel_loop3A_461, %parallel_loop3A_462] {strides = array<i32>} : memref<32x768xf32, #tpu.memory_space<vmem>>, vector<1x16xf32>,
        %parallel_loop3A_464 = vector.shape_cast %parallel_loop3A_463 : vector<1x16xf32> to vector<16xf32>
        %parallel_loop3A_465 = arith.addf %parallel_loop3A_464, %parallel_loop3A_159 : vector<16xf32>
        %parallel_loop3A_466 = arith.constant 25 : i32
        %parallel_loop3A_467 = arith.index_cast %parallel_loop3A_466 : i32 to index
        %parallel_loop3A_468 = arith.index_cast %parallel_loop3A_155 : i32 to index
        %parallel_loop3A_469 = tpu.vector_load %arg12[%parallel_loop3A_467, %parallel_loop3A_468] {strides = array<i32>} : memref<32x768xf32, #tpu.memory_space<vmem>>, vector<1x16xf32>,
        %parallel_loop3A_470 = vector.shape_cast %parallel_loop3A_469 : vector<1x16xf32> to vector<16xf32>
        %parallel_loop3A_471 = vector.shape_cast %parallel_loop3A_465 : vector<16xf32> to vector<1x16xf32>
        tpu.vector_store %arg12[%parallel_loop3A_467, %parallel_loop3A_468], %parallel_loop3A_471 {strides = array<i32>} : memref<32x768xf32, #tpu.memory_space<vmem>>, vector<1x16xf32>,
        %parallel_loop3A_472 = arith.constant 26 : i32
        %parallel_loop3A_473 = arith.index_cast %parallel_loop3A_472 : i32 to index
        %parallel_loop3A_474 = arith.index_cast %parallel_loop3A_155 : i32 to index
        %parallel_loop3A_475 = tpu.vector_load %arg12[%parallel_loop3A_473, %parallel_loop3A_474] {strides = array<i32>} : memref<32x768xf32, #tpu.memory_space<vmem>>, vector<1x16xf32>,
        %parallel_loop3A_476 = vector.shape_cast %parallel_loop3A_475 : vector<1x16xf32> to vector<16xf32>
        %parallel_loop3A_477 = arith.addf %parallel_loop3A_476, %parallel_loop3A_159 : vector<16xf32>
        %parallel_loop3A_478 = arith.constant 26 : i32
        %parallel_loop3A_479 = arith.index_cast %parallel_loop3A_478 : i32 to index
        %parallel_loop3A_480 = arith.index_cast %parallel_loop3A_155 : i32 to index
        %parallel_loop3A_481 = tpu.vector_load %arg12[%parallel_loop3A_479, %parallel_loop3A_480] {strides = array<i32>} : memref<32x768xf32, #tpu.memory_space<vmem>>, vector<1x16xf32>,
        %parallel_loop3A_482 = vector.shape_cast %parallel_loop3A_481 : vector<1x16xf32> to vector<16xf32>
        %parallel_loop3A_483 = vector.shape_cast %parallel_loop3A_477 : vector<16xf32> to vector<1x16xf32>
        tpu.vector_store %arg12[%parallel_loop3A_479, %parallel_loop3A_480], %parallel_loop3A_483 {strides = array<i32>} : memref<32x768xf32, #tpu.memory_space<vmem>>, vector<1x16xf32>,
        %parallel_loop3A_484 = arith.constant 27 : i32
        %parallel_loop3A_485 = arith.index_cast %parallel_loop3A_484 : i32 to index
        %parallel_loop3A_486 = arith.index_cast %parallel_loop3A_155 : i32 to index
        %parallel_loop3A_487 = tpu.vector_load %arg12[%parallel_loop3A_485, %parallel_loop3A_486] {strides = array<i32>} : memref<32x768xf32, #tpu.memory_space<vmem>>, vector<1x16xf32>,
        %parallel_loop3A_488 = vector.shape_cast %parallel_loop3A_487 : vector<1x16xf32> to vector<16xf32>
        %parallel_loop3A_489 = arith.addf %parallel_loop3A_488, %parallel_loop3A_159 : vector<16xf32>
        %parallel_loop3A_490 = arith.constant 27 : i32
        %parallel_loop3A_491 = arith.index_cast %parallel_loop3A_490 : i32 to index
        %parallel_loop3A_492 = arith.index_cast %parallel_loop3A_155 : i32 to index
        %parallel_loop3A_493 = tpu.vector_load %arg12[%parallel_loop3A_491, %parallel_loop3A_492] {strides = array<i32>} : memref<32x768xf32, #tpu.memory_space<vmem>>, vector<1x16xf32>,
        %parallel_loop3A_494 = vector.shape_cast %parallel_loop3A_493 : vector<1x16xf32> to vector<16xf32>
        %parallel_loop3A_495 = vector.shape_cast %parallel_loop3A_489 : vector<16xf32> to vector<1x16xf32>
        tpu.vector_store %arg12[%parallel_loop3A_491, %parallel_loop3A_492], %parallel_loop3A_495 {strides = array<i32>} : memref<32x768xf32, #tpu.memory_space<vmem>>, vector<1x16xf32>,
        %parallel_loop3A_496 = arith.constant 28 : i32
        %parallel_loop3A_497 = arith.index_cast %parallel_loop3A_496 : i32 to index
        %parallel_loop3A_498 = arith.index_cast %parallel_loop3A_155 : i32 to index
        %parallel_loop3A_499 = tpu.vector_load %arg12[%parallel_loop3A_497, %parallel_loop3A_498] {strides = array<i32>} : memref<32x768xf32, #tpu.memory_space<vmem>>, vector<1x16xf32>,
        %parallel_loop3A_500 = vector.shape_cast %parallel_loop3A_499 : vector<1x16xf32> to vector<16xf32>
        %parallel_loop3A_501 = arith.addf %parallel_loop3A_500, %parallel_loop3A_159 : vector<16xf32>
        %parallel_loop3A_502 = arith.constant 28 : i32
        %parallel_loop3A_503 = arith.index_cast %parallel_loop3A_502 : i32 to index
        %parallel_loop3A_504 = arith.index_cast %parallel_loop3A_155 : i32 to index
        %parallel_loop3A_505 = tpu.vector_load %arg12[%parallel_loop3A_503, %parallel_loop3A_504] {strides = array<i32>} : memref<32x768xf32, #tpu.memory_space<vmem>>, vector<1x16xf32>,
        %parallel_loop3A_506 = vector.shape_cast %parallel_loop3A_505 : vector<1x16xf32> to vector<16xf32>
        %parallel_loop3A_507 = vector.shape_cast %parallel_loop3A_501 : vector<16xf32> to vector<1x16xf32>
        tpu.vector_store %arg12[%parallel_loop3A_503, %parallel_loop3A_504], %parallel_loop3A_507 {strides = array<i32>} : memref<32x768xf32, #tpu.memory_space<vmem>>, vector<1x16xf32>,
        %parallel_loop3A_508 = arith.constant 29 : i32
        %parallel_loop3A_509 = arith.index_cast %parallel_loop3A_508 : i32 to index
        %parallel_loop3A_510 = arith.index_cast %parallel_loop3A_155 : i32 to index
        %parallel_loop3A_511 = tpu.vector_load %arg12[%parallel_loop3A_509, %parallel_loop3A_510] {strides = array<i32>} : memref<32x768xf32, #tpu.memory_space<vmem>>, vector<1x16xf32>,
        %parallel_loop3A_512 = vector.shape_cast %parallel_loop3A_511 : vector<1x16xf32> to vector<16xf32>
        %parallel_loop3A_513 = arith.addf %parallel_loop3A_512, %parallel_loop3A_159 : vector<16xf32>
        %parallel_loop3A_514 = arith.constant 29 : i32
        %parallel_loop3A_515 = arith.index_cast %parallel_loop3A_514 : i32 to index
        %parallel_loop3A_516 = arith.index_cast %parallel_loop3A_155 : i32 to index
        %parallel_loop3A_517 = tpu.vector_load %arg12[%parallel_loop3A_515, %parallel_loop3A_516] {strides = array<i32>} : memref<32x768xf32, #tpu.memory_space<vmem>>, vector<1x16xf32>,
        %parallel_loop3A_518 = vector.shape_cast %parallel_loop3A_517 : vector<1x16xf32> to vector<16xf32>
        %parallel_loop3A_519 = vector.shape_cast %parallel_loop3A_513 : vector<16xf32> to vector<1x16xf32>
        tpu.vector_store %arg12[%parallel_loop3A_515, %parallel_loop3A_516], %parallel_loop3A_519 {strides = array<i32>} : memref<32x768xf32, #tpu.memory_space<vmem>>, vector<1x16xf32>,
        %parallel_loop3A_520 = arith.constant 30 : i32
        %parallel_loop3A_521 = arith.index_cast %parallel_loop3A_520 : i32 to index
        %parallel_loop3A_522 = arith.index_cast %parallel_loop3A_155 : i32 to index
        %parallel_loop3A_523 = tpu.vector_load %arg12[%parallel_loop3A_521, %parallel_loop3A_522] {strides = array<i32>} : memref<32x768xf32, #tpu.memory_space<vmem>>, vector<1x16xf32>,
        %parallel_loop3A_524 = vector.shape_cast %parallel_loop3A_523 : vector<1x16xf32> to vector<16xf32>
        %parallel_loop3A_525 = arith.addf %parallel_loop3A_524, %parallel_loop3A_159 : vector<16xf32>
        %parallel_loop3A_526 = arith.constant 30 : i32
        %parallel_loop3A_527 = arith.index_cast %parallel_loop3A_526 : i32 to index
        %parallel_loop3A_528 = arith.index_cast %parallel_loop3A_155 : i32 to index
        %parallel_loop3A_529 = tpu.vector_load %arg12[%parallel_loop3A_527, %parallel_loop3A_528] {strides = array<i32>} : memref<32x768xf32, #tpu.memory_space<vmem>>, vector<1x16xf32>,
        %parallel_loop3A_530 = vector.shape_cast %parallel_loop3A_529 : vector<1x16xf32> to vector<16xf32>
        %parallel_loop3A_531 = vector.shape_cast %parallel_loop3A_525 : vector<16xf32> to vector<1x16xf32>
        tpu.vector_store %arg12[%parallel_loop3A_527, %parallel_loop3A_528], %parallel_loop3A_531 {strides = array<i32>} : memref<32x768xf32, #tpu.memory_space<vmem>>, vector<1x16xf32>,
        %parallel_loop3A_532 = arith.constant 31 : i32
        %parallel_loop3A_533 = arith.index_cast %parallel_loop3A_532 : i32 to index
        %parallel_loop3A_534 = arith.index_cast %parallel_loop3A_155 : i32 to index
        %parallel_loop3A_535 = tpu.vector_load %arg12[%parallel_loop3A_533, %parallel_loop3A_534] {strides = array<i32>} : memref<32x768xf32, #tpu.memory_space<vmem>>, vector<1x16xf32>,
        %parallel_loop3A_536 = vector.shape_cast %parallel_loop3A_535 : vector<1x16xf32> to vector<16xf32>
        %parallel_loop3A_537 = arith.addf %parallel_loop3A_536, %parallel_loop3A_159 : vector<16xf32>
        %parallel_loop3A_538 = arith.constant 31 : i32
        %parallel_loop3A_539 = arith.index_cast %parallel_loop3A_538 : i32 to index
        %parallel_loop3A_540 = arith.index_cast %parallel_loop3A_155 : i32 to index
        %parallel_loop3A_541 = tpu.vector_load %arg12[%parallel_loop3A_539, %parallel_loop3A_540] {strides = array<i32>} : memref<32x768xf32, #tpu.memory_space<vmem>>, vector<1x16xf32>,
        %parallel_loop3A_542 = vector.shape_cast %parallel_loop3A_541 : vector<1x16xf32> to vector<16xf32>
        %parallel_loop3A_543 = vector.shape_cast %parallel_loop3A_537 : vector<16xf32> to vector<1x16xf32>
        tpu.vector_store %arg12[%parallel_loop3A_539, %parallel_loop3A_540], %parallel_loop3A_543 {strides = array<i32>} : memref<32x768xf32, #tpu.memory_space<vmem>>, vector<1x16xf32>,
      } {sc.loop_unroll_factor = 1 : i64, sc.parallel_access}
      %dma_start3A_116 = arith.constant 0 : i32
      %dma_start3A_117 = tpu.memref_slice %arg8[%add3A_94, %dma_start3A_116] : memref<32x32xi32, #tpu.memory_space<vmem>> -> memref<1x32xi32, #tpu.memory_space<vmem>>
      %dma_start3A_118 = tpu.memref_squeeze %dma_start3A_117 : memref<1x32xi32, #tpu.memory_space<vmem>> -> memref<32xi32, #tpu.memory_space<vmem>>
      %dma_start3A_119 = arith.constant 0 : i32
      %dma_start3A_120 = arith.constant 0 : i32
      %dma_start3A_121 = tpu.memref_slice %arg6[%dma_start3A_119, %dma_start3A_120] : memref<32768x768xf32, #tpu.memory_space<hbm>> -> memref<32768x768xf32, #tpu.memory_space<hbm>>
      tpu.enqueue_indirect_dma source(%arg12 : memref<32x768xf32, #tpu.memory_space<vmem>>) target(%dma_start3A_121 : memref<32768x768xf32, #tpu.memory_space<hbm>>) offsets(%dma_start3A_118 : memref<32xi32, #tpu.memory_space<vmem>>) semaphore(%arg20 : memref<!tpu.dma_semaphore, #tpu.memory_space<semaphore_mem>>)
      %mul3A_122 = arith.constant 4 : i32
      %mul3A_123 = arith.muli %scan3A_33, %mul3A_122 : i32
      %add3A_124 = arith.constant 3 : i32
      %add3A_125 = arith.addi %mul3A_123, %add3A_124 : i32
      %ge3A_126 = arith.constant 2 : i32
      %ge3A_127 = arith.cmpi sge, %add3A_125, %ge3A_126 : i32
      %convert_element_type3A_128 = arith.extui %ge3A_127 : i1 to i32
      %cond3A_129 = arith.constant 0 : i32
      %cond3A_130 = arith.cmpi ne, %convert_element_type3A_128, %cond3A_129 : i32
      scf.if %cond3A_130 {
        %sub3A = arith.constant 2 : i32
        %sub3A_153 = arith.subi %add3A_125, %sub3A : i32
        %dma_wait3A_154 = arith.constant 0 : i32
        %dma_wait3A_155 = tpu.memref_slice %arg8[%sub3A_153, %dma_wait3A_154] : memref<32x32xi32, #tpu.memory_space<vmem>> -> memref<1x32xi32, #tpu.memory_space<vmem>>
        %dma_wait3A_156 = tpu.memref_squeeze %dma_wait3A_155 : memref<1x32xi32, #tpu.memory_space<vmem>> -> memref<32xi32, #tpu.memory_space<vmem>>
        %dma_wait3A_157 = arith.constant 0 : i32
        %dma_wait3A_158 = arith.constant 0 : i32
        %dma_wait3A_159 = tpu.memref_slice %arg6[%dma_wait3A_157, %dma_wait3A_158] : memref<32768x768xf32, #tpu.memory_space<hbm>> -> memref<32768x768xf32, #tpu.memory_space<hbm>>
        tpu.wait_indirect_dma semaphore(%arg19 : memref<!tpu.dma_semaphore, #tpu.memory_space<semaphore_mem>>) src(%arg11 : memref<32x768xf32, #tpu.memory_space<vmem>>) dst(%dma_wait3A_159 : memref<32768x768xf32, #tpu.memory_space<hbm>>)
      } else {
      }
      %add3A_131 = arith.constant 2 : i32
      %add3A_132 = arith.addi %add3A_125, %add3A_131 : i32
      %lt3A_133 = arith.constant 32 : i32
      %lt3A_134 = arith.cmpi slt, %add3A_132, %lt3A_133 : i32
      %convert_element_type3A_135 = arith.extui %lt3A_134 : i1 to i32
      %cond3A_136 = arith.constant 0 : i32
      %cond3A_137 = arith.cmpi ne, %convert_element_type3A_135, %cond3A_136 : i32
      scf.if %cond3A_137 {
        %add3A_153 = arith.constant 2 : i32
        %add3A_154 = arith.addi %add3A_125, %add3A_153 : i32
        %dma_start3A_155 = arith.constant 0 : i32
        %dma_start3A_156 = tpu.memref_slice %arg7[%add3A_154, %dma_start3A_155] : memref<32x32xi32, #tpu.memory_space<vmem>> -> memref<1x32xi32, #tpu.memory_space<vmem>>
        %dma_start3A_157 = tpu.memref_squeeze %dma_start3A_156 : memref<1x32xi32, #tpu.memory_space<vmem>> -> memref<32xi32, #tpu.memory_space<vmem>>
        %dma_start3A_158 = arith.constant 0 : i32
        %dma_start3A_159 = arith.constant 0 : i32
        %dma_start3A_160 = tpu.memref_slice %arg4[%dma_start3A_158, %dma_start3A_159] : memref<50257x768xf32, #tpu.memory_space<hbm>> -> memref<50257x768xf32, #tpu.memory_space<hbm>>
        tpu.enqueue_indirect_dma source(%dma_start3A_160 : memref<50257x768xf32, #tpu.memory_space<hbm>>) target(%arg11 : memref<32x768xf32, #tpu.memory_space<vmem>>) offsets(%dma_start3A_157 : memref<32xi32, #tpu.memory_space<vmem>>) semaphore(%arg15 : memref<!tpu.dma_semaphore, #tpu.memory_space<semaphore_mem>>)
      } else {
      }
      %dma_wait3A_138 = arith.constant 0 : i32
      %dma_wait3A_139 = tpu.memref_slice %arg7[%add3A_125, %dma_wait3A_138] : memref<32x32xi32, #tpu.memory_space<vmem>> -> memref<1x32xi32, #tpu.memory_space<vmem>>
      %dma_wait3A_140 = tpu.memref_squeeze %dma_wait3A_139 : memref<1x32xi32, #tpu.memory_space<vmem>> -> memref<32xi32, #tpu.memory_space<vmem>>
      %dma_wait3A_141 = arith.constant 0 : i32
      %dma_wait3A_142 = arith.constant 0 : i32
      %dma_wait3A_143 = tpu.memref_slice %arg4[%dma_wait3A_141, %dma_wait3A_142] : memref<50257x768xf32, #tpu.memory_space<hbm>> -> memref<50257x768xf32, #tpu.memory_space<hbm>>
      tpu.wait_indirect_dma semaphore(%arg17 : memref<!tpu.dma_semaphore, #tpu.memory_space<semaphore_mem>>) src(%dma_wait3A_143 : memref<50257x768xf32, #tpu.memory_space<hbm>>) dst(%arg13 : memref<32x768xf32, #tpu.memory_space<vmem>>)
      %parallel_loop3A_144 = arith.constant 0 : i32
      %parallel_loop3A_145 = arith.constant 48 : i32
      %parallel_loop3A_146 = arith.constant 1 : i32
      scf.for %parallel_loop3A_153 = %parallel_loop3A_144 to %parallel_loop3A_145 step %parallel_loop3A_146  : i32 {
        %parallel_loop3A_154 = arith.constant 16 : i32
        %parallel_loop3A_155 = arith.muli %parallel_loop3A_153, %parallel_loop3A_154 : i32
        %parallel_loop3A_156 = arith.index_cast %add3A_125 : i32 to index
        %parallel_loop3A_157 = arith.index_cast %parallel_loop3A_155 : i32 to index
        %parallel_loop3A_158 = tpu.vector_load %arg9[%parallel_loop3A_156, %parallel_loop3A_157] {strides = array<i32>} : memref<32x768xf32, #tpu.memory_space<vmem>>, vector<1x16xf32>,
        %parallel_loop3A_159 = vector.shape_cast %parallel_loop3A_158 : vector<1x16xf32> to vector<16xf32>
        %parallel_loop3A_160 = arith.constant 0 : i32
        %parallel_loop3A_161 = arith.index_cast %parallel_loop3A_160 : i32 to index
        %parallel_loop3A_162 = arith.index_cast %parallel_loop3A_155 : i32 to index
        %parallel_loop3A_163 = tpu.vector_load %arg13[%parallel_loop3A_161, %parallel_loop3A_162] {strides = array<i32>} : memref<32x768xf32, #tpu.memory_space<vmem>>, vector<1x16xf32>,
        %parallel_loop3A_164 = vector.shape_cast %parallel_loop3A_163 : vector<1x16xf32> to vector<16xf32>
        %parallel_loop3A_165 = arith.addf %parallel_loop3A_164, %parallel_loop3A_159 : vector<16xf32>
        %parallel_loop3A_166 = arith.constant 0 : i32
        %parallel_loop3A_167 = arith.index_cast %parallel_loop3A_166 : i32 to index
        %parallel_loop3A_168 = arith.index_cast %parallel_loop3A_155 : i32 to index
        %parallel_loop3A_169 = tpu.vector_load %arg13[%parallel_loop3A_167, %parallel_loop3A_168] {strides = array<i32>} : memref<32x768xf32, #tpu.memory_space<vmem>>, vector<1x16xf32>,
        %parallel_loop3A_170 = vector.shape_cast %parallel_loop3A_169 : vector<1x16xf32> to vector<16xf32>
        %parallel_loop3A_171 = vector.shape_cast %parallel_loop3A_165 : vector<16xf32> to vector<1x16xf32>
        tpu.vector_store %arg13[%parallel_loop3A_167, %parallel_loop3A_168], %parallel_loop3A_171 {strides = array<i32>} : memref<32x768xf32, #tpu.memory_space<vmem>>, vector<1x16xf32>,
        %parallel_loop3A_172 = arith.constant 1 : i32
        %parallel_loop3A_173 = arith.index_cast %parallel_loop3A_172 : i32 to index
        %parallel_loop3A_174 = arith.index_cast %parallel_loop3A_155 : i32 to index
        %parallel_loop3A_175 = tpu.vector_load %arg13[%parallel_loop3A_173, %parallel_loop3A_174] {strides = array<i32>} : memref<32x768xf32, #tpu.memory_space<vmem>>, vector<1x16xf32>,
        %parallel_loop3A_176 = vector.shape_cast %parallel_loop3A_175 : vector<1x16xf32> to vector<16xf32>
        %parallel_loop3A_177 = arith.addf %parallel_loop3A_176, %parallel_loop3A_159 : vector<16xf32>
        %parallel_loop3A_178 = arith.constant 1 : i32
        %parallel_loop3A_179 = arith.index_cast %parallel_loop3A_178 : i32 to index
        %parallel_loop3A_180 = arith.index_cast %parallel_loop3A_155 : i32 to index
        %parallel_loop3A_181 = tpu.vector_load %arg13[%parallel_loop3A_179, %parallel_loop3A_180] {strides = array<i32>} : memref<32x768xf32, #tpu.memory_space<vmem>>, vector<1x16xf32>,
        %parallel_loop3A_182 = vector.shape_cast %parallel_loop3A_181 : vector<1x16xf32> to vector<16xf32>
        %parallel_loop3A_183 = vector.shape_cast %parallel_loop3A_177 : vector<16xf32> to vector<1x16xf32>
        tpu.vector_store %arg13[%parallel_loop3A_179, %parallel_loop3A_180], %parallel_loop3A_183 {strides = array<i32>} : memref<32x768xf32, #tpu.memory_space<vmem>>, vector<1x16xf32>,
        %parallel_loop3A_184 = arith.constant 2 : i32
        %parallel_loop3A_185 = arith.index_cast %parallel_loop3A_184 : i32 to index
        %parallel_loop3A_186 = arith.index_cast %parallel_loop3A_155 : i32 to index
        %parallel_loop3A_187 = tpu.vector_load %arg13[%parallel_loop3A_185, %parallel_loop3A_186] {strides = array<i32>} : memref<32x768xf32, #tpu.memory_space<vmem>>, vector<1x16xf32>,
        %parallel_loop3A_188 = vector.shape_cast %parallel_loop3A_187 : vector<1x16xf32> to vector<16xf32>
        %parallel_loop3A_189 = arith.addf %parallel_loop3A_188, %parallel_loop3A_159 : vector<16xf32>
        %parallel_loop3A_190 = arith.constant 2 : i32
        %parallel_loop3A_191 = arith.index_cast %parallel_loop3A_190 : i32 to index
        %parallel_loop3A_192 = arith.index_cast %parallel_loop3A_155 : i32 to index
        %parallel_loop3A_193 = tpu.vector_load %arg13[%parallel_loop3A_191, %parallel_loop3A_192] {strides = array<i32>} : memref<32x768xf32, #tpu.memory_space<vmem>>, vector<1x16xf32>,
        %parallel_loop3A_194 = vector.shape_cast %parallel_loop3A_193 : vector<1x16xf32> to vector<16xf32>
        %parallel_loop3A_195 = vector.shape_cast %parallel_loop3A_189 : vector<16xf32> to vector<1x16xf32>
        tpu.vector_store %arg13[%parallel_loop3A_191, %parallel_loop3A_192], %parallel_loop3A_195 {strides = array<i32>} : memref<32x768xf32, #tpu.memory_space<vmem>>, vector<1x16xf32>,
        %parallel_loop3A_196 = arith.constant 3 : i32
        %parallel_loop3A_197 = arith.index_cast %parallel_loop3A_196 : i32 to index
        %parallel_loop3A_198 = arith.index_cast %parallel_loop3A_155 : i32 to index
        %parallel_loop3A_199 = tpu.vector_load %arg13[%parallel_loop3A_197, %parallel_loop3A_198] {strides = array<i32>} : memref<32x768xf32, #tpu.memory_space<vmem>>, vector<1x16xf32>,
        %parallel_loop3A_200 = vector.shape_cast %parallel_loop3A_199 : vector<1x16xf32> to vector<16xf32>
        %parallel_loop3A_201 = arith.addf %parallel_loop3A_200, %parallel_loop3A_159 : vector<16xf32>
        %parallel_loop3A_202 = arith.constant 3 : i32
        %parallel_loop3A_203 = arith.index_cast %parallel_loop3A_202 : i32 to index
        %parallel_loop3A_204 = arith.index_cast %parallel_loop3A_155 : i32 to index
        %parallel_loop3A_205 = tpu.vector_load %arg13[%parallel_loop3A_203, %parallel_loop3A_204] {strides = array<i32>} : memref<32x768xf32, #tpu.memory_space<vmem>>, vector<1x16xf32>,
        %parallel_loop3A_206 = vector.shape_cast %parallel_loop3A_205 : vector<1x16xf32> to vector<16xf32>
        %parallel_loop3A_207 = vector.shape_cast %parallel_loop3A_201 : vector<16xf32> to vector<1x16xf32>
        tpu.vector_store %arg13[%parallel_loop3A_203, %parallel_loop3A_204], %parallel_loop3A_207 {strides = array<i32>} : memref<32x768xf32, #tpu.memory_space<vmem>>, vector<1x16xf32>,
        %parallel_loop3A_208 = arith.constant 4 : i32
        %parallel_loop3A_209 = arith.index_cast %parallel_loop3A_208 : i32 to index
        %parallel_loop3A_210 = arith.index_cast %parallel_loop3A_155 : i32 to index
        %parallel_loop3A_211 = tpu.vector_load %arg13[%parallel_loop3A_209, %parallel_loop3A_210] {strides = array<i32>} : memref<32x768xf32, #tpu.memory_space<vmem>>, vector<1x16xf32>,
        %parallel_loop3A_212 = vector.shape_cast %parallel_loop3A_211 : vector<1x16xf32> to vector<16xf32>
        %parallel_loop3A_213 = arith.addf %parallel_loop3A_212, %parallel_loop3A_159 : vector<16xf32>
        %parallel_loop3A_214 = arith.constant 4 : i32
        %parallel_loop3A_215 = arith.index_cast %parallel_loop3A_214 : i32 to index
        %parallel_loop3A_216 = arith.index_cast %parallel_loop3A_155 : i32 to index
        %parallel_loop3A_217 = tpu.vector_load %arg13[%parallel_loop3A_215, %parallel_loop3A_216] {strides = array<i32>} : memref<32x768xf32, #tpu.memory_space<vmem>>, vector<1x16xf32>,
        %parallel_loop3A_218 = vector.shape_cast %parallel_loop3A_217 : vector<1x16xf32> to vector<16xf32>
        %parallel_loop3A_219 = vector.shape_cast %parallel_loop3A_213 : vector<16xf32> to vector<1x16xf32>
        tpu.vector_store %arg13[%parallel_loop3A_215, %parallel_loop3A_216], %parallel_loop3A_219 {strides = array<i32>} : memref<32x768xf32, #tpu.memory_space<vmem>>, vector<1x16xf32>,
        %parallel_loop3A_220 = arith.constant 5 : i32
        %parallel_loop3A_221 = arith.index_cast %parallel_loop3A_220 : i32 to index
        %parallel_loop3A_222 = arith.index_cast %parallel_loop3A_155 : i32 to index
        %parallel_loop3A_223 = tpu.vector_load %arg13[%parallel_loop3A_221, %parallel_loop3A_222] {strides = array<i32>} : memref<32x768xf32, #tpu.memory_space<vmem>>, vector<1x16xf32>,
        %parallel_loop3A_224 = vector.shape_cast %parallel_loop3A_223 : vector<1x16xf32> to vector<16xf32>
        %parallel_loop3A_225 = arith.addf %parallel_loop3A_224, %parallel_loop3A_159 : vector<16xf32>
        %parallel_loop3A_226 = arith.constant 5 : i32
        %parallel_loop3A_227 = arith.index_cast %parallel_loop3A_226 : i32 to index
        %parallel_loop3A_228 = arith.index_cast %parallel_loop3A_155 : i32 to index
        %parallel_loop3A_229 = tpu.vector_load %arg13[%parallel_loop3A_227, %parallel_loop3A_228] {strides = array<i32>} : memref<32x768xf32, #tpu.memory_space<vmem>>, vector<1x16xf32>,
        %parallel_loop3A_230 = vector.shape_cast %parallel_loop3A_229 : vector<1x16xf32> to vector<16xf32>
        %parallel_loop3A_231 = vector.shape_cast %parallel_loop3A_225 : vector<16xf32> to vector<1x16xf32>
        tpu.vector_store %arg13[%parallel_loop3A_227, %parallel_loop3A_228], %parallel_loop3A_231 {strides = array<i32>} : memref<32x768xf32, #tpu.memory_space<vmem>>, vector<1x16xf32>,
        %parallel_loop3A_232 = arith.constant 6 : i32
        %parallel_loop3A_233 = arith.index_cast %parallel_loop3A_232 : i32 to index
        %parallel_loop3A_234 = arith.index_cast %parallel_loop3A_155 : i32 to index
        %parallel_loop3A_235 = tpu.vector_load %arg13[%parallel_loop3A_233, %parallel_loop3A_234] {strides = array<i32>} : memref<32x768xf32, #tpu.memory_space<vmem>>, vector<1x16xf32>,
        %parallel_loop3A_236 = vector.shape_cast %parallel_loop3A_235 : vector<1x16xf32> to vector<16xf32>
        %parallel_loop3A_237 = arith.addf %parallel_loop3A_236, %parallel_loop3A_159 : vector<16xf32>
        %parallel_loop3A_238 = arith.constant 6 : i32
        %parallel_loop3A_239 = arith.index_cast %parallel_loop3A_238 : i32 to index
        %parallel_loop3A_240 = arith.index_cast %parallel_loop3A_155 : i32 to index
        %parallel_loop3A_241 = tpu.vector_load %arg13[%parallel_loop3A_239, %parallel_loop3A_240] {strides = array<i32>} : memref<32x768xf32, #tpu.memory_space<vmem>>, vector<1x16xf32>,
        %parallel_loop3A_242 = vector.shape_cast %parallel_loop3A_241 : vector<1x16xf32> to vector<16xf32>
        %parallel_loop3A_243 = vector.shape_cast %parallel_loop3A_237 : vector<16xf32> to vector<1x16xf32>
        tpu.vector_store %arg13[%parallel_loop3A_239, %parallel_loop3A_240], %parallel_loop3A_243 {strides = array<i32>} : memref<32x768xf32, #tpu.memory_space<vmem>>, vector<1x16xf32>,
        %parallel_loop3A_244 = arith.constant 7 : i32
        %parallel_loop3A_245 = arith.index_cast %parallel_loop3A_244 : i32 to index
        %parallel_loop3A_246 = arith.index_cast %parallel_loop3A_155 : i32 to index
        %parallel_loop3A_247 = tpu.vector_load %arg13[%parallel_loop3A_245, %parallel_loop3A_246] {strides = array<i32>} : memref<32x768xf32, #tpu.memory_space<vmem>>, vector<1x16xf32>,
        %parallel_loop3A_248 = vector.shape_cast %parallel_loop3A_247 : vector<1x16xf32> to vector<16xf32>
        %parallel_loop3A_249 = arith.addf %parallel_loop3A_248, %parallel_loop3A_159 : vector<16xf32>
        %parallel_loop3A_250 = arith.constant 7 : i32
        %parallel_loop3A_251 = arith.index_cast %parallel_loop3A_250 : i32 to index
        %parallel_loop3A_252 = arith.index_cast %parallel_loop3A_155 : i32 to index
        %parallel_loop3A_253 = tpu.vector_load %arg13[%parallel_loop3A_251, %parallel_loop3A_252] {strides = array<i32>} : memref<32x768xf32, #tpu.memory_space<vmem>>, vector<1x16xf32>,
        %parallel_loop3A_254 = vector.shape_cast %parallel_loop3A_253 : vector<1x16xf32> to vector<16xf32>
        %parallel_loop3A_255 = vector.shape_cast %parallel_loop3A_249 : vector<16xf32> to vector<1x16xf32>
        tpu.vector_store %arg13[%parallel_loop3A_251, %parallel_loop3A_252], %parallel_loop3A_255 {strides = array<i32>} : memref<32x768xf32, #tpu.memory_space<vmem>>, vector<1x16xf32>,
        %parallel_loop3A_256 = arith.constant 8 : i32
        %parallel_loop3A_257 = arith.index_cast %parallel_loop3A_256 : i32 to index
        %parallel_loop3A_258 = arith.index_cast %parallel_loop3A_155 : i32 to index
        %parallel_loop3A_259 = tpu.vector_load %arg13[%parallel_loop3A_257, %parallel_loop3A_258] {strides = array<i32>} : memref<32x768xf32, #tpu.memory_space<vmem>>, vector<1x16xf32>,
        %parallel_loop3A_260 = vector.shape_cast %parallel_loop3A_259 : vector<1x16xf32> to vector<16xf32>
        %parallel_loop3A_261 = arith.addf %parallel_loop3A_260, %parallel_loop3A_159 : vector<16xf32>
        %parallel_loop3A_262 = arith.constant 8 : i32
        %parallel_loop3A_263 = arith.index_cast %parallel_loop3A_262 : i32 to index
        %parallel_loop3A_264 = arith.index_cast %parallel_loop3A_155 : i32 to index
        %parallel_loop3A_265 = tpu.vector_load %arg13[%parallel_loop3A_263, %parallel_loop3A_264] {strides = array<i32>} : memref<32x768xf32, #tpu.memory_space<vmem>>, vector<1x16xf32>,
        %parallel_loop3A_266 = vector.shape_cast %parallel_loop3A_265 : vector<1x16xf32> to vector<16xf32>
        %parallel_loop3A_267 = vector.shape_cast %parallel_loop3A_261 : vector<16xf32> to vector<1x16xf32>
        tpu.vector_store %arg13[%parallel_loop3A_263, %parallel_loop3A_264], %parallel_loop3A_267 {strides = array<i32>} : memref<32x768xf32, #tpu.memory_space<vmem>>, vector<1x16xf32>,
        %parallel_loop3A_268 = arith.constant 9 : i32
        %parallel_loop3A_269 = arith.index_cast %parallel_loop3A_268 : i32 to index
        %parallel_loop3A_270 = arith.index_cast %parallel_loop3A_155 : i32 to index
        %parallel_loop3A_271 = tpu.vector_load %arg13[%parallel_loop3A_269, %parallel_loop3A_270] {strides = array<i32>} : memref<32x768xf32, #tpu.memory_space<vmem>>, vector<1x16xf32>,
        %parallel_loop3A_272 = vector.shape_cast %parallel_loop3A_271 : vector<1x16xf32> to vector<16xf32>
        %parallel_loop3A_273 = arith.addf %parallel_loop3A_272, %parallel_loop3A_159 : vector<16xf32>
        %parallel_loop3A_274 = arith.constant 9 : i32
        %parallel_loop3A_275 = arith.index_cast %parallel_loop3A_274 : i32 to index
        %parallel_loop3A_276 = arith.index_cast %parallel_loop3A_155 : i32 to index
        %parallel_loop3A_277 = tpu.vector_load %arg13[%parallel_loop3A_275, %parallel_loop3A_276] {strides = array<i32>} : memref<32x768xf32, #tpu.memory_space<vmem>>, vector<1x16xf32>,
        %parallel_loop3A_278 = vector.shape_cast %parallel_loop3A_277 : vector<1x16xf32> to vector<16xf32>
        %parallel_loop3A_279 = vector.shape_cast %parallel_loop3A_273 : vector<16xf32> to vector<1x16xf32>
        tpu.vector_store %arg13[%parallel_loop3A_275, %parallel_loop3A_276], %parallel_loop3A_279 {strides = array<i32>} : memref<32x768xf32, #tpu.memory_space<vmem>>, vector<1x16xf32>,
        %parallel_loop3A_280 = arith.constant 10 : i32
        %parallel_loop3A_281 = arith.index_cast %parallel_loop3A_280 : i32 to index
        %parallel_loop3A_282 = arith.index_cast %parallel_loop3A_155 : i32 to index
        %parallel_loop3A_283 = tpu.vector_load %arg13[%parallel_loop3A_281, %parallel_loop3A_282] {strides = array<i32>} : memref<32x768xf32, #tpu.memory_space<vmem>>, vector<1x16xf32>,
        %parallel_loop3A_284 = vector.shape_cast %parallel_loop3A_283 : vector<1x16xf32> to vector<16xf32>
        %parallel_loop3A_285 = arith.addf %parallel_loop3A_284, %parallel_loop3A_159 : vector<16xf32>
        %parallel_loop3A_286 = arith.constant 10 : i32
        %parallel_loop3A_287 = arith.index_cast %parallel_loop3A_286 : i32 to index
        %parallel_loop3A_288 = arith.index_cast %parallel_loop3A_155 : i32 to index
        %parallel_loop3A_289 = tpu.vector_load %arg13[%parallel_loop3A_287, %parallel_loop3A_288] {strides = array<i32>} : memref<32x768xf32, #tpu.memory_space<vmem>>, vector<1x16xf32>,
        %parallel_loop3A_290 = vector.shape_cast %parallel_loop3A_289 : vector<1x16xf32> to vector<16xf32>
        %parallel_loop3A_291 = vector.shape_cast %parallel_loop3A_285 : vector<16xf32> to vector<1x16xf32>
        tpu.vector_store %arg13[%parallel_loop3A_287, %parallel_loop3A_288], %parallel_loop3A_291 {strides = array<i32>} : memref<32x768xf32, #tpu.memory_space<vmem>>, vector<1x16xf32>,
        %parallel_loop3A_292 = arith.constant 11 : i32
        %parallel_loop3A_293 = arith.index_cast %parallel_loop3A_292 : i32 to index
        %parallel_loop3A_294 = arith.index_cast %parallel_loop3A_155 : i32 to index
        %parallel_loop3A_295 = tpu.vector_load %arg13[%parallel_loop3A_293, %parallel_loop3A_294] {strides = array<i32>} : memref<32x768xf32, #tpu.memory_space<vmem>>, vector<1x16xf32>,
        %parallel_loop3A_296 = vector.shape_cast %parallel_loop3A_295 : vector<1x16xf32> to vector<16xf32>
        %parallel_loop3A_297 = arith.addf %parallel_loop3A_296, %parallel_loop3A_159 : vector<16xf32>
        %parallel_loop3A_298 = arith.constant 11 : i32
        %parallel_loop3A_299 = arith.index_cast %parallel_loop3A_298 : i32 to index
        %parallel_loop3A_300 = arith.index_cast %parallel_loop3A_155 : i32 to index
        %parallel_loop3A_301 = tpu.vector_load %arg13[%parallel_loop3A_299, %parallel_loop3A_300] {strides = array<i32>} : memref<32x768xf32, #tpu.memory_space<vmem>>, vector<1x16xf32>,
        %parallel_loop3A_302 = vector.shape_cast %parallel_loop3A_301 : vector<1x16xf32> to vector<16xf32>
        %parallel_loop3A_303 = vector.shape_cast %parallel_loop3A_297 : vector<16xf32> to vector<1x16xf32>
        tpu.vector_store %arg13[%parallel_loop3A_299, %parallel_loop3A_300], %parallel_loop3A_303 {strides = array<i32>} : memref<32x768xf32, #tpu.memory_space<vmem>>, vector<1x16xf32>,
        %parallel_loop3A_304 = arith.constant 12 : i32
        %parallel_loop3A_305 = arith.index_cast %parallel_loop3A_304 : i32 to index
        %parallel_loop3A_306 = arith.index_cast %parallel_loop3A_155 : i32 to index
        %parallel_loop3A_307 = tpu.vector_load %arg13[%parallel_loop3A_305, %parallel_loop3A_306] {strides = array<i32>} : memref<32x768xf32, #tpu.memory_space<vmem>>, vector<1x16xf32>,
        %parallel_loop3A_308 = vector.shape_cast %parallel_loop3A_307 : vector<1x16xf32> to vector<16xf32>
        %parallel_loop3A_309 = arith.addf %parallel_loop3A_308, %parallel_loop3A_159 : vector<16xf32>
        %parallel_loop3A_310 = arith.constant 12 : i32
        %parallel_loop3A_311 = arith.index_cast %parallel_loop3A_310 : i32 to index
        %parallel_loop3A_312 = arith.index_cast %parallel_loop3A_155 : i32 to index
        %parallel_loop3A_313 = tpu.vector_load %arg13[%parallel_loop3A_311, %parallel_loop3A_312] {strides = array<i32>} : memref<32x768xf32, #tpu.memory_space<vmem>>, vector<1x16xf32>,
        %parallel_loop3A_314 = vector.shape_cast %parallel_loop3A_313 : vector<1x16xf32> to vector<16xf32>
        %parallel_loop3A_315 = vector.shape_cast %parallel_loop3A_309 : vector<16xf32> to vector<1x16xf32>
        tpu.vector_store %arg13[%parallel_loop3A_311, %parallel_loop3A_312], %parallel_loop3A_315 {strides = array<i32>} : memref<32x768xf32, #tpu.memory_space<vmem>>, vector<1x16xf32>,
        %parallel_loop3A_316 = arith.constant 13 : i32
        %parallel_loop3A_317 = arith.index_cast %parallel_loop3A_316 : i32 to index
        %parallel_loop3A_318 = arith.index_cast %parallel_loop3A_155 : i32 to index
        %parallel_loop3A_319 = tpu.vector_load %arg13[%parallel_loop3A_317, %parallel_loop3A_318] {strides = array<i32>} : memref<32x768xf32, #tpu.memory_space<vmem>>, vector<1x16xf32>,
        %parallel_loop3A_320 = vector.shape_cast %parallel_loop3A_319 : vector<1x16xf32> to vector<16xf32>
        %parallel_loop3A_321 = arith.addf %parallel_loop3A_320, %parallel_loop3A_159 : vector<16xf32>
        %parallel_loop3A_322 = arith.constant 13 : i32
        %parallel_loop3A_323 = arith.index_cast %parallel_loop3A_322 : i32 to index
        %parallel_loop3A_324 = arith.index_cast %parallel_loop3A_155 : i32 to index
        %parallel_loop3A_325 = tpu.vector_load %arg13[%parallel_loop3A_323, %parallel_loop3A_324] {strides = array<i32>} : memref<32x768xf32, #tpu.memory_space<vmem>>, vector<1x16xf32>,
        %parallel_loop3A_326 = vector.shape_cast %parallel_loop3A_325 : vector<1x16xf32> to vector<16xf32>
        %parallel_loop3A_327 = vector.shape_cast %parallel_loop3A_321 : vector<16xf32> to vector<1x16xf32>
        tpu.vector_store %arg13[%parallel_loop3A_323, %parallel_loop3A_324], %parallel_loop3A_327 {strides = array<i32>} : memref<32x768xf32, #tpu.memory_space<vmem>>, vector<1x16xf32>,
        %parallel_loop3A_328 = arith.constant 14 : i32
        %parallel_loop3A_329 = arith.index_cast %parallel_loop3A_328 : i32 to index
        %parallel_loop3A_330 = arith.index_cast %parallel_loop3A_155 : i32 to index
        %parallel_loop3A_331 = tpu.vector_load %arg13[%parallel_loop3A_329, %parallel_loop3A_330] {strides = array<i32>} : memref<32x768xf32, #tpu.memory_space<vmem>>, vector<1x16xf32>,
        %parallel_loop3A_332 = vector.shape_cast %parallel_loop3A_331 : vector<1x16xf32> to vector<16xf32>
        %parallel_loop3A_333 = arith.addf %parallel_loop3A_332, %parallel_loop3A_159 : vector<16xf32>
        %parallel_loop3A_334 = arith.constant 14 : i32
        %parallel_loop3A_335 = arith.index_cast %parallel_loop3A_334 : i32 to index
        %parallel_loop3A_336 = arith.index_cast %parallel_loop3A_155 : i32 to index
        %parallel_loop3A_337 = tpu.vector_load %arg13[%parallel_loop3A_335, %parallel_loop3A_336] {strides = array<i32>} : memref<32x768xf32, #tpu.memory_space<vmem>>, vector<1x16xf32>,
        %parallel_loop3A_338 = vector.shape_cast %parallel_loop3A_337 : vector<1x16xf32> to vector<16xf32>
        %parallel_loop3A_339 = vector.shape_cast %parallel_loop3A_333 : vector<16xf32> to vector<1x16xf32>
        tpu.vector_store %arg13[%parallel_loop3A_335, %parallel_loop3A_336], %parallel_loop3A_339 {strides = array<i32>} : memref<32x768xf32, #tpu.memory_space<vmem>>, vector<1x16xf32>,
        %parallel_loop3A_340 = arith.constant 15 : i32
        %parallel_loop3A_341 = arith.index_cast %parallel_loop3A_340 : i32 to index
        %parallel_loop3A_342 = arith.index_cast %parallel_loop3A_155 : i32 to index
        %parallel_loop3A_343 = tpu.vector_load %arg13[%parallel_loop3A_341, %parallel_loop3A_342] {strides = array<i32>} : memref<32x768xf32, #tpu.memory_space<vmem>>, vector<1x16xf32>,
        %parallel_loop3A_344 = vector.shape_cast %parallel_loop3A_343 : vector<1x16xf32> to vector<16xf32>
        %parallel_loop3A_345 = arith.addf %parallel_loop3A_344, %parallel_loop3A_159 : vector<16xf32>
        %parallel_loop3A_346 = arith.constant 15 : i32
        %parallel_loop3A_347 = arith.index_cast %parallel_loop3A_346 : i32 to index
        %parallel_loop3A_348 = arith.index_cast %parallel_loop3A_155 : i32 to index
        %parallel_loop3A_349 = tpu.vector_load %arg13[%parallel_loop3A_347, %parallel_loop3A_348] {strides = array<i32>} : memref<32x768xf32, #tpu.memory_space<vmem>>, vector<1x16xf32>,
        %parallel_loop3A_350 = vector.shape_cast %parallel_loop3A_349 : vector<1x16xf32> to vector<16xf32>
        %parallel_loop3A_351 = vector.shape_cast %parallel_loop3A_345 : vector<16xf32> to vector<1x16xf32>
        tpu.vector_store %arg13[%parallel_loop3A_347, %parallel_loop3A_348], %parallel_loop3A_351 {strides = array<i32>} : memref<32x768xf32, #tpu.memory_space<vmem>>, vector<1x16xf32>,
        %parallel_loop3A_352 = arith.constant 16 : i32
        %parallel_loop3A_353 = arith.index_cast %parallel_loop3A_352 : i32 to index
        %parallel_loop3A_354 = arith.index_cast %parallel_loop3A_155 : i32 to index
        %parallel_loop3A_355 = tpu.vector_load %arg13[%parallel_loop3A_353, %parallel_loop3A_354] {strides = array<i32>} : memref<32x768xf32, #tpu.memory_space<vmem>>, vector<1x16xf32>,
        %parallel_loop3A_356 = vector.shape_cast %parallel_loop3A_355 : vector<1x16xf32> to vector<16xf32>
        %parallel_loop3A_357 = arith.addf %parallel_loop3A_356, %parallel_loop3A_159 : vector<16xf32>
        %parallel_loop3A_358 = arith.constant 16 : i32
        %parallel_loop3A_359 = arith.index_cast %parallel_loop3A_358 : i32 to index
        %parallel_loop3A_360 = arith.index_cast %parallel_loop3A_155 : i32 to index
        %parallel_loop3A_361 = tpu.vector_load %arg13[%parallel_loop3A_359, %parallel_loop3A_360] {strides = array<i32>} : memref<32x768xf32, #tpu.memory_space<vmem>>, vector<1x16xf32>,
        %parallel_loop3A_362 = vector.shape_cast %parallel_loop3A_361 : vector<1x16xf32> to vector<16xf32>
        %parallel_loop3A_363 = vector.shape_cast %parallel_loop3A_357 : vector<16xf32> to vector<1x16xf32>
        tpu.vector_store %arg13[%parallel_loop3A_359, %parallel_loop3A_360], %parallel_loop3A_363 {strides = array<i32>} : memref<32x768xf32, #tpu.memory_space<vmem>>, vector<1x16xf32>,
        %parallel_loop3A_364 = arith.constant 17 : i32
        %parallel_loop3A_365 = arith.index_cast %parallel_loop3A_364 : i32 to index
        %parallel_loop3A_366 = arith.index_cast %parallel_loop3A_155 : i32 to index
        %parallel_loop3A_367 = tpu.vector_load %arg13[%parallel_loop3A_365, %parallel_loop3A_366] {strides = array<i32>} : memref<32x768xf32, #tpu.memory_space<vmem>>, vector<1x16xf32>,
        %parallel_loop3A_368 = vector.shape_cast %parallel_loop3A_367 : vector<1x16xf32> to vector<16xf32>
        %parallel_loop3A_369 = arith.addf %parallel_loop3A_368, %parallel_loop3A_159 : vector<16xf32>
        %parallel_loop3A_370 = arith.constant 17 : i32
        %parallel_loop3A_371 = arith.index_cast %parallel_loop3A_370 : i32 to index
        %parallel_loop3A_372 = arith.index_cast %parallel_loop3A_155 : i32 to index
        %parallel_loop3A_373 = tpu.vector_load %arg13[%parallel_loop3A_371, %parallel_loop3A_372] {strides = array<i32>} : memref<32x768xf32, #tpu.memory_space<vmem>>, vector<1x16xf32>,
        %parallel_loop3A_374 = vector.shape_cast %parallel_loop3A_373 : vector<1x16xf32> to vector<16xf32>
        %parallel_loop3A_375 = vector.shape_cast %parallel_loop3A_369 : vector<16xf32> to vector<1x16xf32>
        tpu.vector_store %arg13[%parallel_loop3A_371, %parallel_loop3A_372], %parallel_loop3A_375 {strides = array<i32>} : memref<32x768xf32, #tpu.memory_space<vmem>>, vector<1x16xf32>,
        %parallel_loop3A_376 = arith.constant 18 : i32
        %parallel_loop3A_377 = arith.index_cast %parallel_loop3A_376 : i32 to index
        %parallel_loop3A_378 = arith.index_cast %parallel_loop3A_155 : i32 to index
        %parallel_loop3A_379 = tpu.vector_load %arg13[%parallel_loop3A_377, %parallel_loop3A_378] {strides = array<i32>} : memref<32x768xf32, #tpu.memory_space<vmem>>, vector<1x16xf32>,
        %parallel_loop3A_380 = vector.shape_cast %parallel_loop3A_379 : vector<1x16xf32> to vector<16xf32>
        %parallel_loop3A_381 = arith.addf %parallel_loop3A_380, %parallel_loop3A_159 : vector<16xf32>
        %parallel_loop3A_382 = arith.constant 18 : i32
        %parallel_loop3A_383 = arith.index_cast %parallel_loop3A_382 : i32 to index
        %parallel_loop3A_384 = arith.index_cast %parallel_loop3A_155 : i32 to index
        %parallel_loop3A_385 = tpu.vector_load %arg13[%parallel_loop3A_383, %parallel_loop3A_384] {strides = array<i32>} : memref<32x768xf32, #tpu.memory_space<vmem>>, vector<1x16xf32>,
        %parallel_loop3A_386 = vector.shape_cast %parallel_loop3A_385 : vector<1x16xf32> to vector<16xf32>
        %parallel_loop3A_387 = vector.shape_cast %parallel_loop3A_381 : vector<16xf32> to vector<1x16xf32>
        tpu.vector_store %arg13[%parallel_loop3A_383, %parallel_loop3A_384], %parallel_loop3A_387 {strides = array<i32>} : memref<32x768xf32, #tpu.memory_space<vmem>>, vector<1x16xf32>,
        %parallel_loop3A_388 = arith.constant 19 : i32
        %parallel_loop3A_389 = arith.index_cast %parallel_loop3A_388 : i32 to index
        %parallel_loop3A_390 = arith.index_cast %parallel_loop3A_155 : i32 to index
        %parallel_loop3A_391 = tpu.vector_load %arg13[%parallel_loop3A_389, %parallel_loop3A_390] {strides = array<i32>} : memref<32x768xf32, #tpu.memory_space<vmem>>, vector<1x16xf32>,
        %parallel_loop3A_392 = vector.shape_cast %parallel_loop3A_391 : vector<1x16xf32> to vector<16xf32>
        %parallel_loop3A_393 = arith.addf %parallel_loop3A_392, %parallel_loop3A_159 : vector<16xf32>
        %parallel_loop3A_394 = arith.constant 19 : i32
        %parallel_loop3A_395 = arith.index_cast %parallel_loop3A_394 : i32 to index
        %parallel_loop3A_396 = arith.index_cast %parallel_loop3A_155 : i32 to index
        %parallel_loop3A_397 = tpu.vector_load %arg13[%parallel_loop3A_395, %parallel_loop3A_396] {strides = array<i32>} : memref<32x768xf32, #tpu.memory_space<vmem>>, vector<1x16xf32>,
        %parallel_loop3A_398 = vector.shape_cast %parallel_loop3A_397 : vector<1x16xf32> to vector<16xf32>
        %parallel_loop3A_399 = vector.shape_cast %parallel_loop3A_393 : vector<16xf32> to vector<1x16xf32>
        tpu.vector_store %arg13[%parallel_loop3A_395, %parallel_loop3A_396], %parallel_loop3A_399 {strides = array<i32>} : memref<32x768xf32, #tpu.memory_space<vmem>>, vector<1x16xf32>,
        %parallel_loop3A_400 = arith.constant 20 : i32
        %parallel_loop3A_401 = arith.index_cast %parallel_loop3A_400 : i32 to index
        %parallel_loop3A_402 = arith.index_cast %parallel_loop3A_155 : i32 to index
        %parallel_loop3A_403 = tpu.vector_load %arg13[%parallel_loop3A_401, %parallel_loop3A_402] {strides = array<i32>} : memref<32x768xf32, #tpu.memory_space<vmem>>, vector<1x16xf32>,
        %parallel_loop3A_404 = vector.shape_cast %parallel_loop3A_403 : vector<1x16xf32> to vector<16xf32>
        %parallel_loop3A_405 = arith.addf %parallel_loop3A_404, %parallel_loop3A_159 : vector<16xf32>
        %parallel_loop3A_406 = arith.constant 20 : i32
        %parallel_loop3A_407 = arith.index_cast %parallel_loop3A_406 : i32 to index
        %parallel_loop3A_408 = arith.index_cast %parallel_loop3A_155 : i32 to index
        %parallel_loop3A_409 = tpu.vector_load %arg13[%parallel_loop3A_407, %parallel_loop3A_408] {strides = array<i32>} : memref<32x768xf32, #tpu.memory_space<vmem>>, vector<1x16xf32>,
        %parallel_loop3A_410 = vector.shape_cast %parallel_loop3A_409 : vector<1x16xf32> to vector<16xf32>
        %parallel_loop3A_411 = vector.shape_cast %parallel_loop3A_405 : vector<16xf32> to vector<1x16xf32>
        tpu.vector_store %arg13[%parallel_loop3A_407, %parallel_loop3A_408], %parallel_loop3A_411 {strides = array<i32>} : memref<32x768xf32, #tpu.memory_space<vmem>>, vector<1x16xf32>,
        %parallel_loop3A_412 = arith.constant 21 : i32
        %parallel_loop3A_413 = arith.index_cast %parallel_loop3A_412 : i32 to index
        %parallel_loop3A_414 = arith.index_cast %parallel_loop3A_155 : i32 to index
        %parallel_loop3A_415 = tpu.vector_load %arg13[%parallel_loop3A_413, %parallel_loop3A_414] {strides = array<i32>} : memref<32x768xf32, #tpu.memory_space<vmem>>, vector<1x16xf32>,
        %parallel_loop3A_416 = vector.shape_cast %parallel_loop3A_415 : vector<1x16xf32> to vector<16xf32>
        %parallel_loop3A_417 = arith.addf %parallel_loop3A_416, %parallel_loop3A_159 : vector<16xf32>
        %parallel_loop3A_418 = arith.constant 21 : i32
        %parallel_loop3A_419 = arith.index_cast %parallel_loop3A_418 : i32 to index
        %parallel_loop3A_420 = arith.index_cast %parallel_loop3A_155 : i32 to index
        %parallel_loop3A_421 = tpu.vector_load %arg13[%parallel_loop3A_419, %parallel_loop3A_420] {strides = array<i32>} : memref<32x768xf32, #tpu.memory_space<vmem>>, vector<1x16xf32>,
        %parallel_loop3A_422 = vector.shape_cast %parallel_loop3A_421 : vector<1x16xf32> to vector<16xf32>
        %parallel_loop3A_423 = vector.shape_cast %parallel_loop3A_417 : vector<16xf32> to vector<1x16xf32>
        tpu.vector_store %arg13[%parallel_loop3A_419, %parallel_loop3A_420], %parallel_loop3A_423 {strides = array<i32>} : memref<32x768xf32, #tpu.memory_space<vmem>>, vector<1x16xf32>,
        %parallel_loop3A_424 = arith.constant 22 : i32
        %parallel_loop3A_425 = arith.index_cast %parallel_loop3A_424 : i32 to index
        %parallel_loop3A_426 = arith.index_cast %parallel_loop3A_155 : i32 to index
        %parallel_loop3A_427 = tpu.vector_load %arg13[%parallel_loop3A_425, %parallel_loop3A_426] {strides = array<i32>} : memref<32x768xf32, #tpu.memory_space<vmem>>, vector<1x16xf32>,
        %parallel_loop3A_428 = vector.shape_cast %parallel_loop3A_427 : vector<1x16xf32> to vector<16xf32>
        %parallel_loop3A_429 = arith.addf %parallel_loop3A_428, %parallel_loop3A_159 : vector<16xf32>
        %parallel_loop3A_430 = arith.constant 22 : i32
        %parallel_loop3A_431 = arith.index_cast %parallel_loop3A_430 : i32 to index
        %parallel_loop3A_432 = arith.index_cast %parallel_loop3A_155 : i32 to index
        %parallel_loop3A_433 = tpu.vector_load %arg13[%parallel_loop3A_431, %parallel_loop3A_432] {strides = array<i32>} : memref<32x768xf32, #tpu.memory_space<vmem>>, vector<1x16xf32>,
        %parallel_loop3A_434 = vector.shape_cast %parallel_loop3A_433 : vector<1x16xf32> to vector<16xf32>
        %parallel_loop3A_435 = vector.shape_cast %parallel_loop3A_429 : vector<16xf32> to vector<1x16xf32>
        tpu.vector_store %arg13[%parallel_loop3A_431, %parallel_loop3A_432], %parallel_loop3A_435 {strides = array<i32>} : memref<32x768xf32, #tpu.memory_space<vmem>>, vector<1x16xf32>,
        %parallel_loop3A_436 = arith.constant 23 : i32
        %parallel_loop3A_437 = arith.index_cast %parallel_loop3A_436 : i32 to index
        %parallel_loop3A_438 = arith.index_cast %parallel_loop3A_155 : i32 to index
        %parallel_loop3A_439 = tpu.vector_load %arg13[%parallel_loop3A_437, %parallel_loop3A_438] {strides = array<i32>} : memref<32x768xf32, #tpu.memory_space<vmem>>, vector<1x16xf32>,
        %parallel_loop3A_440 = vector.shape_cast %parallel_loop3A_439 : vector<1x16xf32> to vector<16xf32>
        %parallel_loop3A_441 = arith.addf %parallel_loop3A_440, %parallel_loop3A_159 : vector<16xf32>
        %parallel_loop3A_442 = arith.constant 23 : i32
        %parallel_loop3A_443 = arith.index_cast %parallel_loop3A_442 : i32 to index
        %parallel_loop3A_444 = arith.index_cast %parallel_loop3A_155 : i32 to index
        %parallel_loop3A_445 = tpu.vector_load %arg13[%parallel_loop3A_443, %parallel_loop3A_444] {strides = array<i32>} : memref<32x768xf32, #tpu.memory_space<vmem>>, vector<1x16xf32>,
        %parallel_loop3A_446 = vector.shape_cast %parallel_loop3A_445 : vector<1x16xf32> to vector<16xf32>
        %parallel_loop3A_447 = vector.shape_cast %parallel_loop3A_441 : vector<16xf32> to vector<1x16xf32>
        tpu.vector_store %arg13[%parallel_loop3A_443, %parallel_loop3A_444], %parallel_loop3A_447 {strides = array<i32>} : memref<32x768xf32, #tpu.memory_space<vmem>>, vector<1x16xf32>,
        %parallel_loop3A_448 = arith.constant 24 : i32
        %parallel_loop3A_449 = arith.index_cast %parallel_loop3A_448 : i32 to index
        %parallel_loop3A_450 = arith.index_cast %parallel_loop3A_155 : i32 to index
        %parallel_loop3A_451 = tpu.vector_load %arg13[%parallel_loop3A_449, %parallel_loop3A_450] {strides = array<i32>} : memref<32x768xf32, #tpu.memory_space<vmem>>, vector<1x16xf32>,
        %parallel_loop3A_452 = vector.shape_cast %parallel_loop3A_451 : vector<1x16xf32> to vector<16xf32>
        %parallel_loop3A_453 = arith.addf %parallel_loop3A_452, %parallel_loop3A_159 : vector<16xf32>
        %parallel_loop3A_454 = arith.constant 24 : i32
        %parallel_loop3A_455 = arith.index_cast %parallel_loop3A_454 : i32 to index
        %parallel_loop3A_456 = arith.index_cast %parallel_loop3A_155 : i32 to index
        %parallel_loop3A_457 = tpu.vector_load %arg13[%parallel_loop3A_455, %parallel_loop3A_456] {strides = array<i32>} : memref<32x768xf32, #tpu.memory_space<vmem>>, vector<1x16xf32>,
        %parallel_loop3A_458 = vector.shape_cast %parallel_loop3A_457 : vector<1x16xf32> to vector<16xf32>
        %parallel_loop3A_459 = vector.shape_cast %parallel_loop3A_453 : vector<16xf32> to vector<1x16xf32>
        tpu.vector_store %arg13[%parallel_loop3A_455, %parallel_loop3A_456], %parallel_loop3A_459 {strides = array<i32>} : memref<32x768xf32, #tpu.memory_space<vmem>>, vector<1x16xf32>,
        %parallel_loop3A_460 = arith.constant 25 : i32
        %parallel_loop3A_461 = arith.index_cast %parallel_loop3A_460 : i32 to index
        %parallel_loop3A_462 = arith.index_cast %parallel_loop3A_155 : i32 to index
        %parallel_loop3A_463 = tpu.vector_load %arg13[%parallel_loop3A_461, %parallel_loop3A_462] {strides = array<i32>} : memref<32x768xf32, #tpu.memory_space<vmem>>, vector<1x16xf32>,
        %parallel_loop3A_464 = vector.shape_cast %parallel_loop3A_463 : vector<1x16xf32> to vector<16xf32>
        %parallel_loop3A_465 = arith.addf %parallel_loop3A_464, %parallel_loop3A_159 : vector<16xf32>
        %parallel_loop3A_466 = arith.constant 25 : i32
        %parallel_loop3A_467 = arith.index_cast %parallel_loop3A_466 : i32 to index
        %parallel_loop3A_468 = arith.index_cast %parallel_loop3A_155 : i32 to index
        %parallel_loop3A_469 = tpu.vector_load %arg13[%parallel_loop3A_467, %parallel_loop3A_468] {strides = array<i32>} : memref<32x768xf32, #tpu.memory_space<vmem>>, vector<1x16xf32>,
        %parallel_loop3A_470 = vector.shape_cast %parallel_loop3A_469 : vector<1x16xf32> to vector<16xf32>
        %parallel_loop3A_471 = vector.shape_cast %parallel_loop3A_465 : vector<16xf32> to vector<1x16xf32>
        tpu.vector_store %arg13[%parallel_loop3A_467, %parallel_loop3A_468], %parallel_loop3A_471 {strides = array<i32>} : memref<32x768xf32, #tpu.memory_space<vmem>>, vector<1x16xf32>,
        %parallel_loop3A_472 = arith.constant 26 : i32
        %parallel_loop3A_473 = arith.index_cast %parallel_loop3A_472 : i32 to index
        %parallel_loop3A_474 = arith.index_cast %parallel_loop3A_155 : i32 to index
        %parallel_loop3A_475 = tpu.vector_load %arg13[%parallel_loop3A_473, %parallel_loop3A_474] {strides = array<i32>} : memref<32x768xf32, #tpu.memory_space<vmem>>, vector<1x16xf32>,
        %parallel_loop3A_476 = vector.shape_cast %parallel_loop3A_475 : vector<1x16xf32> to vector<16xf32>
        %parallel_loop3A_477 = arith.addf %parallel_loop3A_476, %parallel_loop3A_159 : vector<16xf32>
        %parallel_loop3A_478 = arith.constant 26 : i32
        %parallel_loop3A_479 = arith.index_cast %parallel_loop3A_478 : i32 to index
        %parallel_loop3A_480 = arith.index_cast %parallel_loop3A_155 : i32 to index
        %parallel_loop3A_481 = tpu.vector_load %arg13[%parallel_loop3A_479, %parallel_loop3A_480] {strides = array<i32>} : memref<32x768xf32, #tpu.memory_space<vmem>>, vector<1x16xf32>,
        %parallel_loop3A_482 = vector.shape_cast %parallel_loop3A_481 : vector<1x16xf32> to vector<16xf32>
        %parallel_loop3A_483 = vector.shape_cast %parallel_loop3A_477 : vector<16xf32> to vector<1x16xf32>
        tpu.vector_store %arg13[%parallel_loop3A_479, %parallel_loop3A_480], %parallel_loop3A_483 {strides = array<i32>} : memref<32x768xf32, #tpu.memory_space<vmem>>, vector<1x16xf32>,
        %parallel_loop3A_484 = arith.constant 27 : i32
        %parallel_loop3A_485 = arith.index_cast %parallel_loop3A_484 : i32 to index
        %parallel_loop3A_486 = arith.index_cast %parallel_loop3A_155 : i32 to index
        %parallel_loop3A_487 = tpu.vector_load %arg13[%parallel_loop3A_485, %parallel_loop3A_486] {strides = array<i32>} : memref<32x768xf32, #tpu.memory_space<vmem>>, vector<1x16xf32>,
        %parallel_loop3A_488 = vector.shape_cast %parallel_loop3A_487 : vector<1x16xf32> to vector<16xf32>
        %parallel_loop3A_489 = arith.addf %parallel_loop3A_488, %parallel_loop3A_159 : vector<16xf32>
        %parallel_loop3A_490 = arith.constant 27 : i32
        %parallel_loop3A_491 = arith.index_cast %parallel_loop3A_490 : i32 to index
        %parallel_loop3A_492 = arith.index_cast %parallel_loop3A_155 : i32 to index
        %parallel_loop3A_493 = tpu.vector_load %arg13[%parallel_loop3A_491, %parallel_loop3A_492] {strides = array<i32>} : memref<32x768xf32, #tpu.memory_space<vmem>>, vector<1x16xf32>,
        %parallel_loop3A_494 = vector.shape_cast %parallel_loop3A_493 : vector<1x16xf32> to vector<16xf32>
        %parallel_loop3A_495 = vector.shape_cast %parallel_loop3A_489 : vector<16xf32> to vector<1x16xf32>
        tpu.vector_store %arg13[%parallel_loop3A_491, %parallel_loop3A_492], %parallel_loop3A_495 {strides = array<i32>} : memref<32x768xf32, #tpu.memory_space<vmem>>, vector<1x16xf32>,
        %parallel_loop3A_496 = arith.constant 28 : i32
        %parallel_loop3A_497 = arith.index_cast %parallel_loop3A_496 : i32 to index
        %parallel_loop3A_498 = arith.index_cast %parallel_loop3A_155 : i32 to index
        %parallel_loop3A_499 = tpu.vector_load %arg13[%parallel_loop3A_497, %parallel_loop3A_498] {strides = array<i32>} : memref<32x768xf32, #tpu.memory_space<vmem>>, vector<1x16xf32>,
        %parallel_loop3A_500 = vector.shape_cast %parallel_loop3A_499 : vector<1x16xf32> to vector<16xf32>
        %parallel_loop3A_501 = arith.addf %parallel_loop3A_500, %parallel_loop3A_159 : vector<16xf32>
        %parallel_loop3A_502 = arith.constant 28 : i32
        %parallel_loop3A_503 = arith.index_cast %parallel_loop3A_502 : i32 to index
        %parallel_loop3A_504 = arith.index_cast %parallel_loop3A_155 : i32 to index
        %parallel_loop3A_505 = tpu.vector_load %arg13[%parallel_loop3A_503, %parallel_loop3A_504] {strides = array<i32>} : memref<32x768xf32, #tpu.memory_space<vmem>>, vector<1x16xf32>,
        %parallel_loop3A_506 = vector.shape_cast %parallel_loop3A_505 : vector<1x16xf32> to vector<16xf32>
        %parallel_loop3A_507 = vector.shape_cast %parallel_loop3A_501 : vector<16xf32> to vector<1x16xf32>
        tpu.vector_store %arg13[%parallel_loop3A_503, %parallel_loop3A_504], %parallel_loop3A_507 {strides = array<i32>} : memref<32x768xf32, #tpu.memory_space<vmem>>, vector<1x16xf32>,
        %parallel_loop3A_508 = arith.constant 29 : i32
        %parallel_loop3A_509 = arith.index_cast %parallel_loop3A_508 : i32 to index
        %parallel_loop3A_510 = arith.index_cast %parallel_loop3A_155 : i32 to index
        %parallel_loop3A_511 = tpu.vector_load %arg13[%parallel_loop3A_509, %parallel_loop3A_510] {strides = array<i32>} : memref<32x768xf32, #tpu.memory_space<vmem>>, vector<1x16xf32>,
        %parallel_loop3A_512 = vector.shape_cast %parallel_loop3A_511 : vector<1x16xf32> to vector<16xf32>
        %parallel_loop3A_513 = arith.addf %parallel_loop3A_512, %parallel_loop3A_159 : vector<16xf32>
        %parallel_loop3A_514 = arith.constant 29 : i32
        %parallel_loop3A_515 = arith.index_cast %parallel_loop3A_514 : i32 to index
        %parallel_loop3A_516 = arith.index_cast %parallel_loop3A_155 : i32 to index
        %parallel_loop3A_517 = tpu.vector_load %arg13[%parallel_loop3A_515, %parallel_loop3A_516] {strides = array<i32>} : memref<32x768xf32, #tpu.memory_space<vmem>>, vector<1x16xf32>,
        %parallel_loop3A_518 = vector.shape_cast %parallel_loop3A_517 : vector<1x16xf32> to vector<16xf32>
        %parallel_loop3A_519 = vector.shape_cast %parallel_loop3A_513 : vector<16xf32> to vector<1x16xf32>
        tpu.vector_store %arg13[%parallel_loop3A_515, %parallel_loop3A_516], %parallel_loop3A_519 {strides = array<i32>} : memref<32x768xf32, #tpu.memory_space<vmem>>, vector<1x16xf32>,
        %parallel_loop3A_520 = arith.constant 30 : i32
        %parallel_loop3A_521 = arith.index_cast %parallel_loop3A_520 : i32 to index
        %parallel_loop3A_522 = arith.index_cast %parallel_loop3A_155 : i32 to index
        %parallel_loop3A_523 = tpu.vector_load %arg13[%parallel_loop3A_521, %parallel_loop3A_522] {strides = array<i32>} : memref<32x768xf32, #tpu.memory_space<vmem>>, vector<1x16xf32>,
        %parallel_loop3A_524 = vector.shape_cast %parallel_loop3A_523 : vector<1x16xf32> to vector<16xf32>
        %parallel_loop3A_525 = arith.addf %parallel_loop3A_524, %parallel_loop3A_159 : vector<16xf32>
        %parallel_loop3A_526 = arith.constant 30 : i32
        %parallel_loop3A_527 = arith.index_cast %parallel_loop3A_526 : i32 to index
        %parallel_loop3A_528 = arith.index_cast %parallel_loop3A_155 : i32 to index
        %parallel_loop3A_529 = tpu.vector_load %arg13[%parallel_loop3A_527, %parallel_loop3A_528] {strides = array<i32>} : memref<32x768xf32, #tpu.memory_space<vmem>>, vector<1x16xf32>,
        %parallel_loop3A_530 = vector.shape_cast %parallel_loop3A_529 : vector<1x16xf32> to vector<16xf32>
        %parallel_loop3A_531 = vector.shape_cast %parallel_loop3A_525 : vector<16xf32> to vector<1x16xf32>
        tpu.vector_store %arg13[%parallel_loop3A_527, %parallel_loop3A_528], %parallel_loop3A_531 {strides = array<i32>} : memref<32x768xf32, #tpu.memory_space<vmem>>, vector<1x16xf32>,
        %parallel_loop3A_532 = arith.constant 31 : i32
        %parallel_loop3A_533 = arith.index_cast %parallel_loop3A_532 : i32 to index
        %parallel_loop3A_534 = arith.index_cast %parallel_loop3A_155 : i32 to index
        %parallel_loop3A_535 = tpu.vector_load %arg13[%parallel_loop3A_533, %parallel_loop3A_534] {strides = array<i32>} : memref<32x768xf32, #tpu.memory_space<vmem>>, vector<1x16xf32>,
        %parallel_loop3A_536 = vector.shape_cast %parallel_loop3A_535 : vector<1x16xf32> to vector<16xf32>
        %parallel_loop3A_537 = arith.addf %parallel_loop3A_536, %parallel_loop3A_159 : vector<16xf32>
        %parallel_loop3A_538 = arith.constant 31 : i32
        %parallel_loop3A_539 = arith.index_cast %parallel_loop3A_538 : i32 to index
        %parallel_loop3A_540 = arith.index_cast %parallel_loop3A_155 : i32 to index
        %parallel_loop3A_541 = tpu.vector_load %arg13[%parallel_loop3A_539, %parallel_loop3A_540] {strides = array<i32>} : memref<32x768xf32, #tpu.memory_space<vmem>>, vector<1x16xf32>,
        %parallel_loop3A_542 = vector.shape_cast %parallel_loop3A_541 : vector<1x16xf32> to vector<16xf32>
        %parallel_loop3A_543 = vector.shape_cast %parallel_loop3A_537 : vector<16xf32> to vector<1x16xf32>
        tpu.vector_store %arg13[%parallel_loop3A_539, %parallel_loop3A_540], %parallel_loop3A_543 {strides = array<i32>} : memref<32x768xf32, #tpu.memory_space<vmem>>, vector<1x16xf32>,
      } {sc.loop_unroll_factor = 1 : i64, sc.parallel_access}
      %dma_start3A_147 = arith.constant 0 : i32
      %dma_start3A_148 = tpu.memref_slice %arg8[%add3A_125, %dma_start3A_147] : memref<32x32xi32, #tpu.memory_space<vmem>> -> memref<1x32xi32, #tpu.memory_space<vmem>>
      %dma_start3A_149 = tpu.memref_squeeze %dma_start3A_148 : memref<1x32xi32, #tpu.memory_space<vmem>> -> memref<32xi32, #tpu.memory_space<vmem>>
      %dma_start3A_150 = arith.constant 0 : i32
      %dma_start3A_151 = arith.constant 0 : i32
      %dma_start3A_152 = tpu.memref_slice %arg6[%dma_start3A_150, %dma_start3A_151] : memref<32768x768xf32, #tpu.memory_space<hbm>> -> memref<32768x768xf32, #tpu.memory_space<hbm>>
      tpu.enqueue_indirect_dma source(%arg13 : memref<32x768xf32, #tpu.memory_space<vmem>>) target(%dma_start3A_152 : memref<32768x768xf32, #tpu.memory_space<hbm>>) offsets(%dma_start3A_149 : memref<32xi32, #tpu.memory_space<vmem>>) semaphore(%arg21 : memref<!tpu.dma_semaphore, #tpu.memory_space<semaphore_mem>>)
    }
    %scan3A_19 = arith.constant 8 : i32
    %dma_wait3A = arith.constant 30 : i32
    %dma_wait3A_20 = arith.constant 0 : i32
    %dma_wait3A_21 = tpu.memref_slice %arg8[%dma_wait3A, %dma_wait3A_20] : memref<32x32xi32, #tpu.memory_space<vmem>> -> memref<1x32xi32, #tpu.memory_space<vmem>>
    %dma_wait3A_22 = tpu.memref_squeeze %dma_wait3A_21 : memref<1x32xi32, #tpu.memory_space<vmem>> -> memref<32xi32, #tpu.memory_space<vmem>>
    %dma_wait3A_23 = arith.constant 0 : i32
    %dma_wait3A_24 = arith.constant 0 : i32
    %dma_wait3A_25 = tpu.memref_slice %arg6[%dma_wait3A_23, %dma_wait3A_24] : memref<32768x768xf32, #tpu.memory_space<hbm>> -> memref<32768x768xf32, #tpu.memory_space<hbm>>
    tpu.wait_indirect_dma semaphore(%arg20 : memref<!tpu.dma_semaphore, #tpu.memory_space<semaphore_mem>>) src(%arg12 : memref<32x768xf32, #tpu.memory_space<vmem>>) dst(%dma_wait3A_25 : memref<32768x768xf32, #tpu.memory_space<hbm>>)
    %dma_wait3A_26 = arith.constant 31 : i32
    %dma_wait3A_27 = arith.constant 0 : i32
    %dma_wait3A_28 = tpu.memref_slice %arg8[%dma_wait3A_26, %dma_wait3A_27] : memref<32x32xi32, #tpu.memory_space<vmem>> -> memref<1x32xi32, #tpu.memory_space<vmem>>
    %dma_wait3A_29 = tpu.memref_squeeze %dma_wait3A_28 : memref<1x32xi32, #tpu.memory_space<vmem>> -> memref<32xi32, #tpu.memory_space<vmem>>
    %dma_wait3A_30 = arith.constant 0 : i32
    %dma_wait3A_31 = arith.constant 0 : i32
    %dma_wait3A_32 = tpu.memref_slice %arg6[%dma_wait3A_30, %dma_wait3A_31] : memref<32768x768xf32, #tpu.memory_space<hbm>> -> memref<32768x768xf32, #tpu.memory_space<hbm>>
    tpu.wait_indirect_dma semaphore(%arg21 : memref<!tpu.dma_semaphore, #tpu.memory_space<semaphore_mem>>) src(%arg13 : memref<32x768xf32, #tpu.memory_space<vmem>>) dst(%dma_wait3A_32 : memref<32768x768xf32, #tpu.memory_space<hbm>>)
    return
  }
}

</mosaic_0001>

<sc_bundles>
// kernel: kernel.3.cloned.1.call-start
scs
__scs_entry_jumppad:
0x0: {  	(pc) =	sbr.rel $0x88, $3  }
0x1: {  	(tag) =	ssettag $0x0;
	lr =	simm.s32 $0x1  }
0x2: {  	[smem:$0x3F9E] =	sst lr;
	_ =	strace $0xD0000000  }
0x3: {  	_ = 	snop  }
0x4: {  	_ = 	snop  }
0x5: {  	_ = 	snop  }
0x6: {  	_ = 	snop  }
0x7: {  	_ = 	snop  }
__scs_overlays_trampoline_lowered:
0x8: {  	[smem:$0x3FAD] =	sst s0  }
0x9: {  	[smem:$0x3FAE] =	sst s1  }
0xa: {  	[smem:$0x3FAF] =	sst s2  }
0xb: {  	[smem:$0x3FB0] =	sst s3  }
0xc: {  	[smem:$0x3FB1] =	sst s4  }
0xd: {  	[smem:$0x3FB2] =	sst s5  }
0xe: {  	[smem:$0x3FB3] =	sst s6  }
0xf: {  	[smem:$0x3FB4] =	sst s7  }
0x10: {  	[smem:$0x3FB5] =	sst s8  }
0x11: {  	[smem:$0x3FB6] =	sst s9;
	s0 =	simm.s32 @!p0 $0x0  }
0x12: {  	s1 =	sld [smem:$0x3F9C];
	s0 =	simm.s32 @p0 $0x1  }
0x13: {  	[smem:$0x3FB7] =	sst s0;
	s0 =	simm.s32 @!p1 $0x0  }
0x14: {  	s2 =	sld [smem:$0x3F9B];
	s0 =	simm.s32 @p1 $0x1  }
0x15: {  	[smem:$0x3FB8] =	sst s0;
	s0 =	simm.s32 @!p2 $0x0  }
0x16: {  	s3 =	sld [smem:$0x3FDB];
	s0 =	simm.s32 @p2 $0x1  }
0x17: {  	s4 =	simm.s32 $0x1BF5;
	[smem:$0x3FBA] =	sst s0  }
0x18: {  	s0 =	sld [smem:$0x3F9D];
	_ =	swait.ge [sflag:s4], $0x0  }
0x19: {  	s7 =	sld [smem:$0x3F9E]  }
0x1a: {  	s8 =	sadd.s32 $0xFFFFE003, lr  }
0x1b: {  	s9 =	sadd.s32 $0xFFFFFEF7, lr;
	s5 =	simm.s32 $0xFFFFFFFF;
	p2 =	slt.u32 s8, $0xFFFFF086  }
0x1c: {  	p1 =	slt.u32 s9, $0xF7A;
	s5 =	simm.s32 @!p2 $0x0  }
0x1d: {  	s5 =	simm.s32 @p1 $0x1;
	p0 =	seq.s32 s7, s2  }
0x1e: {  	s7 =	smul.u32 @!p0 $0xF7A, s2;
	p2 =	seq.s32 @!p0 s5, $0x0  }
0x1f: {  	s9 =	smul.u32 $0xF7A, s1;
	s8 =	simm.s32 @!p0 $0x1BF5;
	p2 =	por !p2, p0  }
0x20: {  	[sflag:s8] =	ssyncset.s32 @!p0 $0xFFFFF086;
	s6 =	sadd.s32 @!p0 s3, s7;
	s7 =	simm.s32 @!p0 $0x108  }
0x21: {  	s3 =	sadd.s32 s3, s9;
	s6 =	sadd.s32 @!p0 $0x88, s6;
	s7 =	simm.s32 @p2 $0x1082  }
0x22: {  	[simem:s7], [sflag:s8] =	dma.local @!p0 [hbm:s6], $0xF7A  }
0x23: {  	s9 =	sor.u32 $0xD0000000, s2;
	s6 =	simm.s32 $0x108;
	_ =	swait.ge @!p0 [sflag:s8], $0x0  }
0x24: {  	s3 =	sadd.s32 $0x88, s3;
	s6 =	simm.s32 @!p1 $0x1082;
	[sflag:s4] =	ssyncset.s32 $0xFFFFF086  }
0x25: {  	[simem:s6], [sflag:s4] =	dma.local [hbm:s3], $0xF7A  }
0x26: {  	[smem:$0x3F9E] =	sst s1;
	(tag) =	ssettag s2;
	_ =	strace s9  }
0x27: {  	s1 =	sld [smem:$0x3FAE]  }
0x28: {  	s2 =	sld [smem:$0x3FAF]  }
0x29: {  	s4 =	sld [smem:$0x3FB1]  }
0x2a: {  	p0 =	seq.s32 s5, $0x0;
	s5 =	sld [smem:$0x3FB2]  }
0x2b: {  	s6 =	sld [smem:$0x3FB3]  }
0x2c: {  	s7 =	sld [smem:$0x3FB4]  }
0x2d: {  	s3 =	simm.s32 $0x108;
	s8 =	sld [smem:$0x3FB5]  }
0x2e: {  	s3 =	simm.s32 @!p0 $0x1082;
	s9 =	sld [smem:$0x3FB6]  }
0x2f: {  	lr =	sadd.s32 s0, s3;
	s0 =	sld [smem:$0x3FAD]  }
0x30: {  	s3 =	sld [smem:$0x3FB0]  }
0x31: {  	[smem:$0x3FB9] =	sst s10  }
0x32: {  	s10 =	sld [smem:$0x3FB7];
	_ =	sdelay $0x3  }
0x33: {  	p0 =	seq.s32 s10, $0x1;
	s10 =	sld [smem:$0x3FB9];
	_ =	sdelay $0x3  }
0x34: {  	[smem:$0x3FB9] =	sst s10  }
0x35: {  	s10 =	sld [smem:$0x3FB8];
	_ =	sdelay $0x3  }
0x36: {  	p1 =	seq.s32 s10, $0x1;
	s10 =	sld [smem:$0x3FB9];
	_ =	sdelay $0x3  }
0x37: {  	[smem:$0x3FB9] =	sst s10  }
0x38: {  	s10 =	sld [smem:$0x3FBA]  }
0x39: {  	_ = 	snop;
	(pc) =	sbr.ind lr, $3  }
0x3a: {  	_ = 	snop  }
0x3b: {  	_ = 	snop  }
0x3c: {  	p2 =	seq.s32 s10, $0x1;
	s10 =	sld [smem:$0x3FB9]  }
0x3d: {  	_ =	shalt  }
0x3e: {  	_ =	shalt  }
0x3f: {  	_ =	shalt  }
0x40: {  	_ =	shalt  }
0x41: {  	_ =	shalt  }
0x42: {  	_ =	shalt  }
0x43: {  	_ =	shalt  }
0x44: {  	_ =	shalt  }
0x45: {  	_ =	shalt  }
0x46: {  	_ =	shalt  }
0x47: {  	_ =	shalt  }
0x48: {  	_ =	shalt  }
0x49: {  	_ =	shalt  }
0x4a: {  	_ =	shalt  }
0x4b: {  	_ =	shalt  }
0x4c: {  	_ =	shalt  }
0x4d: {  	_ =	shalt  }
0x4e: {  	_ =	shalt  }
0x4f: {  	_ =	shalt  }
0x50: {  	_ =	shalt  }
0x51: {  	_ =	shalt  }
0x52: {  	_ =	shalt  }
0x53: {  	_ =	shalt  }
0x54: {  	_ =	shalt  }
0x55: {  	_ =	shalt  }
0x56: {  	_ =	shalt  }
0x57: {  	_ =	shalt  }
0x58: {  	_ =	shalt  }
0x59: {  	_ =	shalt  }
0x5a: {  	_ =	shalt  }
0x5b: {  	_ =	shalt  }
0x5c: {  	_ =	shalt  }
0x5d: {  	_ =	shalt  }
0x5e: {  	_ =	shalt  }
0x5f: {  	_ =	shalt  }
0x60: {  	_ =	shalt  }
0x61: {  	_ =	shalt  }
0x62: {  	_ =	shalt  }
0x63: {  	_ =	shalt  }
0x64: {  	_ =	shalt  }
0x65: {  	_ =	shalt  }
0x66: {  	_ =	shalt  }
0x67: {  	_ =	shalt  }
0x68: {  	_ =	shalt  }
0x69: {  	_ =	shalt  }
0x6a: {  	_ =	shalt  }
0x6b: {  	_ =	shalt  }
0x6c: {  	_ =	shalt  }
0x6d: {  	_ =	shalt  }
0x6e: {  	_ =	shalt  }
0x6f: {  	_ =	shalt  }
0x70: {  	_ =	shalt  }
0x71: {  	_ =	shalt  }
0x72: {  	_ =	shalt  }
0x73: {  	_ =	shalt  }
0x74: {  	_ =	shalt  }
0x75: {  	_ =	shalt  }
0x76: {  	_ =	shalt  }
0x77: {  	_ =	shalt  }
0x78: {  	_ =	shalt  }
0x79: {  	_ =	shalt  }
0x7a: {  	_ =	shalt  }
0x7b: {  	_ =	shalt  }
0x7c: {  	_ =	shalt  }
0x7d: {  	_ =	shalt  }
0x7e: {  	_ =	shalt  }
0x7f: {  	_ =	shalt  }
0x80: {  	_ =	shalt  }
0x81: {  	_ =	shalt  }
0x82: {  	_ =	shalt  }
0x83: {  	_ =	shalt  }
0x84: {  	_ =	shalt  }
0x85: {  	_ =	shalt  }
0x86: {  	_ =	shalt  }
0x87: {  	_ =	shalt  }
.Lfunc_end0:
.L_simem_size_0:
called_computation_lowered:
.L_overlay_start_0:
0x88: {  	s2 =	sld [smem:$0x3FD9]  }
0x89: {  	s3 =	sld [smem:$0x3FFE];
	_ =	sdelay $0x1  }
0x8a: {  	s1 =	srdreg.scid  }
0x8b: {  	s0 =	sand.u32 $0x1, s1  }
0x8c: {  	s17 =	sshll.u32 s0, $0xA;
	s2 =	sadd.s32 s3, s2  }
0x8d: {  	s2 =	sadd.s32 s2, s17  }
0x8e: {  	[smem:$0x3FC5] =	sst s2  }
0x8f: {  	_ = 	snop  }
0x90: {  	s2 =	sld [smem:$0x3FC8]  }
0x91: {  	s18 =	sld [smem:$0x3FC7]  }
0x92: {  	s4 =	sld [smem:$0x3FD0];
	(tm) =	ssettm $0x1  }
0x93: {  	s5 =	sld [smem:$0x3FFB];
	_ =	sdelay $0x3  }
0x94: {  	_ =	strace s5  }
0x95: {  	s5 =	sld [smem:$0x3FFC];
	_ =	sdelay $0x3  }
0x96: {  	_ =	strace s5  }
0x97: {  	s5 =	sld [smem:$0x3FFD];
	_ =	sdelay $0x3  }
0x98: {  	_ =	strace s5  }
0x99: {  	_ =	strace $0x8FFFFFFF  }
0x9a: {  	s19 =	sld [smem:$0x3FDB];
	_ =	sdelay $0x1  }
0x9b: {  	s6 =	simm.s32 $_scs_section_size  }
0x9c: {  	s7 =	simm.s32 $_size__tile_overlayer_lowered;
	s8 =	simm.s32 $_tile_overlayer_lowered  }
0x9d: {  	s22 =	simm.s32 $0x1BFF;
	s21 =	sshll.u32 s8, $0x1;
	s5 =	sadd.s32 s6, s19  }
0x9e: {  	s9 =	simm.s32 $0x0;
	s20 =	sshll.u32 s7, $0x1;
	s7 =	sadd.s32 s21, s5  }
0x9f: {  	[timem:s9], [sflag:s22] =	dma.local [hbm:s7], s20  }
0xa0: {  	_ =	swait.ge [sflag:s22], s20  }
0xa1: {  	s6 =	ssub.s32 $0x0, s20;
	[sflag:s22] =	ssyncset.done $0x0  }
0xa2: {  	[sflag:s22] =	ssyncadd.s32 s6;
	_ =	sdelay $0x1  }
0xa3: {  	s23 =	simm.s32 $0x1B8B  }
0xa4: {  	_ =	swait.ge [sflag:s23], $0x1  }
0xa5: {  	[sflag:s23] =	ssyncset.done $0x0  }
0xa6: {  	s25 =	simm.s32 $0x1B8E;
	s24 =	sld [smem:$0x3FFE];
	[sflag:s23] =	ssyncadd.s32 $0xFFFFFFFF  }
0xa7: {  	s26 =	simm.s32 $execute0_lowered;
	[smem:$0x3FD2] =	sst s25  }
0xa8: {  	s7 =	sshll.u32 s26, $0x1;
	_ =	strace $0x80000046;
	[dreg:$0x1] =	wrdreg $0xFFFFFFFF  }
0xa9: {  	s28 =	simm.s32 $_size_execute0_lowered;
	s5 =	sadd.s32 s5, s7;
	[dreg:$0x0] =	wrdreg $0x0  }
0xaa: {  	s7 =	sshll.u32 s28, $0x1;
	[dreg:$0x2] =	wrdreg s5  }
0xab: {  	[dreg:$0x3] =	wrdreg s7  }
0xac: {  	[dreg:$0x4] =	wrdreg $0xC0  }
0xad: {  	_ =	task [dreg:s9], $0x5FFFF  }
0xae: {  	[dreg:$0x1] =	wrdreg $0xFFFFFFFF  }
0xaf: {  	[dreg:$0x0] =	wrdreg $0x60  }
0xb0: {  	[dreg:$0x2] =	wrdreg s24  }
0xb1: {  	[dreg:$0x3] =	wrdreg s2  }
0xb2: {  	[dreg:$0x4] =	wrdreg s18  }
0xb3: {  	[dreg:$0x5] =	wrdreg s4  }
0xb4: {  	[dreg:$0x6] =	wrdreg $0x9  }
0xb5: {  	_ =	task.clear_ibuf [dreg:s9], $0x7FFFF;
	_ =	strace $0x90000046  }
0xb6: {  	s29 =	simm.s32 $0x9;
	_ =	strace $0x80000048  }
0xb7: {  	_ =	swait.ge [sflag:s29], $0x1  }
0xb8: {  	[sflag:s29] =	ssyncadd.s32 $0xFFFFFFFF  }
0xb9: {  	_ =	strace $0x90000048  }
0xba: {  	_ =	sfence  }
0xbb: {  	s30 =	sld [smem:$0x0];
	_ =	sdelay $0x2  }
0xbc: {  	s31 =	sshll.u32 s1, $0xD;
	s1 =	sshrl.u32 s1, $0x2  }
0xbd: {  	s3 =	sand.u32 $0x4000, s31;
	s1 =	sadd.s32 s1, s30  }
0xbe: {  	s0 =	sor.u32 s3, s0;
	s1 =	sshll.u32 s1, $0x11  }
0xbf: {  	s0 =	sor.u32 s1, s0  }
0xc0: {  	s0 =	sadd.s32 $0x8F2B, s0  }
0xc1: {  	[sflag:s0] =	ssyncadd.remote.s32 $0x1  }
0xc2: {  	_ =	sfence.sel $0xFFFF  }
0xc3: {  	[dreg:$0x0] =	wrdreg $0xFFFFFFFF;
	(pc) =	sbr.abs _section_cstart, $3  }
0xc4: {  	[dreg:$0x1] =	wrdreg $0xFFFFFFFF  }
0xc5: {  	_ =	task.clear_ibuf [dreg:s9], $0x2FFFF;
	_ =	strace $0x9FFFFFFF  }
0xc6: {  	(tm) =	ssettm $0x7FFFFFFF  }
0xc7: {  	_ =	shalt  }
tec
execute0_lowered:
.L_overlay_start_1:
0x0: {  	(tag) =	ssettag $0x1  }
0x1: {  	s0 =	rddreg [dreg:$0x0]  }
0x2: {  	s1 =	rddreg [dreg:$0x1]  }
0x3: {  	s2 =	rddreg [dreg:$0x2]  }
0x4: {  	s3 =	rddreg [dreg:$0x3]  }
0x5: {  	s5 =	srdreg.scid;
	s4 =	simm.s32 $0x0;
	s6 =	stileid.u32  }
0x6: {  	s29 =	simm.s32 $0x14000;
	s30 =	simm.s32 $0x14800;
	s31 =	simm.s32 $0x15000  }
0x7: {  	s9 =	simm.s32 $0x1A000;
	s12 =	simm.s32 $0x1A800;
	s13 =	simm.s32 $0x1F000  }
0x8: {  	s14 =	simm.s32 $0x1F800;
	s15 =	simm.s32 $0x2;
	s16 =	simm.s32 $0x5  }
0x9: {  	s17 =	simm.s32 $0x3;
	s18 =	simm.s32 $0x6;
	s19 =	simm.s32 $0x4  }
0xa: {  	s5 =	sand.u32 $0x1, s5;
	[smem:$0x7FF] =	sst s4;
	s6 =	sshll.u32 s6, $0x6  }
0xb: {  	s10 =	sadd.s32 $0x100, s3;
	s7 =	sshll.u32 s5, $0x5;
	s5 =	ssub.s32 $0x2, s5  }
0xc: {  	s11 =	sadd.s32 $0x200, s3;
	s6 =	sor.u32 s7, s6;
	s24 =	sshrl.u32 s5, $0x1  }
0xd: {  	_ =	strace $0x80000047;
	s7 =	sshll.u32 s6, $0x4;
	s5 =	ssub.s32 s5, s24  }
0xe: {  	s6 =	sshrl.u32 s6, $0x3;
	s0 =	sadd.s32 s7, s0;
	s28 =	smax.u32 s5, $0x1  }
0xf: {  	s8 =	smul.u32 $0x300, s6;
	s25 =	sadd.s32 $0x4400, s0;
	[dreg:$0x8] =	wrdreg s28  }
0x10: {  	v2 =	vlaneseq.u32;
	s6 =	sadd.s32 $0x100, s1;
	s0 =	sadd.s32 $0x400, s0;
	[dreg:$0x5] =	wrdreg s25  }
0x11: {  	vm0 =	vmmov $0xffff;
	v1 =	vshrl.u32 v2, $0x3;
	s7 =	sadd.s32 $0x200, s1;
	[dreg:$0x6] =	wrdreg s0;
	s26 =	sadd.s32 s2, s8  }
0x12: {  	v0 =	vand.u32 $0x7, v2;
	v2 =	vor.u32 $0x8, v2;
	v1 =	vmul.u32 $0x8, v1;
	s5 =	simm.s32 $0x0;
	[dreg:$0x7] =	wrdreg s26;
	s26 =	simm.s32 $0x1  }
.LBB2_1:
0x13: {  	[dreg:$0x9] =	wrdreg s5  }
0x14: {  	s0 =	rddreg [dreg:$0x5];
	s2 =	simm.s32 $0x9  }
0x15: {  	[tilespmem:s4], [sflag:$0x9] =	stream.linear.gather [hbm4b:s0+s4], $0x1000, $0x38;
	v63 =	vld [tilespmem:$0x0]  }
0x16: {  	_ =	swait.ge [sflag:s2], $0x1000  }
0x17: {  	[sflag:s2] =	ssyncset.done $0x0  }
0x18: {  	[sflag:s2] =	ssyncadd.s32 $0xFFFFF000  }
0x19: {  	v3 =	vld [tilespmem:$0x0];
	_ =	sdelay $0x4  }
0x1a: {  	v4 =	vshrl.u32 v3, $0x3  }
0x1b: {  	v4 =	vmul.u32 $0x30, v4  }
0x1c: {  	v3 =	vand.u32 $0x7, v3  }
0x1d: {  	v3 =	vor.u32 v3, v4  }
0x1e: {  	v4 =	vperm.xlane v3, v0;
	_ =	sdelay $0x1  }
0x1f: {  	v4 =	vadd.s32 v1, v4;
	_ =	sdelay $0x3  }
0x20: {  	s28 =	simm.s32 $0x8000;
	v3 =	vperm.xlane v3, v2  }
0x21: {  	[tilespmem:s28], [sflag:$0x1] =	stream.indirect_vreg.gather [hbm4b:s1+s4], $0x80, v4, vm0, $0xb8;
	v63 =	vld [tilespmem:$0x0]  }
0x22: {  	s5 =	simm.s32 $0x8800;
	v3 =	vadd.s32 v1, v3  }
0x23: {  	[tilespmem:s5], [sflag:$0x1] =	stream.indirect_vreg.gather [hbm4b:s6+s4], $0x80, v4, vm0, $0xb8;
	v63 =	vld [tilespmem:$0x0]  }
0x24: {  	s8 =	simm.s32 $0x9000  }
0x25: {  	[tilespmem:s8], [sflag:$0x1] =	stream.indirect_vreg.gather [hbm4b:s7+s4], $0x80, v4, vm0, $0xb8;
	v63 =	vld [tilespmem:$0x0]  }
0x26: {  	s20 =	simm.s32 $0x9800  }
0x27: {  	[tilespmem:s20], [sflag:$0x1] =	stream.indirect_vreg.gather [hbm4b:s1+s4], $0x80, v3, vm0, $0xb8;
	v63 =	vld [tilespmem:$0x0]  }
0x28: {  	s21 =	simm.s32 $0xA000  }
0x29: {  	[tilespmem:s21], [sflag:$0x1] =	stream.indirect_vreg.gather [hbm4b:s6+s4], $0x80, v3, vm0, $0xb8;
	v63 =	vld [tilespmem:$0x0]  }
0x2a: {  	s22 =	simm.s32 $0xA800  }
0x2b: {  	[tilespmem:s22], [sflag:$0x1] =	stream.indirect_vreg.gather [hbm4b:s7+s4], $0x80, v3, vm0, $0xb8;
	v63 =	vld [tilespmem:$0x0]  }
0x2c: {  	v3 =	vld [tilespmem:$0x10];
	_ =	sdelay $0x4  }
0x2d: {  	v60 =	vshrl.u32 v3, $0x3  }
0x2e: {  	v4 =	vmul.u32 $0x30, v60  }
0x2f: {  	v3 =	vand.u32 $0x7, v3  }
0x30: {  	v3 =	vor.u32 v3, v4  }
0x31: {  	v4 =	vperm.xlane v3, v0;
	_ =	sdelay $0x1  }
0x32: {  	v4 =	vadd.s32 v1, v4;
	_ =	sdelay $0x3  }
0x33: {  	s23 =	simm.s32 $0xB000;
	v3 =	vperm.xlane v3, v2  }
0x34: {  	[tilespmem:s23], [sflag:$0x1] =	stream.indirect_vreg.gather [hbm4b:s1+s4], $0x80, v4, vm0, $0xb8;
	v63 =	vld [tilespmem:$0x0]  }
0x35: {  	s24 =	simm.s32 $0xB800;
	v3 =	vadd.s32 v1, v3  }
0x36: {  	[tilespmem:s24], [sflag:$0x1] =	stream.indirect_vreg.gather [hbm4b:s6+s4], $0x80, v4, vm0, $0xb8;
	v63 =	vld [tilespmem:$0x0]  }
0x37: {  	s25 =	simm.s32 $0xC000  }
0x38: {  	[tilespmem:s25], [sflag:$0x1] =	stream.indirect_vreg.gather [hbm4b:s7+s4], $0x80, v4, vm0, $0xb8;
	v63 =	vld [tilespmem:$0x0]  }
0x39: {  	s28 =	simm.s32 $0xC800  }
0x3a: {  	[tilespmem:s28], [sflag:$0x1] =	stream.indirect_vreg.gather [hbm4b:s1+s4], $0x80, v3, vm0, $0xb8;
	v63 =	vld [tilespmem:$0x0]  }
0x3b: {  	s5 =	simm.s32 $0xD000  }
0x3c: {  	[tilespmem:s5], [sflag:$0x1] =	stream.indirect_vreg.gather [hbm4b:s6+s4], $0x80, v3, vm0, $0xb8;
	v63 =	vld [tilespmem:$0x0]  }
0x3d: {  	s8 =	simm.s32 $0xD800  }
0x3e: {  	[tilespmem:s8], [sflag:$0x1] =	stream.indirect_vreg.gather [hbm4b:s7+s4], $0x80, v3, vm0, $0xb8;
	v63 =	vld [tilespmem:$0x0]  }
0x3f: {  	v3 =	vld [tilespmem:$0x80];
	_ =	sdelay $0x4  }
0x40: {  	v61 =	vshrl.u32 v3, $0x3  }
0x41: {  	v4 =	vmul.u32 $0x30, v61  }
0x42: {  	v3 =	vand.u32 $0x7, v3  }
0x43: {  	v3 =	vor.u32 v3, v4  }
0x44: {  	v4 =	vperm.xlane v3, v0;
	_ =	sdelay $0x1  }
0x45: {  	v4 =	vadd.s32 v1, v4;
	_ =	sdelay $0x3  }
0x46: {  	s20 =	simm.s32 $0xE000;
	v3 =	vperm.xlane v3, v2  }
0x47: {  	[tilespmem:s20], [sflag:$0x2] =	stream.indirect_vreg.gather [hbm4b:s1+s4], $0x80, v4, vm0, $0xb8;
	v63 =	vld [tilespmem:$0x0]  }
0x48: {  	s21 =	simm.s32 $0xE800;
	v3 =	vadd.s32 v1, v3  }
0x49: {  	[tilespmem:s21], [sflag:$0x2] =	stream.indirect_vreg.gather [hbm4b:s6+s4], $0x80, v4, vm0, $0xb8;
	v63 =	vld [tilespmem:$0x0]  }
0x4a: {  	s22 =	simm.s32 $0xF000  }
0x4b: {  	[tilespmem:s22], [sflag:$0x2] =	stream.indirect_vreg.gather [hbm4b:s7+s4], $0x80, v4, vm0, $0xb8;
	v63 =	vld [tilespmem:$0x0]  }
0x4c: {  	s23 =	simm.s32 $0xF800  }
0x4d: {  	[tilespmem:s23], [sflag:$0x2] =	stream.indirect_vreg.gather [hbm4b:s1+s4], $0x80, v3, vm0, $0xb8;
	v63 =	vld [tilespmem:$0x0]  }
0x4e: {  	s24 =	simm.s32 $0x10000  }
0x4f: {  	[tilespmem:s24], [sflag:$0x2] =	stream.indirect_vreg.gather [hbm4b:s6+s4], $0x80, v3, vm0, $0xb8;
	v63 =	vld [tilespmem:$0x0]  }
0x50: {  	s25 =	simm.s32 $0x10800  }
0x51: {  	[tilespmem:s25], [sflag:$0x2] =	stream.indirect_vreg.gather [hbm4b:s7+s4], $0x80, v3, vm0, $0xb8;
	v63 =	vld [tilespmem:$0x0]  }
0x52: {  	v3 =	vld [tilespmem:$0x90];
	_ =	sdelay $0x4  }
0x53: {  	v62 =	vshrl.u32 v3, $0x3  }
0x54: {  	v4 =	vmul.u32 $0x30, v62  }
0x55: {  	v3 =	vand.u32 $0x7, v3  }
0x56: {  	v3 =	vor.u32 v3, v4  }
0x57: {  	v4 =	vperm.xlane v3, v0;
	_ =	sdelay $0x1  }
0x58: {  	v4 =	vadd.s32 v1, v4;
	_ =	sdelay $0x3  }
0x59: {  	s28 =	simm.s32 $0x11000;
	v3 =	vperm.xlane v3, v2  }
0x5a: {  	[tilespmem:s28], [sflag:$0x2] =	stream.indirect_vreg.gather [hbm4b:s1+s4], $0x80, v4, vm0, $0xb8;
	v63 =	vld [tilespmem:$0x0]  }
0x5b: {  	s5 =	simm.s32 $0x11800;
	v3 =	vadd.s32 v1, v3  }
0x5c: {  	[tilespmem:s5], [sflag:$0x2] =	stream.indirect_vreg.gather [hbm4b:s6+s4], $0x80, v4, vm0, $0xb8;
	v63 =	vld [tilespmem:$0x0]  }
0x5d: {  	s8 =	simm.s32 $0x12000  }
0x5e: {  	[tilespmem:s8], [sflag:$0x2] =	stream.indirect_vreg.gather [hbm4b:s7+s4], $0x80, v4, vm0, $0xb8;
	v63 =	vld [tilespmem:$0x0]  }
0x5f: {  	s20 =	simm.s32 $0x12800  }
0x60: {  	[tilespmem:s20], [sflag:$0x2] =	stream.indirect_vreg.gather [hbm4b:s1+s4], $0x80, v3, vm0, $0xb8;
	v63 =	vld [tilespmem:$0x0]  }
0x61: {  	s21 =	simm.s32 $0x13000  }
0x62: {  	[tilespmem:s21], [sflag:$0x2] =	stream.indirect_vreg.gather [hbm4b:s6+s4], $0x80, v3, vm0, $0xb8;
	v63 =	vld [tilespmem:$0x0]  }
0x63: {  	s22 =	simm.s32 $0x13800  }
0x64: {  	[tilespmem:s22], [sflag:$0x2] =	stream.indirect_vreg.gather [hbm4b:s7+s4], $0x80, v3, vm0, $0xb8;
	v63 =	vld [tilespmem:$0x0]  }
0x65: {  	s23 =	rddreg [dreg:$0x6];
	s24 =	simm.s32 $0x1000  }
0x66: {  	[tilespmem:s24], [sflag:$0x9] =	stream.linear.gather [hbm4b:s23+s4], $0x1000, $0x38;
	v63 =	vld [tilespmem:$0x0]  }
0x67: {  	_ =	swait.ge [sflag:s2], $0x1000  }
0x68: {  	[sflag:s2] =	ssyncset.done $0x0  }
0x69: {  	s28 =	simm.s32 $0x2000;
	s25 =	rddreg [dreg:$0x7];
	[sflag:s2] =	ssyncadd.s32 $0xFFFFF000  }
0x6a: {  	[tilespmem:s28], [sflag:$0x9] =	stream.linear.gather [hbm4b:s25+s4], $0x6000, $0x38;
	v63 =	vld [tilespmem:$0x0]  }
0x6b: {  	_ =	swait.ge [sflag:s2], $0x6000  }
0x6c: {  	[sflag:s2] =	ssyncset.done $0x0  }
0x6d: {  	s20 =	simm.s32 $0x0;
	[sflag:s2] =	ssyncadd.s32 $0xFFFFA000  }
.LBB2_2:
0x6e: {  	p0 =	seq.s32 s20, $0x0  }
0x6f: {  	s28 =	sshll.u32 s20, $0x2;
	s0 =	simm.s32 @!p0 $0x7  }
0x70: {  	s25 =	sor.u32 $0x2, s28;
	_ =	swait.ge @!p0 [sflag:s0], $0x6000  }
0x71: {  	s2 =	sshll.u32 s25, $0x9;
	[sflag:s0] =	ssyncset.done @!p0 $0x0  }
0x72: {  	s23 =	sshrl.u32 s2, $0x2;
	[sflag:s0] =	ssyncadd.s32 @!p0 $0xFFFFA000  }
0x73: {  	v3 =	vld [tilespmem:s23+$0x0];
	_ =	sdelay $0x4  }
0x74: {  	v4 =	vshrl.u32 v3, $0x3  }
0x75: {  	v4 =	vmul.u32 $0x30, v4  }
0x76: {  	v3 =	vand.u32 $0x7, v3  }
0x77: {  	v3 =	vor.u32 v3, v4  }
0x78: {  	v4 =	vperm.xlane v3, v0;
	_ =	sdelay $0x1  }
0x79: {  	v4 =	vadd.s32 v1, v4;
	_ =	sdelay $0x3  }
0x7a: {  	s0 =	simm.s32 $0x0;
	v3 =	vperm.xlane v3, v2  }
0x7b: {  	[tilespmem:s29], [sflag:$0x3] =	stream.indirect_vreg.gather [hbm4b:s1+s0], $0x80, v4, vm0, $0xb8;
	v63 =	vld [tilespmem:$0x0]  }
0x7c: {  	v3 =	vadd.s32 v1, v3  }
0x7d: {  	[tilespmem:s30], [sflag:$0x3] =	stream.indirect_vreg.gather [hbm4b:s6+s0], $0x80, v4, vm0, $0xb8;
	v63 =	vld [tilespmem:$0x0]  }
0x7e: {  	_ = 	snop  }
0x7f: {  	[tilespmem:s31], [sflag:$0x3] =	stream.indirect_vreg.gather [hbm4b:s7+s0], $0x80, v4, vm0, $0xb8;
	v63 =	vld [tilespmem:$0x0]  }
0x80: {  	s22 =	simm.s32 $0x15800  }
0x81: {  	[tilespmem:s22], [sflag:$0x3] =	stream.indirect_vreg.gather [hbm4b:s1+s0], $0x80, v3, vm0, $0xb8;
	v63 =	vld [tilespmem:$0x0]  }
0x82: {  	s24 =	simm.s32 $0x16000  }
0x83: {  	[tilespmem:s24], [sflag:$0x3] =	stream.indirect_vreg.gather [hbm4b:s6+s0], $0x80, v3, vm0, $0xb8;
	v63 =	vld [tilespmem:$0x0]  }
0x84: {  	s30 =	simm.s32 $0x16800  }
0x85: {  	[tilespmem:s30], [sflag:$0x3] =	stream.indirect_vreg.gather [hbm4b:s7+s0], $0x80, v3, vm0, $0xb8;
	v63 =	vld [tilespmem:$0x0]  }
0x86: {  	v3 =	vld [tilespmem:s23+$0x10];
	_ =	sdelay $0x4  }
0x87: {  	v4 =	vshrl.u32 v3, $0x3  }
0x88: {  	v4 =	vmul.u32 $0x30, v4  }
0x89: {  	v3 =	vand.u32 $0x7, v3  }
0x8a: {  	v3 =	vor.u32 v3, v4  }
0x8b: {  	v4 =	vperm.xlane v3, v0;
	_ =	sdelay $0x1  }
0x8c: {  	v4 =	vadd.s32 v1, v4;
	_ =	sdelay $0x3  }
0x8d: {  	s31 =	simm.s32 $0x17000;
	v3 =	vperm.xlane v3, v2  }
0x8e: {  	[tilespmem:s31], [sflag:$0x3] =	stream.indirect_vreg.gather [hbm4b:s1+s0], $0x80, v4, vm0, $0xb8;
	v63 =	vld [tilespmem:$0x0]  }
0x8f: {  	s5 =	simm.s32 $0x17800;
	v3 =	vadd.s32 v1, v3  }
0x90: {  	[tilespmem:s5], [sflag:$0x3] =	stream.indirect_vreg.gather [hbm4b:s6+s0], $0x80, v4, vm0, $0xb8;
	v63 =	vld [tilespmem:$0x0]  }
0x91: {  	s8 =	simm.s32 $0x18000  }
0x92: {  	[tilespmem:s8], [sflag:$0x3] =	stream.indirect_vreg.gather [hbm4b:s7+s0], $0x80, v4, vm0, $0xb8;
	v63 =	vld [tilespmem:$0x0]  }
0x93: {  	s21 =	simm.s32 $0x18800;
	s24 =	sshrl.u32 s20, $0x1  }
0x94: {  	[tilespmem:s21], [sflag:$0x3] =	stream.indirect_vreg.gather [hbm4b:s1+s0], $0x80, v3, vm0, $0xb8;
	v63 =	vld [tilespmem:$0x0]  }
0x95: {  	s22 =	simm.s32 $0x19000;
	s2 =	smul.u32 $0x6000, s24;
	s30 =	sshll.u32 s20, $0x9  }
0x96: {  	[tilespmem:s22], [sflag:$0x3] =	stream.indirect_vreg.gather [hbm4b:s6+s0], $0x80, v3, vm0, $0xb8;
	v63 =	vld [tilespmem:$0x0]  }
0x97: {  	s2 =	sshra.s32 s2, $0x2;
	s31 =	sand.u32 $0x70, s0;
	s5 =	simm.s32 $0x19800  }
0x98: {  	[tilespmem:s5], [sflag:$0x3] =	stream.indirect_vreg.gather [hbm4b:s7+s0], $0x80, v3, vm0, $0xb8;
	v63 =	vld [tilespmem:$0x0]  }
0x99: {  	s21 =	sadd.s32 $0x2000, s2;
	s5 =	sand.u32 $0x200, s30;
	_ =	swait.ge [sflag:s26], $0x6000  }
0x9a: {  	s22 =	sand.u32 $0x1C00, s0;
	s29 =	sor.u32 s5, s21;
	[sflag:s26] =	ssyncset.done $0x0  }
0x9b: {  	s8 =	sadd.s32 s22, s29;
	s22 =	sor.u32 s31, s22;
	[sflag:s26] =	ssyncadd.s32 $0xFFFFA000  }
0x9c: {  	s2 =	sadd.s32 s31, s8;
	v4 =	vld [tilespmem:s22+$0x8000]  }
0x9d: {  	v3 =	vld [tilespmem:s2+$0x0]  }
0x9e: {  	v5 =	vld [tilespmem:s22+$0x8080]  }
0x9f: {  	v6 =	vld [tilespmem:s22+$0x8100]  }
0xa0: {  	v7 =	vld [tilespmem:s22+$0x8180]  }
0xa1: {  	v8 =	vld [tilespmem:s22+$0x8200]  }
0xa2: {  	v9 =	vld [tilespmem:s22+$0x8280];
	v4 =	vadd.f32 v4, v3  }
0xa3: {  	v10 =	vld [tilespmem:s22+$0x8300];
	v5 =	vadd.f32 v5, v3  }
0xa4: {  	[tilespmem:s22+$0x8000] =	vst v4;
	v4 =	vadd.f32 v6, v3  }
0xa5: {  	[tilespmem:s22+$0x8080] =	vst v5;
	v5 =	vadd.f32 v7, v3  }
0xa6: {  	[tilespmem:s22+$0x8100] =	vst v4;
	v4 =	vadd.f32 v8, v3  }
0xa7: {  	[tilespmem:s22+$0x8180] =	vst v5;
	v5 =	vadd.f32 v9, v3  }
0xa8: {  	[tilespmem:s22+$0x8200] =	vst v4;
	v4 =	vadd.f32 v10, v3  }
0xa9: {  	s0 =	sor.u32 s0, s0;
	[tilespmem:s22+$0x8280] =	vst v5  }
0xaa: {  	s0 =	sor.u32 $0x380, s0;
	[tilespmem:s22+$0x8300] =	vst v4  }
0xab: {  	v4 =	vld [tilespmem:s0+$0x8000];
	_ =	sdelay $0x4  }
0xac: {  	v4 =	vadd.f32 v4, v3;
	_ =	sdelay $0x1  }
0xad: {  	[tilespmem:s0+$0x8000] =	vst v4  }
0xae: {  	v4 =	vld [tilespmem:s22+$0xCB80]  }
0xaf: {  	v5 =	vld [tilespmem:s22+$0x9800]  }
0xb0: {  	v6 =	vld [tilespmem:s22+$0x9880]  }
0xb1: {  	v7 =	vld [tilespmem:s22+$0x9900]  }
0xb2: {  	v8 =	vld [tilespmem:s22+$0x9980]  }
0xb3: {  	v9 =	vld [tilespmem:s22+$0x9A00];
	v4 =	vadd.f32 v4, v3  }
0xb4: {  	v10 =	vld [tilespmem:s22+$0x9A80];
	v5 =	vadd.f32 v5, v3  }
0xb5: {  	s2 =	simm.s32 $0x10;
	s0 =	simm.s32 $0x80;
	v11 =	vld [tilespmem:s22+$0x9B00];
	[tilespmem:s22+$0xCB80] =	vst v4;
	v4 =	vadd.f32 v6, v3  }
0xb6: {  	s5 =	sand.u32 $0x70, s2;
	v12 =	vld [tilespmem:s22+$0x9B80];
	s24 =	sand.u32 $0x1C00, s0;
	[tilespmem:s22+$0x9800] =	vst v5;
	v6 =	vadd.f32 v7, v3  }
0xb7: {  	v13 =	vld [tilespmem:s22+$0xB000];
	s31 =	sadd.s32 s24, s29;
	s24 =	sor.u32 s5, s24;
	v7 =	vadd.f32 v8, v3;
	[tilespmem:s22+$0x9880] =	vst v4  }
0xb8: {  	s5 =	sadd.s32 s5, s31;
	v5 =	vld [tilespmem:s24+$0x8000];
	v8 =	vadd.f32 v9, v3;
	[tilespmem:s22+$0x9900] =	vst v6  }
0xb9: {  	v9 =	vadd.f32 v10, v3;
	v4 =	vld [tilespmem:s5+$0x0];
	[tilespmem:s22+$0x9980] =	vst v7  }
0xba: {  	v10 =	vadd.f32 v11, v3;
	v6 =	vld [tilespmem:s24+$0x8080];
	[tilespmem:s22+$0x9A00] =	vst v8  }
0xbb: {  	v7 =	vld [tilespmem:s24+$0x8100];
	[tilespmem:s22+$0x9A80] =	vst v9;
	v9 =	vadd.f32 v12, v3  }
0xbc: {  	v8 =	vld [tilespmem:s24+$0x8180];
	s5 =	simm.s32 $0x20;
	[tilespmem:s22+$0x9B00] =	vst v10;
	v10 =	vadd.f32 v13, v3  }
.LBB2_3:
0xbd: {  	p1 =	sne.s32 s5, $0x2F0;
	v11 =	vld [tilespmem:s24+$0x8200];
	[tilespmem:s22+$0x9B80] =	vst v9  }
0xbe: {  	v5 =	vadd.f32 v5, v4;
	v9 =	vld [tilespmem:s24+$0x8280];
	[tilespmem:s22+$0xB000] =	vst v10  }
0xbf: {  	v6 =	vadd.f32 v6, v4;
	v10 =	vld [tilespmem:s24+$0x8300]  }
0xc0: {  	[tilespmem:s24+$0x8000] =	vst v5;
	v5 =	vadd.f32 v7, v4;
	v7 =	vld [tilespmem:s22+$0xB080]  }
0xc1: {  	[tilespmem:s24+$0x8080] =	vst v6;
	v6 =	vadd.f32 v8, v4;
	v8 =	vld [tilespmem:s22+$0xB100]  }
0xc2: {  	[tilespmem:s24+$0x8100] =	vst v5;
	v5 =	vadd.f32 v11, v4;
	v11 =	vld [tilespmem:s22+$0xB180]  }
0xc3: {  	[tilespmem:s24+$0x8180] =	vst v6;
	v6 =	vadd.f32 v9, v4;
	v9 =	vld [tilespmem:s22+$0xB200]  }
0xc4: {  	[tilespmem:s24+$0x8200] =	vst v5;
	v5 =	vadd.f32 v10, v4;
	v10 =	vld [tilespmem:s22+$0xB280]  }
0xc5: {  	s8 =	sor.u32 s0, s2;
	s2 =	smov.u32 s5;
	[tilespmem:s24+$0x8280] =	vst v6;
	v6 =	vadd.f32 v7, v3;
	v7 =	vld [tilespmem:s22+$0xB300]  }
0xc6: {  	s8 =	sor.u32 $0x380, s8;
	[tilespmem:s24+$0x8300] =	vst v5;
	v5 =	vadd.f32 v8, v3;
	v8 =	vld [tilespmem:s22+$0xB380]  }
0xc7: {  	v12 =	vld [tilespmem:s8+$0x8000];
	[tilespmem:s22+$0xB080] =	vst v6;
	v6 =	vadd.f32 v11, v3  }
0xc8: {  	[tilespmem:s22+$0xB100] =	vst v5;
	v5 =	vadd.f32 v9, v3;
	v9 =	vld [tilespmem:s22+$0xC800]  }
0xc9: {  	[tilespmem:s22+$0xB180] =	vst v6;
	v6 =	vadd.f32 v10, v3;
	v10 =	vld [tilespmem:s22+$0xC880]  }
0xca: {  	[tilespmem:s22+$0xB200] =	vst v5;
	v5 =	vadd.f32 v7, v3;
	v7 =	vld [tilespmem:s22+$0xC900]  }
0xcb: {  	[tilespmem:s22+$0xB280] =	vst v6;
	v6 =	vadd.f32 v8, v3;
	v8 =	vld [tilespmem:s22+$0xC980]  }
0xcc: {  	v11 =	vadd.f32 v12, v4;
	[tilespmem:s22+$0xB300] =	vst v5;
	v5 =	vld [tilespmem:s22+$0xCA00]  }
0xcd: {  	[tilespmem:s22+$0xB380] =	vst v6;
	v6 =	vadd.f32 v9, v3;
	v9 =	vld [tilespmem:s22+$0xCA80]  }
0xce: {  	[tilespmem:s8+$0x8000] =	vst v11;
	v10 =	vadd.f32 v10, v3;
	v11 =	vld [tilespmem:s22+$0xCB00]  }
0xcf: {  	v12 =	vld [tilespmem:s24+$0xCB80];
	[tilespmem:s22+$0xC800] =	vst v6;
	v6 =	vadd.f32 v7, v3  }
0xd0: {  	v7 =	vld [tilespmem:s24+$0x9800];
	[tilespmem:s22+$0xC880] =	vst v10;
	v8 =	vadd.f32 v8, v3  }
0xd1: {  	v10 =	vld [tilespmem:s24+$0x9880];
	[tilespmem:s22+$0xC900] =	vst v6;
	v5 =	vadd.f32 v5, v3  }
0xd2: {  	v6 =	vld [tilespmem:s24+$0x9900];
	[tilespmem:s22+$0xC980] =	vst v8;
	v8 =	vadd.f32 v9, v3  }
0xd3: {  	v9 =	vld [tilespmem:s24+$0x9980];
	[tilespmem:s22+$0xCA00] =	vst v5;
	v5 =	vadd.f32 v11, v3;
	v3 =	vmov v4  }
0xd4: {  	v4 =	vld [tilespmem:s24+$0x9A00];
	v11 =	vadd.f32 v12, v3;
	[tilespmem:s22+$0xCA80] =	vst v8  }
0xd5: {  	v7 =	vadd.f32 v7, v3;
	v8 =	vld [tilespmem:s24+$0x9A80];
	[tilespmem:s22+$0xCB00] =	vst v5;
	s22 =	smov.u32 s24  }
0xd6: {  	s0 =	sadd.s32 $0x80, s0;
	v5 =	vadd.f32 v10, v3;
	v10 =	vld [tilespmem:s22+$0x9B00];
	[tilespmem:s22+$0xCB80] =	vst v11  }
0xd7: {  	s8 =	sand.u32 $0x70, s5;
	s24 =	sand.u32 $0x1C00, s0;
	[tilespmem:s22+$0x9800] =	vst v7;
	v6 =	vadd.f32 v6, v3;
	v11 =	vld [tilespmem:s22+$0x9B80]  }
0xd8: {  	s30 =	sadd.s32 s24, s29;
	s24 =	sor.u32 s8, s24;
	[tilespmem:s22+$0x9880] =	vst v5;
	v7 =	vadd.f32 v9, v3;
	v12 =	vld [tilespmem:s22+$0xB000]  }
.Ltmp0:
0xd9: {  	s8 =	sadd.s32 s8, s30;
	v5 =	vld [tilespmem:s24+$0x8000];
	[tilespmem:s22+$0x9900] =	vst v6;
	v9 =	vadd.f32 v4, v3;
	(pc) =	sbr.rel @p1 .LBB2_3-.Ltmp0, $4  }
0xda: {  	v4 =	vld [tilespmem:s8+$0x0];
	[tilespmem:s22+$0x9980] =	vst v7;
	v8 =	vadd.f32 v8, v3  }
0xdb: {  	v6 =	vld [tilespmem:s24+$0x8080];
	[tilespmem:s22+$0x9A00] =	vst v9;
	v10 =	vadd.f32 v10, v3  }
0xdc: {  	v7 =	vld [tilespmem:s24+$0x8100];
	[tilespmem:s22+$0x9A80] =	vst v8;
	v9 =	vadd.f32 v11, v3  }
0xdd: {  	s5 =	sadd.s32 $0x10, s5;
	v8 =	vld [tilespmem:s24+$0x8180];
	[tilespmem:s22+$0x9B00] =	vst v10;
	v10 =	vadd.f32 v12, v3  }
0xde: {  	v11 =	vld [tilespmem:s24+$0x8200]  }
0xdf: {  	[tilespmem:s22+$0x9B80] =	vst v9;
	v9 =	vld [tilespmem:s24+$0x8280];
	v5 =	vadd.f32 v5, v4  }
0xe0: {  	[tilespmem:s22+$0xB000] =	vst v10;
	v10 =	vld [tilespmem:s24+$0x8300];
	v6 =	vadd.f32 v6, v4  }
0xe1: {  	[tilespmem:s24+$0x8000] =	vst v5;
	v5 =	vadd.f32 v7, v4  }
0xe2: {  	[tilespmem:s24+$0x8080] =	vst v6;
	v6 =	vadd.f32 v8, v4  }
0xe3: {  	[tilespmem:s24+$0x8100] =	vst v5;
	v5 =	vadd.f32 v11, v4  }
0xe4: {  	[tilespmem:s24+$0x8180] =	vst v6;
	v6 =	vadd.f32 v9, v4  }
0xe5: {  	v7 =	vld [tilespmem:s22+$0xB080];
	[tilespmem:s24+$0x8200] =	vst v5;
	v5 =	vadd.f32 v10, v4  }
0xe6: {  	s0 =	sor.u32 s0, s2;
	v8 =	vld [tilespmem:s22+$0xB100];
	[tilespmem:s24+$0x8280] =	vst v6  }
0xe7: {  	s0 =	sor.u32 $0x380, s0;
	v9 =	vld [tilespmem:s22+$0xB180];
	[tilespmem:s24+$0x8300] =	vst v5  }
0xe8: {  	v5 =	vld [tilespmem:s0+$0x8000];
	_ =	sdelay $0x1  }
0xe9: {  	v7 =	vadd.f32 v7, v3  }
0xea: {  	v12 =	vld [tilespmem:s22+$0xB380];
	v8 =	vadd.f32 v8, v3  }
0xeb: {  	v11 =	vld [tilespmem:s22+$0xB300];
	[tilespmem:s22+$0xB080] =	vst v7;
	v7 =	vadd.f32 v9, v3  }
0xec: {  	v10 =	vld [tilespmem:s22+$0xB200];
	[tilespmem:s22+$0xB100] =	vst v8;
	v5 =	vadd.f32 v5, v4  }
0xed: {  	v8 =	vld [tilespmem:s22+$0xC800];
	[tilespmem:s22+$0xB180] =	vst v7  }
0xee: {  	v7 =	vld [tilespmem:s22+$0xC880];
	[tilespmem:s0+$0x8000] =	vst v5  }
0xef: {  	v12 =	vadd.f32 v12, v3;
	v5 =	vld [tilespmem:s24+$0xCB80]  }
0xf0: {  	v11 =	vadd.f32 v11, v3;
	v9 =	vld [tilespmem:s24+$0x9800]  }
0xf1: {  	[tilespmem:s22+$0xB380] =	vst v12;
	v10 =	vadd.f32 v10, v3;
	v14 =	vld [tilespmem:s24+$0x9900]  }
0xf2: {  	[tilespmem:s22+$0xB300] =	vst v11;
	v8 =	vadd.f32 v8, v3;
	v15 =	vld [tilespmem:s24+$0x9980]  }
0xf3: {  	[tilespmem:s22+$0xB200] =	vst v10;
	v16 =	vld [tilespmem:s24+$0x9A00];
	v7 =	vadd.f32 v7, v3  }
0xf4: {  	v10 =	vld [tilespmem:s24+$0x9B00];
	[tilespmem:s22+$0xC800] =	vst v8;
	v5 =	vadd.f32 v5, v4  }
0xf5: {  	v6 =	vld [tilespmem:s22+$0xB280];
	[tilespmem:s22+$0xC880] =	vst v7;
	v9 =	vadd.f32 v9, v4  }
0xf6: {  	v51 =	vld [tilespmem:s24+$0xB000];
	v50 =	vadd.f32 v14, v4;
	[tilespmem:s24+$0xCB80] =	vst v5  }
0xf7: {  	v17 =	vld [tilespmem:s24+$0x9A80];
	v11 =	vadd.f32 v15, v4;
	[tilespmem:s24+$0x9800] =	vst v9  }
0xf8: {  	v54 =	vld [tilespmem:s24+$0xB200];
	v52 =	vadd.f32 v16, v4;
	[tilespmem:s24+$0x9900] =	vst v50  }
0xf9: {  	v55 =	vld [tilespmem:s24+$0xB280];
	v10 =	vadd.f32 v10, v4;
	[tilespmem:s24+$0x9980] =	vst v11  }
0xfa: {  	v56 =	vld [tilespmem:s24+$0xB300];
	v5 =	vadd.f32 v6, v3;
	[tilespmem:s24+$0x9A00] =	vst v52  }
0xfb: {  	v13 =	vld [tilespmem:s24+$0x9880];
	[tilespmem:s24+$0x9B00] =	vst v10;
	v10 =	vadd.f32 v51, v4  }
0xfc: {  	v11 =	vadd.f32 v17, v4;
	[tilespmem:s22+$0xB280] =	vst v5;
	v5 =	vld [tilespmem:s24+$0x9B80]  }
0xfd: {  	v58 =	vadd.f32 v54, v4;
	[tilespmem:s24+$0xB000] =	vst v10;
	v10 =	vld [tilespmem:s24+$0xB080]  }
0xfe: {  	v59 =	vadd.f32 v55, v4;
	[tilespmem:s24+$0x9A80] =	vst v11;
	v11 =	vld [tilespmem:s24+$0xB100]  }
0xff: {  	v57 =	vld [tilespmem:s24+$0xB380];
	v60 =	vadd.f32 v56, v4;
	[tilespmem:s24+$0xB200] =	vst v58  }
0x100: {  	v8 =	vld [tilespmem:s24+$0xC800];
	v9 =	vadd.f32 v13, v4;
	[tilespmem:s24+$0xB280] =	vst v59  }
0x101: {  	v6 =	vld [tilespmem:s22+$0xC900];
	[tilespmem:s24+$0xB300] =	vst v60;
	v5 =	vadd.f32 v5, v4  }
0x102: {  	[tilespmem:s24+$0x9880] =	vst v9;
	v9 =	vld [tilespmem:s22+$0xC980];
	v10 =	vadd.f32 v10, v4  }
0x103: {  	v11 =	vadd.f32 v11, v4;
	[tilespmem:s24+$0x9B80] =	vst v5;
	v5 =	vld [tilespmem:s22+$0xCA00]  }
0x104: {  	v12 =	vadd.f32 v57, v4;
	[tilespmem:s24+$0xB080] =	vst v10;
	v10 =	vld [tilespmem:s22+$0xCA80]  }
0x105: {  	v8 =	vadd.f32 v8, v4;
	[tilespmem:s24+$0xB100] =	vst v11;
	v11 =	vld [tilespmem:s22+$0xCB00]  }
0x106: {  	v53 =	vld [tilespmem:s24+$0xB180];
	[tilespmem:s24+$0xB380] =	vst v12;
	v6 =	vadd.f32 v6, v3  }
0x107: {  	v7 =	vld [tilespmem:s24+$0xC880];
	[tilespmem:s24+$0xC800] =	vst v8;
	v9 =	vadd.f32 v9, v3  }
0x108: {  	[tilespmem:s22+$0xC900] =	vst v6;
	v6 =	vld [tilespmem:s24+$0xC900];
	v5 =	vadd.f32 v5, v3  }
0x109: {  	[tilespmem:s22+$0xC980] =	vst v9;
	v9 =	vld [tilespmem:s24+$0xC980];
	v10 =	vadd.f32 v10, v3  }
0x10a: {  	v3 =	vadd.f32 v11, v3;
	[tilespmem:s22+$0xCA00] =	vst v5;
	v5 =	vld [tilespmem:s24+$0xCA00]  }
0x10b: {  	v13 =	vadd.f32 v53, v4;
	[tilespmem:s22+$0xCA80] =	vst v10;
	v10 =	vld [tilespmem:s24+$0xCA80]  }
0x10c: {  	[tilespmem:s22+$0xCB00] =	vst v3;
	v3 =	vadd.f32 v7, v4;
	v7 =	vld [tilespmem:s24+$0xCB00]  }
0x10d: {  	[tilespmem:s24+$0xB180] =	vst v13;
	v6 =	vadd.f32 v6, v4  }
0x10e: {  	[tilespmem:s24+$0xC880] =	vst v3;
	v3 =	vadd.f32 v9, v4  }
0x10f: {  	[tilespmem:s24+$0xC900] =	vst v6;
	v5 =	vadd.f32 v5, v4  }
0x110: {  	[tilespmem:s24+$0xC980] =	vst v3;
	v3 =	vadd.f32 v10, v4  }
0x111: {  	v4 =	vadd.f32 v7, v4;
	[tilespmem:s24+$0xCA00] =	vst v5  }
0x112: {  	s29 =	sshll.u32 s20, $0xB;
	[tilespmem:s24+$0xCA80] =	vst v3  }
0x113: {  	s0 =	sshrl.u32 s29, $0x2;
	[tilespmem:s24+$0xCB00] =	vst v4  }
0x114: {  	v3 =	vld [tilespmem:s0+$0x1000];
	_ =	sdelay $0x4  }
0x115: {  	v4 =	vshrl.u32 v3, $0x3  }
0x116: {  	v4 =	vmul.u32 $0x30, v4  }
0x117: {  	v3 =	vand.u32 $0x7, v3  }
0x118: {  	v3 =	vor.u32 v3, v4  }
0x119: {  	v4 =	vperm.xlane v3, v0;
	_ =	sdelay $0x1  }
0x11a: {  	v4 =	vadd.s32 v1, v4;
	_ =	sdelay $0x3  }
0x11b: {  	s22 =	simm.s32 $0x8000;
	v3 =	vperm.xlane v3, v2  }
0x11c: {  	[hbm4b:s3+s4] =	stream.indirect_vreg.scatter [tilespmem:s22], [sflag:$0x5], $0x80, v4, vm0, $0xb8;
	v63 =	vld [tilespmem:$0x0]  }
0x11d: {  	s24 =	simm.s32 $0x8800;
	v3 =	vadd.s32 v1, v3  }
0x11e: {  	[hbm4b:s10+s4] =	stream.indirect_vreg.scatter [tilespmem:s24], [sflag:$0x5], $0x80, v4, vm0, $0xb8;
	v63 =	vld [tilespmem:$0x0]  }
0x11f: {  	s5 =	simm.s32 $0x9000  }
0x120: {  	[hbm4b:s11+s4] =	stream.indirect_vreg.scatter [tilespmem:s5], [sflag:$0x5], $0x80, v4, vm0, $0xb8;
	v63 =	vld [tilespmem:$0x0]  }
0x121: {  	s8 =	simm.s32 $0x9800  }
0x122: {  	[hbm4b:s3+s4] =	stream.indirect_vreg.scatter [tilespmem:s8], [sflag:$0x5], $0x80, v3, vm0, $0xb8;
	v63 =	vld [tilespmem:$0x0]  }
0x123: {  	s22 =	simm.s32 $0xA000  }
0x124: {  	[hbm4b:s10+s4] =	stream.indirect_vreg.scatter [tilespmem:s22], [sflag:$0x5], $0x80, v3, vm0, $0xb8;
	v63 =	vld [tilespmem:$0x0]  }
0x125: {  	s24 =	simm.s32 $0xA800  }
0x126: {  	[hbm4b:s11+s4] =	stream.indirect_vreg.scatter [tilespmem:s24], [sflag:$0x5], $0x80, v3, vm0, $0xb8;
	v63 =	vld [tilespmem:$0x0]  }
0x127: {  	v3 =	vld [tilespmem:s0+$0x1010];
	_ =	sdelay $0x4  }
0x128: {  	v4 =	vshrl.u32 v3, $0x3  }
0x129: {  	v4 =	vmul.u32 $0x30, v4  }
0x12a: {  	v3 =	vand.u32 $0x7, v3  }
0x12b: {  	v3 =	vor.u32 v3, v4  }
0x12c: {  	v4 =	vperm.xlane v3, v0;
	_ =	sdelay $0x1  }
0x12d: {  	v4 =	vadd.s32 v1, v4;
	_ =	sdelay $0x3  }
0x12e: {  	s2 =	simm.s32 $0xB000;
	v3 =	vperm.xlane v3, v2  }
0x12f: {  	[hbm4b:s3+s4] =	stream.indirect_vreg.scatter [tilespmem:s2], [sflag:$0x5], $0x80, v4, vm0, $0xb8;
	v63 =	vld [tilespmem:$0x0]  }
0x130: {  	s5 =	simm.s32 $0xB800;
	v3 =	vadd.s32 v1, v3  }
0x131: {  	[hbm4b:s10+s4] =	stream.indirect_vreg.scatter [tilespmem:s5], [sflag:$0x5], $0x80, v4, vm0, $0xb8;
	v63 =	vld [tilespmem:$0x0]  }
0x132: {  	s8 =	simm.s32 $0xC000  }
0x133: {  	[hbm4b:s11+s4] =	stream.indirect_vreg.scatter [tilespmem:s8], [sflag:$0x5], $0x80, v4, vm0, $0xb8;
	v63 =	vld [tilespmem:$0x0]  }
0x134: {  	s22 =	simm.s32 $0xC800  }
0x135: {  	[hbm4b:s3+s4] =	stream.indirect_vreg.scatter [tilespmem:s22], [sflag:$0x5], $0x80, v3, vm0, $0xb8;
	v63 =	vld [tilespmem:$0x0]  }
0x136: {  	s24 =	simm.s32 $0xD000  }
0x137: {  	[hbm4b:s10+s4] =	stream.indirect_vreg.scatter [tilespmem:s24], [sflag:$0x5], $0x80, v3, vm0, $0xb8;
	v63 =	vld [tilespmem:$0x0]  }
0x138: {  	s0 =	simm.s32 @!p0 $0x8;
	s2 =	simm.s32 $0xD800  }
0x139: {  	[hbm4b:s11+s4] =	stream.indirect_vreg.scatter [tilespmem:s2], [sflag:$0x5], $0x80, v3, vm0, $0xb8;
	v63 =	vld [tilespmem:$0x0]  }
0x13a: {  	s24 =	sor.u32 $0x3, s28;
	_ =	swait.ge @!p0 [sflag:s0], $0x6000  }
0x13b: {  	s5 =	sshll.u32 s24, $0x9;
	[sflag:s0] =	ssyncset.done @!p0 $0x0  }
0x13c: {  	s22 =	sshrl.u32 s5, $0x2;
	[sflag:s0] =	ssyncadd.s32 @!p0 $0xFFFFA000  }
0x13d: {  	v3 =	vld [tilespmem:s22+$0x0];
	_ =	sdelay $0x4  }
0x13e: {  	v4 =	vshrl.u32 v3, $0x3  }
0x13f: {  	v4 =	vmul.u32 $0x30, v4  }
0x140: {  	v3 =	vand.u32 $0x7, v3  }
0x141: {  	v3 =	vor.u32 v3, v4  }
0x142: {  	v4 =	vperm.xlane v3, v0;
	_ =	sdelay $0x1  }
0x143: {  	v4 =	vadd.s32 v1, v4;
	_ =	sdelay $0x3  }
0x144: {  	s2 =	simm.s32 $0x0;
	v3 =	vperm.xlane v3, v2  }
0x145: {  	[tilespmem:s9], [sflag:$0x4] =	stream.indirect_vreg.gather [hbm4b:s1+s2], $0x80, v4, vm0, $0xb8;
	v63 =	vld [tilespmem:$0x0]  }
0x146: {  	v3 =	vadd.s32 v1, v3  }
0x147: {  	[tilespmem:s12], [sflag:$0x4] =	stream.indirect_vreg.gather [hbm4b:s6+s2], $0x80, v4, vm0, $0xb8;
	v63 =	vld [tilespmem:$0x0]  }
0x148: {  	s8 =	simm.s32 $0x1B000  }
0x149: {  	[tilespmem:s8], [sflag:$0x4] =	stream.indirect_vreg.gather [hbm4b:s7+s2], $0x80, v4, vm0, $0xb8;
	v63 =	vld [tilespmem:$0x0]  }
0x14a: {  	s9 =	simm.s32 $0x1B800  }
0x14b: {  	[tilespmem:s9], [sflag:$0x4] =	stream.indirect_vreg.gather [hbm4b:s1+s2], $0x80, v3, vm0, $0xb8;
	v63 =	vld [tilespmem:$0x0]  }
0x14c: {  	s12 =	simm.s32 $0x1C000  }
0x14d: {  	[tilespmem:s12], [sflag:$0x4] =	stream.indirect_vreg.gather [hbm4b:s6+s2], $0x80, v3, vm0, $0xb8;
	v63 =	vld [tilespmem:$0x0]  }
0x14e: {  	s5 =	simm.s32 $0x1C800  }
0x14f: {  	[tilespmem:s5], [sflag:$0x4] =	stream.indirect_vreg.gather [hbm4b:s7+s2], $0x80, v3, vm0, $0xb8;
	v63 =	vld [tilespmem:$0x0]  }
0x150: {  	v3 =	vld [tilespmem:s22+$0x10];
	_ =	sdelay $0x4  }
0x151: {  	v4 =	vshrl.u32 v3, $0x3  }
0x152: {  	v4 =	vmul.u32 $0x30, v4  }
0x153: {  	v3 =	vand.u32 $0x7, v3  }
0x154: {  	v3 =	vor.u32 v3, v4  }
0x155: {  	v4 =	vperm.xlane v3, v0;
	_ =	sdelay $0x1  }
0x156: {  	v4 =	vadd.s32 v1, v4;
	_ =	sdelay $0x3  }
0x157: {  	s8 =	simm.s32 $0x1D000;
	v3 =	vperm.xlane v3, v2  }
0x158: {  	[tilespmem:s8], [sflag:$0x4] =	stream.indirect_vreg.gather [hbm4b:s1+s2], $0x80, v4, vm0, $0xb8;
	v63 =	vld [tilespmem:$0x0]  }
0x159: {  	s9 =	simm.s32 $0x1D800;
	v3 =	vadd.s32 v1, v3  }
0x15a: {  	[tilespmem:s9], [sflag:$0x4] =	stream.indirect_vreg.gather [hbm4b:s6+s2], $0x80, v4, vm0, $0xb8;
	v63 =	vld [tilespmem:$0x0]  }
0x15b: {  	s12 =	simm.s32 $0x1E000  }
0x15c: {  	[tilespmem:s12], [sflag:$0x4] =	stream.indirect_vreg.gather [hbm4b:s7+s2], $0x80, v4, vm0, $0xb8;
	v63 =	vld [tilespmem:$0x0]  }
0x15d: {  	s5 =	simm.s32 $0x1E800  }
0x15e: {  	[tilespmem:s5], [sflag:$0x4] =	stream.indirect_vreg.gather [hbm4b:s1+s2], $0x80, v3, vm0, $0xb8;
	v63 =	vld [tilespmem:$0x0]  }
0x15f: {  	s8 =	sor.u32 $0x1, s28  }
0x160: {  	[tilespmem:s13], [sflag:$0x4] =	stream.indirect_vreg.gather [hbm4b:s6+s2], $0x80, v3, vm0, $0xb8;
	v63 =	vld [tilespmem:$0x0]  }
0x161: {  	s28 =	sshll.u32 s8, $0x7  }
0x162: {  	[tilespmem:s14], [sflag:$0x4] =	stream.indirect_vreg.gather [hbm4b:s7+s2], $0x80, v3, vm0, $0xb8;
	v63 =	vld [tilespmem:$0x0]  }
0x163: {  	s8 =	sand.u32 $0x1C00, s2;
	s0 =	sand.u32 $0x280, s28;
	_ =	swait.ge [sflag:s15], $0x6000  }
0x164: {  	s0 =	sadd.s32 s0, s21;
	s5 =	sand.u32 $0x70, s2;
	[sflag:s15] =	ssyncset.done $0x0  }
0x165: {  	s31 =	sadd.s32 s8, s0;
	s30 =	sor.u32 s5, s8;
	[sflag:s15] =	ssyncadd.s32 $0xFFFFA000  }
0x166: {  	s5 =	sadd.s32 s5, s31;
	v4 =	vld [tilespmem:s30+$0xE000]  }
0x167: {  	v3 =	vld [tilespmem:s5+$0x0]  }
0x168: {  	v5 =	vld [tilespmem:s30+$0xE080]  }
0x169: {  	v6 =	vld [tilespmem:s30+$0xE100]  }
0x16a: {  	v7 =	vld [tilespmem:s30+$0xE180]  }
0x16b: {  	v8 =	vld [tilespmem:s30+$0xE200]  }
0x16c: {  	v9 =	vld [tilespmem:s30+$0xE280];
	v4 =	vadd.f32 v4, v3  }
0x16d: {  	v10 =	vld [tilespmem:s30+$0xE300];
	v5 =	vadd.f32 v5, v3  }
0x16e: {  	[tilespmem:s30+$0xE000] =	vst v4;
	v4 =	vadd.f32 v6, v3  }
0x16f: {  	[tilespmem:s30+$0xE080] =	vst v5;
	v5 =	vadd.f32 v7, v3  }
0x170: {  	[tilespmem:s30+$0xE100] =	vst v4;
	v4 =	vadd.f32 v8, v3  }
0x171: {  	[tilespmem:s30+$0xE180] =	vst v5;
	v5 =	vadd.f32 v9, v3  }
0x172: {  	[tilespmem:s30+$0xE200] =	vst v4;
	v4 =	vadd.f32 v10, v3  }
0x173: {  	s2 =	sor.u32 s2, s2;
	[tilespmem:s30+$0xE280] =	vst v5  }
0x174: {  	s2 =	sor.u32 $0x380, s2;
	[tilespmem:s30+$0xE300] =	vst v4  }
0x175: {  	v4 =	vld [tilespmem:s2+$0xE000];
	_ =	sdelay $0x4  }
0x176: {  	v4 =	vadd.f32 v4, v3;
	_ =	sdelay $0x1  }
0x177: {  	[tilespmem:s2+$0xE000] =	vst v4  }
0x178: {  	v4 =	vld [tilespmem:s30+$0x12B80]  }
0x179: {  	v5 =	vld [tilespmem:s30+$0xF800]  }
0x17a: {  	v6 =	vld [tilespmem:s30+$0xF880]  }
0x17b: {  	v7 =	vld [tilespmem:s30+$0xF900]  }
0x17c: {  	v8 =	vld [tilespmem:s30+$0xF980]  }
0x17d: {  	v9 =	vld [tilespmem:s30+$0xFA00];
	v4 =	vadd.f32 v4, v3  }
0x17e: {  	v10 =	vld [tilespmem:s30+$0xFA80];
	v5 =	vadd.f32 v5, v3  }
0x17f: {  	s5 =	simm.s32 $0x10;
	s2 =	simm.s32 $0x80;
	v11 =	vld [tilespmem:s30+$0xFB00];
	[tilespmem:s30+$0x12B80] =	vst v4;
	v4 =	vadd.f32 v6, v3  }
0x180: {  	s9 =	sand.u32 $0x70, s5;
	v61 =	vld [tilespmem:s30+$0xFB80];
	s31 =	sand.u32 $0x1C00, s2;
	[tilespmem:s30+$0xF800] =	vst v5;
	v6 =	vadd.f32 v7, v3  }
0x181: {  	v62 =	vld [tilespmem:s30+$0x11000];
	s12 =	sadd.s32 s31, s0;
	s31 =	sor.u32 s9, s31;
	v7 =	vadd.f32 v8, v3;
	[tilespmem:s30+$0xF880] =	vst v4  }
0x182: {  	s8 =	sadd.s32 s9, s12;
	v5 =	vld [tilespmem:s31+$0xE000];
	v8 =	vadd.f32 v9, v3;
	[tilespmem:s30+$0xF900] =	vst v6  }
0x183: {  	v9 =	vadd.f32 v10, v3;
	v4 =	vld [tilespmem:s8+$0x0];
	[tilespmem:s30+$0xF980] =	vst v7  }
0x184: {  	v10 =	vadd.f32 v11, v3;
	v6 =	vld [tilespmem:s31+$0xE080];
	[tilespmem:s30+$0xFA00] =	vst v8  }
0x185: {  	v7 =	vld [tilespmem:s31+$0xE100];
	[tilespmem:s30+$0xFA80] =	vst v9;
	v9 =	vadd.f32 v61, v3  }
0x186: {  	v8 =	vld [tilespmem:s31+$0xE180];
	s8 =	simm.s32 $0x20;
	[tilespmem:s30+$0xFB00] =	vst v10;
	v10 =	vadd.f32 v62, v3  }
.LBB2_5:
0x187: {  	p0 =	sne.s32 s8, $0x2F0;
	v11 =	vld [tilespmem:s31+$0xE200];
	[tilespmem:s30+$0xFB80] =	vst v9  }
0x188: {  	v5 =	vadd.f32 v5, v4;
	v9 =	vld [tilespmem:s31+$0xE280];
	[tilespmem:s30+$0x11000] =	vst v10  }
0x189: {  	v6 =	vadd.f32 v6, v4;
	v10 =	vld [tilespmem:s31+$0xE300]  }
0x18a: {  	[tilespmem:s31+$0xE000] =	vst v5;
	v5 =	vadd.f32 v7, v4;
	v7 =	vld [tilespmem:s30+$0x11080]  }
0x18b: {  	[tilespmem:s31+$0xE080] =	vst v6;
	v6 =	vadd.f32 v8, v4;
	v8 =	vld [tilespmem:s30+$0x11100]  }
0x18c: {  	[tilespmem:s31+$0xE100] =	vst v5;
	v5 =	vadd.f32 v11, v4;
	v11 =	vld [tilespmem:s30+$0x11180]  }
0x18d: {  	[tilespmem:s31+$0xE180] =	vst v6;
	v6 =	vadd.f32 v9, v4;
	v9 =	vld [tilespmem:s30+$0x11200]  }
0x18e: {  	[tilespmem:s31+$0xE200] =	vst v5;
	v5 =	vadd.f32 v10, v4;
	v10 =	vld [tilespmem:s30+$0x11280]  }
0x18f: {  	s9 =	sor.u32 s2, s5;
	s5 =	smov.u32 s8;
	[tilespmem:s31+$0xE280] =	vst v6;
	v6 =	vadd.f32 v7, v3;
	v7 =	vld [tilespmem:s30+$0x11300]  }
0x190: {  	s9 =	sor.u32 $0x380, s9;
	[tilespmem:s31+$0xE300] =	vst v5;
	v5 =	vadd.f32 v8, v3;
	v8 =	vld [tilespmem:s30+$0x11380]  }
0x191: {  	v12 =	vld [tilespmem:s9+$0xE000];
	[tilespmem:s30+$0x11080] =	vst v6;
	v6 =	vadd.f32 v11, v3  }
0x192: {  	[tilespmem:s30+$0x11100] =	vst v5;
	v5 =	vadd.f32 v9, v3;
	v9 =	vld [tilespmem:s30+$0x12800]  }
0x193: {  	[tilespmem:s30+$0x11180] =	vst v6;
	v6 =	vadd.f32 v10, v3;
	v10 =	vld [tilespmem:s30+$0x12880]  }
0x194: {  	[tilespmem:s30+$0x11200] =	vst v5;
	v5 =	vadd.f32 v7, v3;
	v7 =	vld [tilespmem:s30+$0x12900]  }
0x195: {  	[tilespmem:s30+$0x11280] =	vst v6;
	v6 =	vadd.f32 v8, v3;
	v8 =	vld [tilespmem:s30+$0x12980]  }
0x196: {  	v11 =	vadd.f32 v12, v4;
	[tilespmem:s30+$0x11300] =	vst v5;
	v5 =	vld [tilespmem:s30+$0x12A00]  }
0x197: {  	[tilespmem:s30+$0x11380] =	vst v6;
	v6 =	vadd.f32 v9, v3;
	v9 =	vld [tilespmem:s30+$0x12A80]  }
0x198: {  	[tilespmem:s9+$0xE000] =	vst v11;
	v10 =	vadd.f32 v10, v3;
	v11 =	vld [tilespmem:s30+$0x12B00]  }
0x199: {  	v12 =	vld [tilespmem:s31+$0x12B80];
	[tilespmem:s30+$0x12800] =	vst v6;
	v6 =	vadd.f32 v7, v3  }
0x19a: {  	v7 =	vld [tilespmem:s31+$0xF800];
	[tilespmem:s30+$0x12880] =	vst v10;
	v8 =	vadd.f32 v8, v3  }
0x19b: {  	v10 =	vld [tilespmem:s31+$0xF880];
	[tilespmem:s30+$0x12900] =	vst v6;
	v5 =	vadd.f32 v5, v3  }
0x19c: {  	v6 =	vld [tilespmem:s31+$0xF900];
	[tilespmem:s30+$0x12980] =	vst v8;
	v8 =	vadd.f32 v9, v3  }
0x19d: {  	v9 =	vld [tilespmem:s31+$0xF980];
	[tilespmem:s30+$0x12A00] =	vst v5;
	v5 =	vadd.f32 v11, v3;
	v3 =	vmov v4  }
0x19e: {  	v4 =	vld [tilespmem:s31+$0xFA00];
	v11 =	vadd.f32 v12, v3;
	[tilespmem:s30+$0x12A80] =	vst v8  }
0x19f: {  	v7 =	vadd.f32 v7, v3;
	v8 =	vld [tilespmem:s31+$0xFA80];
	[tilespmem:s30+$0x12B00] =	vst v5;
	s30 =	smov.u32 s31  }
0x1a0: {  	s2 =	sadd.s32 $0x80, s2;
	v5 =	vadd.f32 v10, v3;
	v10 =	vld [tilespmem:s30+$0xFB00];
	[tilespmem:s30+$0x12B80] =	vst v11  }
0x1a1: {  	s9 =	sand.u32 $0x70, s8;
	s31 =	sand.u32 $0x1C00, s2;
	[tilespmem:s30+$0xF800] =	vst v7;
	v6 =	vadd.f32 v6, v3;
	v11 =	vld [tilespmem:s30+$0xFB80]  }
0x1a2: {  	s12 =	sadd.s32 s31, s0;
	s31 =	sor.u32 s9, s31;
	[tilespmem:s30+$0xF880] =	vst v5;
	v7 =	vadd.f32 v9, v3;
	v12 =	vld [tilespmem:s30+$0x11000]  }
.Ltmp1:
0x1a3: {  	s9 =	sadd.s32 s9, s12;
	v5 =	vld [tilespmem:s31+$0xE000];
	[tilespmem:s30+$0xF900] =	vst v6;
	v9 =	vadd.f32 v4, v3;
	(pc) =	sbr.rel @p0 .LBB2_5-.Ltmp1, $4  }
0x1a4: {  	v4 =	vld [tilespmem:s9+$0x0];
	[tilespmem:s30+$0xF980] =	vst v7;
	v8 =	vadd.f32 v8, v3  }
0x1a5: {  	v6 =	vld [tilespmem:s31+$0xE080];
	[tilespmem:s30+$0xFA00] =	vst v9;
	v10 =	vadd.f32 v10, v3  }
0x1a6: {  	v7 =	vld [tilespmem:s31+$0xE100];
	[tilespmem:s30+$0xFA80] =	vst v8;
	v9 =	vadd.f32 v11, v3  }
0x1a7: {  	s8 =	sadd.s32 $0x10, s8;
	v8 =	vld [tilespmem:s31+$0xE180];
	[tilespmem:s30+$0xFB00] =	vst v10;
	v10 =	vadd.f32 v12, v3  }
0x1a8: {  	v11 =	vld [tilespmem:s31+$0xE200]  }
0x1a9: {  	[tilespmem:s30+$0xFB80] =	vst v9;
	v9 =	vld [tilespmem:s31+$0xE280];
	v5 =	vadd.f32 v5, v4  }
0x1aa: {  	[tilespmem:s30+$0x11000] =	vst v10;
	v10 =	vld [tilespmem:s31+$0xE300];
	v6 =	vadd.f32 v6, v4  }
0x1ab: {  	[tilespmem:s31+$0xE000] =	vst v5;
	v5 =	vadd.f32 v7, v4  }
0x1ac: {  	[tilespmem:s31+$0xE080] =	vst v6;
	v6 =	vadd.f32 v8, v4  }
0x1ad: {  	[tilespmem:s31+$0xE100] =	vst v5;
	v5 =	vadd.f32 v11, v4  }
0x1ae: {  	[tilespmem:s31+$0xE180] =	vst v6;
	v6 =	vadd.f32 v9, v4  }
0x1af: {  	v7 =	vld [tilespmem:s30+$0x11080];
	[tilespmem:s31+$0xE200] =	vst v5;
	v5 =	vadd.f32 v10, v4  }
0x1b0: {  	s0 =	sor.u32 s2, s5;
	v8 =	vld [tilespmem:s30+$0x11100];
	[tilespmem:s31+$0xE280] =	vst v6  }
0x1b1: {  	s0 =	sor.u32 $0x380, s0;
	v9 =	vld [tilespmem:s30+$0x11180];
	[tilespmem:s31+$0xE300] =	vst v5  }
0x1b2: {  	v5 =	vld [tilespmem:s0+$0xE000];
	_ =	sdelay $0x1  }
0x1b3: {  	v7 =	vadd.f32 v7, v3  }
0x1b4: {  	v12 =	vld [tilespmem:s30+$0x11380];
	v8 =	vadd.f32 v8, v3  }
0x1b5: {  	v11 =	vld [tilespmem:s30+$0x11300];
	[tilespmem:s30+$0x11080] =	vst v7;
	v7 =	vadd.f32 v9, v3  }
0x1b6: {  	v10 =	vld [tilespmem:s30+$0x11200];
	[tilespmem:s30+$0x11100] =	vst v8;
	v5 =	vadd.f32 v5, v4  }
0x1b7: {  	v8 =	vld [tilespmem:s30+$0x12800];
	[tilespmem:s30+$0x11180] =	vst v7  }
0x1b8: {  	v7 =	vld [tilespmem:s30+$0x12880];
	[tilespmem:s0+$0xE000] =	vst v5  }
0x1b9: {  	v12 =	vadd.f32 v12, v3;
	v5 =	vld [tilespmem:s31+$0x12B80]  }
0x1ba: {  	v11 =	vadd.f32 v11, v3;
	v9 =	vld [tilespmem:s31+$0xF800]  }
0x1bb: {  	[tilespmem:s30+$0x11380] =	vst v12;
	v10 =	vadd.f32 v10, v3;
	v14 =	vld [tilespmem:s31+$0xF900]  }
0x1bc: {  	[tilespmem:s30+$0x11300] =	vst v11;
	v8 =	vadd.f32 v8, v3;
	v15 =	vld [tilespmem:s31+$0xF980]  }
0x1bd: {  	[tilespmem:s30+$0x11200] =	vst v10;
	v16 =	vld [tilespmem:s31+$0xFA00];
	v7 =	vadd.f32 v7, v3  }
0x1be: {  	v10 =	vld [tilespmem:s31+$0xFB00];
	[tilespmem:s30+$0x12800] =	vst v8;
	v5 =	vadd.f32 v5, v4  }
0x1bf: {  	v6 =	vld [tilespmem:s30+$0x11280];
	[tilespmem:s30+$0x12880] =	vst v7;
	v9 =	vadd.f32 v9, v4  }
0x1c0: {  	v51 =	vld [tilespmem:s31+$0x11000];
	v50 =	vadd.f32 v14, v4;
	[tilespmem:s31+$0x12B80] =	vst v5  }
0x1c1: {  	v17 =	vld [tilespmem:s31+$0xFA80];
	v11 =	vadd.f32 v15, v4;
	[tilespmem:s31+$0xF800] =	vst v9  }
0x1c2: {  	v54 =	vld [tilespmem:s31+$0x11200];
	v52 =	vadd.f32 v16, v4;
	[tilespmem:s31+$0xF900] =	vst v50  }
0x1c3: {  	v55 =	vld [tilespmem:s31+$0x11280];
	v10 =	vadd.f32 v10, v4;
	[tilespmem:s31+$0xF980] =	vst v11  }
0x1c4: {  	v56 =	vld [tilespmem:s31+$0x11300];
	v5 =	vadd.f32 v6, v3;
	[tilespmem:s31+$0xFA00] =	vst v52  }
0x1c5: {  	v13 =	vld [tilespmem:s31+$0xF880];
	[tilespmem:s31+$0xFB00] =	vst v10;
	v10 =	vadd.f32 v51, v4  }
0x1c6: {  	v11 =	vadd.f32 v17, v4;
	[tilespmem:s30+$0x11280] =	vst v5;
	v5 =	vld [tilespmem:s31+$0xFB80]  }
0x1c7: {  	v58 =	vadd.f32 v54, v4;
	[tilespmem:s31+$0x11000] =	vst v10;
	v10 =	vld [tilespmem:s31+$0x11080]  }
0x1c8: {  	v59 =	vadd.f32 v55, v4;
	[tilespmem:s31+$0xFA80] =	vst v11;
	v11 =	vld [tilespmem:s31+$0x11100]  }
0x1c9: {  	v57 =	vld [tilespmem:s31+$0x11380];
	v60 =	vadd.f32 v56, v4;
	[tilespmem:s31+$0x11200] =	vst v58  }
0x1ca: {  	v8 =	vld [tilespmem:s31+$0x12800];
	v9 =	vadd.f32 v13, v4;
	[tilespmem:s31+$0x11280] =	vst v59  }
0x1cb: {  	v6 =	vld [tilespmem:s30+$0x12900];
	[tilespmem:s31+$0x11300] =	vst v60;
	v5 =	vadd.f32 v5, v4  }
0x1cc: {  	[tilespmem:s31+$0xF880] =	vst v9;
	v9 =	vld [tilespmem:s30+$0x12980];
	v10 =	vadd.f32 v10, v4  }
0x1cd: {  	v11 =	vadd.f32 v11, v4;
	[tilespmem:s31+$0xFB80] =	vst v5;
	v5 =	vld [tilespmem:s30+$0x12A00]  }
0x1ce: {  	v12 =	vadd.f32 v57, v4;
	[tilespmem:s31+$0x11080] =	vst v10;
	v10 =	vld [tilespmem:s30+$0x12A80]  }
0x1cf: {  	v8 =	vadd.f32 v8, v4;
	[tilespmem:s31+$0x11100] =	vst v11;
	v11 =	vld [tilespmem:s30+$0x12B00]  }
0x1d0: {  	v53 =	vld [tilespmem:s31+$0x11180];
	[tilespmem:s31+$0x11380] =	vst v12;
	v6 =	vadd.f32 v6, v3  }
0x1d1: {  	v7 =	vld [tilespmem:s31+$0x12880];
	[tilespmem:s31+$0x12800] =	vst v8;
	v9 =	vadd.f32 v9, v3  }
0x1d2: {  	[tilespmem:s30+$0x12900] =	vst v6;
	v6 =	vld [tilespmem:s31+$0x12900];
	v5 =	vadd.f32 v5, v3  }
0x1d3: {  	[tilespmem:s30+$0x12980] =	vst v9;
	v9 =	vld [tilespmem:s31+$0x12980];
	v10 =	vadd.f32 v10, v3  }
0x1d4: {  	v3 =	vadd.f32 v11, v3;
	[tilespmem:s30+$0x12A00] =	vst v5;
	v5 =	vld [tilespmem:s31+$0x12A00]  }
0x1d5: {  	v13 =	vadd.f32 v53, v4;
	[tilespmem:s30+$0x12A80] =	vst v10;
	v10 =	vld [tilespmem:s31+$0x12A80]  }
0x1d6: {  	[tilespmem:s30+$0x12B00] =	vst v3;
	v3 =	vadd.f32 v7, v4;
	v7 =	vld [tilespmem:s31+$0x12B00]  }
0x1d7: {  	[tilespmem:s31+$0x11180] =	vst v13;
	v6 =	vadd.f32 v6, v4  }
0x1d8: {  	[tilespmem:s31+$0x12880] =	vst v3;
	v3 =	vadd.f32 v9, v4  }
0x1d9: {  	[tilespmem:s31+$0x12900] =	vst v6;
	v5 =	vadd.f32 v5, v4  }
0x1da: {  	[tilespmem:s31+$0x12980] =	vst v3;
	v3 =	vadd.f32 v10, v4  }
0x1db: {  	v4 =	vadd.f32 v7, v4;
	[tilespmem:s31+$0x12A00] =	vst v5  }
0x1dc: {  	[tilespmem:s31+$0x12A80] =	vst v3  }
0x1dd: {  	s0 =	sand.u32 $0x3FFFFF80, s28;
	[tilespmem:s31+$0x12B00] =	vst v4  }
0x1de: {  	v3 =	vld [tilespmem:s0+$0x1000];
	_ =	sdelay $0x4  }
0x1df: {  	v4 =	vshrl.u32 v3, $0x3  }
0x1e0: {  	v4 =	vmul.u32 $0x30, v4  }
0x1e1: {  	v3 =	vand.u32 $0x7, v3  }
0x1e2: {  	v3 =	vor.u32 v3, v4  }
0x1e3: {  	v4 =	vperm.xlane v3, v0;
	_ =	sdelay $0x1  }
0x1e4: {  	v4 =	vadd.s32 v1, v4;
	_ =	sdelay $0x3  }
0x1e5: {  	s31 =	simm.s32 $0xE000;
	v3 =	vperm.xlane v3, v2  }
0x1e6: {  	[hbm4b:s3+s4] =	stream.indirect_vreg.scatter [tilespmem:s31], [sflag:$0x6], $0x80, v4, vm0, $0xb8;
	v63 =	vld [tilespmem:$0x0]  }
0x1e7: {  	s5 =	simm.s32 $0xE800;
	v3 =	vadd.s32 v1, v3  }
0x1e8: {  	[hbm4b:s10+s4] =	stream.indirect_vreg.scatter [tilespmem:s5], [sflag:$0x6], $0x80, v4, vm0, $0xb8;
	v63 =	vld [tilespmem:$0x0]  }
0x1e9: {  	s8 =	simm.s32 $0xF000  }
0x1ea: {  	[hbm4b:s11+s4] =	stream.indirect_vreg.scatter [tilespmem:s8], [sflag:$0x6], $0x80, v4, vm0, $0xb8;
	v63 =	vld [tilespmem:$0x0]  }
0x1eb: {  	s9 =	simm.s32 $0xF800  }
0x1ec: {  	[hbm4b:s3+s4] =	stream.indirect_vreg.scatter [tilespmem:s9], [sflag:$0x6], $0x80, v3, vm0, $0xb8;
	v63 =	vld [tilespmem:$0x0]  }
0x1ed: {  	s12 =	simm.s32 $0x10000  }
0x1ee: {  	[hbm4b:s10+s4] =	stream.indirect_vreg.scatter [tilespmem:s12], [sflag:$0x6], $0x80, v3, vm0, $0xb8;
	v63 =	vld [tilespmem:$0x0]  }
0x1ef: {  	s30 =	simm.s32 $0x10800  }
0x1f0: {  	[hbm4b:s11+s4] =	stream.indirect_vreg.scatter [tilespmem:s30], [sflag:$0x6], $0x80, v3, vm0, $0xb8;
	v63 =	vld [tilespmem:$0x0]  }
0x1f1: {  	v3 =	vld [tilespmem:s0+$0x1010];
	_ =	sdelay $0x4  }
0x1f2: {  	v4 =	vshrl.u32 v3, $0x3  }
0x1f3: {  	v4 =	vmul.u32 $0x30, v4  }
0x1f4: {  	v3 =	vand.u32 $0x7, v3  }
0x1f5: {  	v3 =	vor.u32 v3, v4  }
0x1f6: {  	v4 =	vperm.xlane v3, v0;
	_ =	sdelay $0x1  }
0x1f7: {  	v4 =	vadd.s32 v1, v4;
	_ =	sdelay $0x3  }
0x1f8: {  	s31 =	simm.s32 $0x11000;
	v3 =	vperm.xlane v3, v2  }
0x1f9: {  	[hbm4b:s3+s4] =	stream.indirect_vreg.scatter [tilespmem:s31], [sflag:$0x6], $0x80, v4, vm0, $0xb8;
	v63 =	vld [tilespmem:$0x0]  }
0x1fa: {  	s2 =	simm.s32 $0x11800;
	v3 =	vadd.s32 v1, v3  }
0x1fb: {  	[hbm4b:s10+s4] =	stream.indirect_vreg.scatter [tilespmem:s2], [sflag:$0x6], $0x80, v4, vm0, $0xb8;
	v63 =	vld [tilespmem:$0x0]  }
0x1fc: {  	s5 =	simm.s32 $0x12000  }
0x1fd: {  	[hbm4b:s11+s4] =	stream.indirect_vreg.scatter [tilespmem:s5], [sflag:$0x6], $0x80, v4, vm0, $0xb8;
	v63 =	vld [tilespmem:$0x0]  }
0x1fe: {  	s8 =	simm.s32 $0x12800  }
0x1ff: {  	[hbm4b:s3+s4] =	stream.indirect_vreg.scatter [tilespmem:s8], [sflag:$0x6], $0x80, v3, vm0, $0xb8;
	v63 =	vld [tilespmem:$0x0]  }
0x200: {  	s9 =	simm.s32 $0x13000  }
0x201: {  	[hbm4b:s10+s4] =	stream.indirect_vreg.scatter [tilespmem:s9], [sflag:$0x6], $0x80, v3, vm0, $0xb8;
	v63 =	vld [tilespmem:$0x0]  }
0x202: {  	s12 =	simm.s32 $0x13800  }
0x203: {  	[hbm4b:s11+s4] =	stream.indirect_vreg.scatter [tilespmem:s12], [sflag:$0x6], $0x80, v3, vm0, $0xb8;
	v63 =	vld [tilespmem:$0x0]  }
0x204: {  	_ =	swait.ge [sflag:s16], $0x6000  }
0x205: {  	p0 =	seq.s32 s20, $0x7;
	[sflag:s16] =	ssyncset.done $0x0  }
0x206: {  	s28 =	sshrl.u32 @!p0 s29, $0x2;
	[sflag:s16] =	ssyncadd.s32 $0xFFFFA000  }
0x207: {  	v3 =	vld @!p0 [tilespmem:s28+$0x200];
	_ =	sdelay $0x4  }
0x208: {  	v4 =	vshrl.u32 @!p0 v3, $0x3  }
0x209: {  	v4 =	vmul.u32 @!p0 $0x30, v4  }
0x20a: {  	v5 =	vlaneseq.u32 @!p0;
	v3 =	vand.u32 @!p0 $0x7, v3  }
0x20b: {  	v6 =	vshrl.u32 @!p0 v5, $0x3;
	v3 =	vor.u32 @!p0 v3, v4;
	v4 =	vand.u32 @!p0 $0x7, v5  }
0x20c: {  	v6 =	vmul.u32 @!p0 $0x8, v6;
	v7 =	vperm.xlane @!p0 v3, v4;
	_ =	sdelay $0x1  }
0x20d: {  	v7 =	vadd.s32 @!p0 v6, v7;
	_ =	sdelay $0x2  }
0x20e: {  	v5 =	vor.u32 @!p0 $0x8, v5  }
0x20f: {  	vm1 =	vmmov @!p0 $0xffff;
	s0 =	simm.s32 @!p0 $0x0;
	s2 =	simm.s32 @!p0 $0x8000;
	v3 =	vperm.xlane @!p0 v3, v5  }
0x210: {  	[tilespmem:s2], [sflag:$0x1] =	stream.indirect_vreg.gather @!p0 [hbm4b:s1+s0], $0x80, v7, vm1, $0xb8;
	v63 =	vld [tilespmem:$0x0]  }
0x211: {  	v3 =	vadd.s32 @!p0 v6, v3;
	s2 =	simm.s32 @!p0 $0x8800  }
0x212: {  	[tilespmem:s2], [sflag:$0x1] =	stream.indirect_vreg.gather @!p0 [hbm4b:s6+s0], $0x80, v7, vm1, $0xb8;
	v63 =	vld [tilespmem:$0x0]  }
0x213: {  	s2 =	simm.s32 @!p0 $0x9000  }
0x214: {  	[tilespmem:s2], [sflag:$0x1] =	stream.indirect_vreg.gather @!p0 [hbm4b:s7+s0], $0x80, v7, vm1, $0xb8;
	v63 =	vld [tilespmem:$0x0]  }
0x215: {  	s2 =	simm.s32 @!p0 $0x9800  }
0x216: {  	[tilespmem:s2], [sflag:$0x1] =	stream.indirect_vreg.gather @!p0 [hbm4b:s1+s0], $0x80, v3, vm1, $0xb8;
	v63 =	vld [tilespmem:$0x0]  }
0x217: {  	s2 =	simm.s32 @!p0 $0xA000  }
0x218: {  	[tilespmem:s2], [sflag:$0x1] =	stream.indirect_vreg.gather @!p0 [hbm4b:s6+s0], $0x80, v3, vm1, $0xb8;
	v63 =	vld [tilespmem:$0x0]  }
0x219: {  	s2 =	simm.s32 @!p0 $0xA800  }
0x21a: {  	[tilespmem:s2], [sflag:$0x1] =	stream.indirect_vreg.gather @!p0 [hbm4b:s7+s0], $0x80, v3, vm1, $0xb8;
	v63 =	vld [tilespmem:$0x0]  }
0x21b: {  	v3 =	vld @!p0 [tilespmem:s28+$0x210];
	_ =	sdelay $0x4  }
0x21c: {  	v7 =	vshrl.u32 @!p0 v3, $0x3  }
0x21d: {  	v7 =	vmul.u32 @!p0 $0x30, v7  }
0x21e: {  	v3 =	vand.u32 @!p0 $0x7, v3  }
0x21f: {  	v3 =	vor.u32 @!p0 v3, v7  }
0x220: {  	v4 =	vperm.xlane @!p0 v3, v4;
	_ =	sdelay $0x1  }
0x221: {  	v4 =	vadd.s32 @!p0 v6, v4;
	_ =	sdelay $0x3  }
0x222: {  	s2 =	simm.s32 @!p0 $0xB000;
	v3 =	vperm.xlane @!p0 v3, v5  }
0x223: {  	[tilespmem:s2], [sflag:$0x1] =	stream.indirect_vreg.gather @!p0 [hbm4b:s1+s0], $0x80, v4, vm1, $0xb8;
	v63 =	vld [tilespmem:$0x0]  }
0x224: {  	v3 =	vadd.s32 @!p0 v6, v3;
	s2 =	simm.s32 @!p0 $0xB800  }
0x225: {  	[tilespmem:s2], [sflag:$0x1] =	stream.indirect_vreg.gather @!p0 [hbm4b:s6+s0], $0x80, v4, vm1, $0xb8;
	v63 =	vld [tilespmem:$0x0]  }
0x226: {  	s2 =	simm.s32 @!p0 $0xC000  }
0x227: {  	[tilespmem:s2], [sflag:$0x1] =	stream.indirect_vreg.gather @!p0 [hbm4b:s7+s0], $0x80, v4, vm1, $0xb8;
	v63 =	vld [tilespmem:$0x0]  }
0x228: {  	s2 =	simm.s32 @!p0 $0xC800  }
0x229: {  	[tilespmem:s2], [sflag:$0x1] =	stream.indirect_vreg.gather @!p0 [hbm4b:s1+s0], $0x80, v3, vm1, $0xb8;
	v63 =	vld [tilespmem:$0x0]  }
0x22a: {  	s2 =	simm.s32 @!p0 $0xD000  }
0x22b: {  	[tilespmem:s2], [sflag:$0x1] =	stream.indirect_vreg.gather @!p0 [hbm4b:s6+s0], $0x80, v3, vm1, $0xb8;
	v63 =	vld [tilespmem:$0x0]  }
0x22c: {  	s30 =	sshll.u32 s25, $0x7;
	s31 =	simm.s32 $0x0;
	s2 =	simm.s32 @!p0 $0xD800  }
0x22d: {  	[tilespmem:s2], [sflag:$0x1] =	stream.indirect_vreg.gather @!p0 [hbm4b:s7+s0], $0x80, v3, vm1, $0xb8;
	v63 =	vld [tilespmem:$0x0]  }
0x22e: {  	s8 =	sand.u32 $0x1C00, s31;
	s0 =	sand.u32 $0x300, s30;
	_ =	swait.ge [sflag:s17], $0x6000  }
0x22f: {  	s12 =	sand.u32 $0x70, s31;
	s0 =	sadd.s32 s0, s21;
	[sflag:s17] =	ssyncset.done $0x0  }
0x230: {  	s25 =	sor.u32 s12, s8;
	s9 =	sadd.s32 s8, s0;
	[sflag:s17] =	ssyncadd.s32 $0xFFFFA000  }
0x231: {  	s5 =	sadd.s32 s12, s9;
	v4 =	vld [tilespmem:s25+$0x14000]  }
0x232: {  	v3 =	vld [tilespmem:s5+$0x0]  }
0x233: {  	v5 =	vld [tilespmem:s25+$0x14080]  }
0x234: {  	v6 =	vld [tilespmem:s25+$0x14100]  }
0x235: {  	v7 =	vld [tilespmem:s25+$0x14180]  }
0x236: {  	v8 =	vld [tilespmem:s25+$0x14200]  }
0x237: {  	v9 =	vld [tilespmem:s25+$0x14280];
	v4 =	vadd.f32 v4, v3  }
0x238: {  	v10 =	vld [tilespmem:s25+$0x14300];
	v5 =	vadd.f32 v5, v3  }
0x239: {  	[tilespmem:s25+$0x14000] =	vst v4;
	v4 =	vadd.f32 v6, v3  }
0x23a: {  	[tilespmem:s25+$0x14080] =	vst v5;
	v5 =	vadd.f32 v7, v3  }
0x23b: {  	[tilespmem:s25+$0x14100] =	vst v4;
	v4 =	vadd.f32 v8, v3  }
0x23c: {  	[tilespmem:s25+$0x14180] =	vst v5;
	v5 =	vadd.f32 v9, v3  }
0x23d: {  	[tilespmem:s25+$0x14200] =	vst v4;
	v4 =	vadd.f32 v10, v3  }
0x23e: {  	s2 =	sor.u32 s31, s31;
	[tilespmem:s25+$0x14280] =	vst v5  }
0x23f: {  	s2 =	sor.u32 $0x380, s2;
	[tilespmem:s25+$0x14300] =	vst v4  }
0x240: {  	v4 =	vld [tilespmem:s2+$0x14000];
	_ =	sdelay $0x4  }
0x241: {  	v4 =	vadd.f32 v4, v3;
	_ =	sdelay $0x1  }
0x242: {  	[tilespmem:s2+$0x14000] =	vst v4  }
0x243: {  	v4 =	vld [tilespmem:s25+$0x18B80]  }
0x244: {  	v5 =	vld [tilespmem:s25+$0x15800]  }
0x245: {  	v6 =	vld [tilespmem:s25+$0x15880]  }
0x246: {  	v7 =	vld [tilespmem:s25+$0x15900]  }
0x247: {  	v8 =	vld [tilespmem:s25+$0x15980]  }
0x248: {  	v9 =	vld [tilespmem:s25+$0x15A00];
	v4 =	vadd.f32 v4, v3  }
0x249: {  	v10 =	vld [tilespmem:s25+$0x15A80];
	v5 =	vadd.f32 v5, v3  }
0x24a: {  	s5 =	simm.s32 $0x10;
	s2 =	simm.s32 $0x80;
	v11 =	vld [tilespmem:s25+$0x15B00];
	[tilespmem:s25+$0x18B80] =	vst v4;
	v4 =	vadd.f32 v6, v3  }
0x24b: {  	s30 =	sand.u32 $0x70, s5;
	v61 =	vld [tilespmem:s25+$0x15B80];
	s31 =	sand.u32 $0x1C00, s2;
	[tilespmem:s25+$0x15800] =	vst v5;
	v6 =	vadd.f32 v7, v3  }
0x24c: {  	v62 =	vld [tilespmem:s25+$0x17000];
	s12 =	sadd.s32 s31, s0;
	s29 =	sor.u32 s30, s31;
	v7 =	vadd.f32 v8, v3;
	[tilespmem:s25+$0x15880] =	vst v4  }
0x24d: {  	s8 =	sadd.s32 s30, s12;
	v5 =	vld [tilespmem:s29+$0x14000];
	v8 =	vadd.f32 v9, v3;
	[tilespmem:s25+$0x15900] =	vst v6  }
0x24e: {  	v9 =	vadd.f32 v10, v3;
	v4 =	vld [tilespmem:s8+$0x0];
	[tilespmem:s25+$0x15980] =	vst v7  }
0x24f: {  	v10 =	vadd.f32 v11, v3;
	v6 =	vld [tilespmem:s29+$0x14080];
	[tilespmem:s25+$0x15A00] =	vst v8  }
0x250: {  	v7 =	vld [tilespmem:s29+$0x14100];
	[tilespmem:s25+$0x15A80] =	vst v9;
	v9 =	vadd.f32 v61, v3  }
0x251: {  	v8 =	vld [tilespmem:s29+$0x14180];
	s8 =	simm.s32 $0x20;
	[tilespmem:s25+$0x15B00] =	vst v10;
	v10 =	vadd.f32 v62, v3  }
.LBB2_7:
0x252: {  	p1 =	sne.s32 s8, $0x2F0;
	v11 =	vld [tilespmem:s29+$0x14200];
	[tilespmem:s25+$0x15B80] =	vst v9  }
0x253: {  	v5 =	vadd.f32 v5, v4;
	v9 =	vld [tilespmem:s29+$0x14280];
	[tilespmem:s25+$0x17000] =	vst v10  }
0x254: {  	v6 =	vadd.f32 v6, v4;
	v10 =	vld [tilespmem:s29+$0x14300]  }
0x255: {  	[tilespmem:s29+$0x14000] =	vst v5;
	v5 =	vadd.f32 v7, v4;
	v7 =	vld [tilespmem:s25+$0x17080]  }
0x256: {  	[tilespmem:s29+$0x14080] =	vst v6;
	v6 =	vadd.f32 v8, v4;
	v8 =	vld [tilespmem:s25+$0x17100]  }
0x257: {  	[tilespmem:s29+$0x14100] =	vst v5;
	v5 =	vadd.f32 v11, v4;
	v11 =	vld [tilespmem:s25+$0x17180]  }
0x258: {  	[tilespmem:s29+$0x14180] =	vst v6;
	v6 =	vadd.f32 v9, v4;
	v9 =	vld [tilespmem:s25+$0x17200]  }
0x259: {  	[tilespmem:s29+$0x14200] =	vst v5;
	v5 =	vadd.f32 v10, v4;
	v10 =	vld [tilespmem:s25+$0x17280]  }
0x25a: {  	s9 =	sor.u32 s2, s5;
	s5 =	smov.u32 s8;
	[tilespmem:s29+$0x14280] =	vst v6;
	v6 =	vadd.f32 v7, v3;
	v7 =	vld [tilespmem:s25+$0x17300]  }
0x25b: {  	s9 =	sor.u32 $0x380, s9;
	[tilespmem:s29+$0x14300] =	vst v5;
	v5 =	vadd.f32 v8, v3;
	v8 =	vld [tilespmem:s25+$0x17380]  }
0x25c: {  	v12 =	vld [tilespmem:s9+$0x14000];
	[tilespmem:s25+$0x17080] =	vst v6;
	v6 =	vadd.f32 v11, v3  }
0x25d: {  	[tilespmem:s25+$0x17100] =	vst v5;
	v5 =	vadd.f32 v9, v3;
	v9 =	vld [tilespmem:s25+$0x18800]  }
0x25e: {  	[tilespmem:s25+$0x17180] =	vst v6;
	v6 =	vadd.f32 v10, v3;
	v10 =	vld [tilespmem:s25+$0x18880]  }
0x25f: {  	[tilespmem:s25+$0x17200] =	vst v5;
	v5 =	vadd.f32 v7, v3;
	v7 =	vld [tilespmem:s25+$0x18900]  }
0x260: {  	[tilespmem:s25+$0x17280] =	vst v6;
	v6 =	vadd.f32 v8, v3;
	v8 =	vld [tilespmem:s25+$0x18980]  }
0x261: {  	v11 =	vadd.f32 v12, v4;
	[tilespmem:s25+$0x17300] =	vst v5;
	v5 =	vld [tilespmem:s25+$0x18A00]  }
0x262: {  	[tilespmem:s25+$0x17380] =	vst v6;
	v6 =	vadd.f32 v9, v3;
	v9 =	vld [tilespmem:s25+$0x18A80]  }
0x263: {  	[tilespmem:s9+$0x14000] =	vst v11;
	v10 =	vadd.f32 v10, v3;
	v11 =	vld [tilespmem:s25+$0x18B00]  }
0x264: {  	v12 =	vld [tilespmem:s29+$0x18B80];
	[tilespmem:s25+$0x18800] =	vst v6;
	v6 =	vadd.f32 v7, v3  }
0x265: {  	v7 =	vld [tilespmem:s29+$0x15800];
	[tilespmem:s25+$0x18880] =	vst v10;
	v8 =	vadd.f32 v8, v3  }
0x266: {  	v10 =	vld [tilespmem:s29+$0x15880];
	[tilespmem:s25+$0x18900] =	vst v6;
	v5 =	vadd.f32 v5, v3  }
0x267: {  	v6 =	vld [tilespmem:s29+$0x15900];
	[tilespmem:s25+$0x18980] =	vst v8;
	v8 =	vadd.f32 v9, v3  }
0x268: {  	v9 =	vld [tilespmem:s29+$0x15980];
	[tilespmem:s25+$0x18A00] =	vst v5;
	v5 =	vadd.f32 v11, v3;
	v3 =	vmov v4  }
0x269: {  	v4 =	vld [tilespmem:s29+$0x15A00];
	v11 =	vadd.f32 v12, v3;
	[tilespmem:s25+$0x18A80] =	vst v8  }
0x26a: {  	v7 =	vadd.f32 v7, v3;
	v8 =	vld [tilespmem:s29+$0x15A80];
	[tilespmem:s25+$0x18B00] =	vst v5;
	s25 =	smov.u32 s29  }
0x26b: {  	s2 =	sadd.s32 $0x80, s2;
	v5 =	vadd.f32 v10, v3;
	v10 =	vld [tilespmem:s25+$0x15B00];
	[tilespmem:s25+$0x18B80] =	vst v11  }
0x26c: {  	s12 =	sand.u32 $0x1C00, s2;
	s9 =	sand.u32 $0x70, s8;
	[tilespmem:s25+$0x15800] =	vst v7;
	v6 =	vadd.f32 v6, v3;
	v11 =	vld [tilespmem:s25+$0x15B80]  }
0x26d: {  	s30 =	sadd.s32 s12, s0;
	s29 =	sor.u32 s9, s12;
	[tilespmem:s25+$0x15880] =	vst v5;
	v7 =	vadd.f32 v9, v3;
	v12 =	vld [tilespmem:s25+$0x17000]  }
.Ltmp2:
0x26e: {  	s9 =	sadd.s32 s9, s30;
	v5 =	vld [tilespmem:s29+$0x14000];
	[tilespmem:s25+$0x15900] =	vst v6;
	v9 =	vadd.f32 v4, v3;
	(pc) =	sbr.rel @p1 .LBB2_7-.Ltmp2, $4  }
0x26f: {  	v4 =	vld [tilespmem:s9+$0x0];
	[tilespmem:s25+$0x15980] =	vst v7;
	v8 =	vadd.f32 v8, v3  }
0x270: {  	v6 =	vld [tilespmem:s29+$0x14080];
	[tilespmem:s25+$0x15A00] =	vst v9;
	v10 =	vadd.f32 v10, v3  }
0x271: {  	v7 =	vld [tilespmem:s29+$0x14100];
	[tilespmem:s25+$0x15A80] =	vst v8;
	v9 =	vadd.f32 v11, v3  }
0x272: {  	s8 =	sadd.s32 $0x10, s8;
	v8 =	vld [tilespmem:s29+$0x14180];
	[tilespmem:s25+$0x15B00] =	vst v10;
	v10 =	vadd.f32 v12, v3  }
0x273: {  	v11 =	vld [tilespmem:s29+$0x14200]  }
0x274: {  	[tilespmem:s25+$0x15B80] =	vst v9;
	v9 =	vld [tilespmem:s29+$0x14280];
	v5 =	vadd.f32 v5, v4  }
0x275: {  	[tilespmem:s25+$0x17000] =	vst v10;
	v10 =	vld [tilespmem:s29+$0x14300];
	v6 =	vadd.f32 v6, v4  }
0x276: {  	[tilespmem:s29+$0x14000] =	vst v5;
	v5 =	vadd.f32 v7, v4  }
0x277: {  	[tilespmem:s29+$0x14080] =	vst v6;
	v6 =	vadd.f32 v8, v4  }
0x278: {  	[tilespmem:s29+$0x14100] =	vst v5;
	v5 =	vadd.f32 v11, v4  }
0x279: {  	[tilespmem:s29+$0x14180] =	vst v6;
	v6 =	vadd.f32 v9, v4  }
0x27a: {  	v7 =	vld [tilespmem:s25+$0x17080];
	[tilespmem:s29+$0x14200] =	vst v5;
	v5 =	vadd.f32 v10, v4  }
0x27b: {  	s0 =	sor.u32 s2, s5;
	v8 =	vld [tilespmem:s25+$0x17100];
	[tilespmem:s29+$0x14280] =	vst v6  }
0x27c: {  	s0 =	sor.u32 $0x380, s0;
	v9 =	vld [tilespmem:s25+$0x17180];
	[tilespmem:s29+$0x14300] =	vst v5  }
0x27d: {  	v5 =	vld [tilespmem:s0+$0x14000];
	_ =	sdelay $0x1  }
0x27e: {  	v7 =	vadd.f32 v7, v3  }
0x27f: {  	v12 =	vld [tilespmem:s25+$0x17380];
	v8 =	vadd.f32 v8, v3  }
0x280: {  	v11 =	vld [tilespmem:s25+$0x17300];
	[tilespmem:s25+$0x17080] =	vst v7;
	v7 =	vadd.f32 v9, v3  }
0x281: {  	v10 =	vld [tilespmem:s25+$0x17200];
	[tilespmem:s25+$0x17100] =	vst v8;
	v5 =	vadd.f32 v5, v4  }
0x282: {  	v8 =	vld [tilespmem:s25+$0x18800];
	[tilespmem:s25+$0x17180] =	vst v7  }
0x283: {  	v7 =	vld [tilespmem:s25+$0x18880];
	[tilespmem:s0+$0x14000] =	vst v5  }
0x284: {  	v12 =	vadd.f32 v12, v3;
	v5 =	vld [tilespmem:s29+$0x18B80]  }
0x285: {  	v11 =	vadd.f32 v11, v3;
	v9 =	vld [tilespmem:s29+$0x15800]  }
0x286: {  	[tilespmem:s25+$0x17380] =	vst v12;
	v10 =	vadd.f32 v10, v3;
	v14 =	vld [tilespmem:s29+$0x15900]  }
0x287: {  	[tilespmem:s25+$0x17300] =	vst v11;
	v8 =	vadd.f32 v8, v3;
	v15 =	vld [tilespmem:s29+$0x15980]  }
0x288: {  	[tilespmem:s25+$0x17200] =	vst v10;
	v16 =	vld [tilespmem:s29+$0x15A00];
	v7 =	vadd.f32 v7, v3  }
0x289: {  	v10 =	vld [tilespmem:s29+$0x15B00];
	[tilespmem:s25+$0x18800] =	vst v8;
	v5 =	vadd.f32 v5, v4  }
0x28a: {  	v6 =	vld [tilespmem:s25+$0x17280];
	[tilespmem:s25+$0x18880] =	vst v7;
	v9 =	vadd.f32 v9, v4  }
0x28b: {  	v51 =	vld [tilespmem:s29+$0x17000];
	v50 =	vadd.f32 v14, v4;
	[tilespmem:s29+$0x18B80] =	vst v5  }
0x28c: {  	v17 =	vld [tilespmem:s29+$0x15A80];
	v11 =	vadd.f32 v15, v4;
	[tilespmem:s29+$0x15800] =	vst v9  }
0x28d: {  	v54 =	vld [tilespmem:s29+$0x17200];
	v52 =	vadd.f32 v16, v4;
	[tilespmem:s29+$0x15900] =	vst v50  }
0x28e: {  	v55 =	vld [tilespmem:s29+$0x17280];
	v10 =	vadd.f32 v10, v4;
	[tilespmem:s29+$0x15980] =	vst v11  }
0x28f: {  	v56 =	vld [tilespmem:s29+$0x17300];
	v5 =	vadd.f32 v6, v3;
	[tilespmem:s29+$0x15A00] =	vst v52  }
0x290: {  	v13 =	vld [tilespmem:s29+$0x15880];
	[tilespmem:s29+$0x15B00] =	vst v10;
	v10 =	vadd.f32 v51, v4  }
0x291: {  	v11 =	vadd.f32 v17, v4;
	[tilespmem:s25+$0x17280] =	vst v5;
	v5 =	vld [tilespmem:s29+$0x15B80]  }
0x292: {  	v58 =	vadd.f32 v54, v4;
	[tilespmem:s29+$0x17000] =	vst v10;
	v10 =	vld [tilespmem:s29+$0x17080]  }
0x293: {  	v59 =	vadd.f32 v55, v4;
	[tilespmem:s29+$0x15A80] =	vst v11;
	v11 =	vld [tilespmem:s29+$0x17100]  }
0x294: {  	v57 =	vld [tilespmem:s29+$0x17380];
	v60 =	vadd.f32 v56, v4;
	[tilespmem:s29+$0x17200] =	vst v58  }
0x295: {  	v8 =	vld [tilespmem:s29+$0x18800];
	v9 =	vadd.f32 v13, v4;
	[tilespmem:s29+$0x17280] =	vst v59  }
0x296: {  	v6 =	vld [tilespmem:s25+$0x18900];
	[tilespmem:s29+$0x17300] =	vst v60;
	v5 =	vadd.f32 v5, v4  }
0x297: {  	[tilespmem:s29+$0x15880] =	vst v9;
	v9 =	vld [tilespmem:s25+$0x18980];
	v10 =	vadd.f32 v10, v4  }
0x298: {  	v11 =	vadd.f32 v11, v4;
	[tilespmem:s29+$0x15B80] =	vst v5;
	v5 =	vld [tilespmem:s25+$0x18A00]  }
0x299: {  	v12 =	vadd.f32 v57, v4;
	[tilespmem:s29+$0x17080] =	vst v10;
	v10 =	vld [tilespmem:s25+$0x18A80]  }
0x29a: {  	v8 =	vadd.f32 v8, v4;
	[tilespmem:s29+$0x17100] =	vst v11;
	v11 =	vld [tilespmem:s25+$0x18B00]  }
0x29b: {  	v53 =	vld [tilespmem:s29+$0x17180];
	[tilespmem:s29+$0x17380] =	vst v12;
	v6 =	vadd.f32 v6, v3  }
0x29c: {  	v7 =	vld [tilespmem:s29+$0x18880];
	[tilespmem:s29+$0x18800] =	vst v8;
	v9 =	vadd.f32 v9, v3  }
0x29d: {  	[tilespmem:s25+$0x18900] =	vst v6;
	v6 =	vld [tilespmem:s29+$0x18900];
	v5 =	vadd.f32 v5, v3  }
0x29e: {  	[tilespmem:s25+$0x18980] =	vst v9;
	v9 =	vld [tilespmem:s29+$0x18980];
	v10 =	vadd.f32 v10, v3  }
0x29f: {  	v3 =	vadd.f32 v11, v3;
	[tilespmem:s25+$0x18A00] =	vst v5;
	v5 =	vld [tilespmem:s29+$0x18A00]  }
0x2a0: {  	v13 =	vadd.f32 v53, v4;
	[tilespmem:s25+$0x18A80] =	vst v10;
	v10 =	vld [tilespmem:s29+$0x18A80]  }
0x2a1: {  	[tilespmem:s25+$0x18B00] =	vst v3;
	v3 =	vadd.f32 v7, v4;
	v7 =	vld [tilespmem:s29+$0x18B00]  }
0x2a2: {  	[tilespmem:s29+$0x17180] =	vst v13;
	v6 =	vadd.f32 v6, v4  }
0x2a3: {  	[tilespmem:s29+$0x18880] =	vst v3;
	v3 =	vadd.f32 v9, v4  }
0x2a4: {  	[tilespmem:s29+$0x18900] =	vst v6;
	v5 =	vadd.f32 v5, v4  }
0x2a5: {  	[tilespmem:s29+$0x18980] =	vst v3;
	v3 =	vadd.f32 v10, v4  }
0x2a6: {  	v4 =	vadd.f32 v7, v4;
	[tilespmem:s29+$0x18A00] =	vst v5  }
0x2a7: {  	[tilespmem:s29+$0x18A80] =	vst v3  }
0x2a8: {  	[tilespmem:s29+$0x18B00] =	vst v4  }
0x2a9: {  	v3 =	vld [tilespmem:s23+$0x1000];
	_ =	sdelay $0x4  }
0x2aa: {  	v4 =	vshrl.u32 v3, $0x3  }
0x2ab: {  	v4 =	vmul.u32 $0x30, v4  }
0x2ac: {  	v3 =	vand.u32 $0x7, v3  }
0x2ad: {  	v3 =	vor.u32 v3, v4  }
0x2ae: {  	v4 =	vperm.xlane v3, v0;
	_ =	sdelay $0x1  }
0x2af: {  	v4 =	vadd.s32 v1, v4;
	_ =	sdelay $0x3  }
0x2b0: {  	s29 =	simm.s32 $0x14000;
	v3 =	vperm.xlane v3, v2  }
0x2b1: {  	[hbm4b:s3+s4] =	stream.indirect_vreg.scatter [tilespmem:s29], [sflag:$0x7], $0x80, v4, vm0, $0xb8;
	v63 =	vld [tilespmem:$0x0]  }
0x2b2: {  	s30 =	simm.s32 $0x14800;
	v3 =	vadd.s32 v1, v3  }
0x2b3: {  	[hbm4b:s10+s4] =	stream.indirect_vreg.scatter [tilespmem:s30], [sflag:$0x7], $0x80, v4, vm0, $0xb8;
	v63 =	vld [tilespmem:$0x0]  }
0x2b4: {  	s31 =	simm.s32 $0x15000  }
0x2b5: {  	[hbm4b:s11+s4] =	stream.indirect_vreg.scatter [tilespmem:s31], [sflag:$0x7], $0x80, v4, vm0, $0xb8;
	v63 =	vld [tilespmem:$0x0]  }
0x2b6: {  	s8 =	simm.s32 $0x15800  }
0x2b7: {  	[hbm4b:s3+s4] =	stream.indirect_vreg.scatter [tilespmem:s8], [sflag:$0x7], $0x80, v3, vm0, $0xb8;
	v63 =	vld [tilespmem:$0x0]  }
0x2b8: {  	s9 =	simm.s32 $0x16000  }
0x2b9: {  	[hbm4b:s10+s4] =	stream.indirect_vreg.scatter [tilespmem:s9], [sflag:$0x7], $0x80, v3, vm0, $0xb8;
	v63 =	vld [tilespmem:$0x0]  }
0x2ba: {  	s12 =	simm.s32 $0x16800  }
0x2bb: {  	[hbm4b:s11+s4] =	stream.indirect_vreg.scatter [tilespmem:s12], [sflag:$0x7], $0x80, v3, vm0, $0xb8;
	v63 =	vld [tilespmem:$0x0]  }
0x2bc: {  	v3 =	vld [tilespmem:s23+$0x1010];
	_ =	sdelay $0x4  }
0x2bd: {  	v4 =	vshrl.u32 v3, $0x3  }
0x2be: {  	v4 =	vmul.u32 $0x30, v4  }
0x2bf: {  	v3 =	vand.u32 $0x7, v3  }
0x2c0: {  	v3 =	vor.u32 v3, v4  }
0x2c1: {  	v4 =	vperm.xlane v3, v0;
	_ =	sdelay $0x1  }
0x2c2: {  	v4 =	vadd.s32 v1, v4;
	_ =	sdelay $0x3  }
0x2c3: {  	s23 =	simm.s32 $0x17000;
	v3 =	vperm.xlane v3, v2  }
0x2c4: {  	[hbm4b:s3+s4] =	stream.indirect_vreg.scatter [tilespmem:s23], [sflag:$0x7], $0x80, v4, vm0, $0xb8;
	v63 =	vld [tilespmem:$0x0]  }
0x2c5: {  	s25 =	simm.s32 $0x17800;
	v3 =	vadd.s32 v1, v3  }
0x2c6: {  	[hbm4b:s10+s4] =	stream.indirect_vreg.scatter [tilespmem:s25], [sflag:$0x7], $0x80, v4, vm0, $0xb8;
	v63 =	vld [tilespmem:$0x0]  }
0x2c7: {  	s2 =	simm.s32 $0x18000  }
0x2c8: {  	[hbm4b:s11+s4] =	stream.indirect_vreg.scatter [tilespmem:s2], [sflag:$0x7], $0x80, v4, vm0, $0xb8;
	v63 =	vld [tilespmem:$0x0]  }
0x2c9: {  	s5 =	simm.s32 $0x18800  }
0x2ca: {  	[hbm4b:s3+s4] =	stream.indirect_vreg.scatter [tilespmem:s5], [sflag:$0x7], $0x80, v3, vm0, $0xb8;
	v63 =	vld [tilespmem:$0x0]  }
0x2cb: {  	s8 =	simm.s32 $0x19000  }
0x2cc: {  	[hbm4b:s10+s4] =	stream.indirect_vreg.scatter [tilespmem:s8], [sflag:$0x7], $0x80, v3, vm0, $0xb8;
	v63 =	vld [tilespmem:$0x0]  }
0x2cd: {  	s9 =	simm.s32 $0x19800  }
0x2ce: {  	[hbm4b:s11+s4] =	stream.indirect_vreg.scatter [tilespmem:s9], [sflag:$0x7], $0x80, v3, vm0, $0xb8;
	v63 =	vld [tilespmem:$0x0]  }
0x2cf: {  	_ =	swait.ge [sflag:s18], $0x6000  }
0x2d0: {  	[sflag:s18] =	ssyncset.done $0x0  }
0x2d1: {  	[sflag:s18] =	ssyncadd.s32 $0xFFFFA000  }
0x2d2: {  	v3 =	vld @!p0 [tilespmem:s28+$0x280];
	_ =	sdelay $0x4  }
0x2d3: {  	v4 =	vshrl.u32 @!p0 v3, $0x3  }
0x2d4: {  	v4 =	vmul.u32 @!p0 $0x30, v4  }
0x2d5: {  	v5 =	vlaneseq.u32 @!p0;
	v3 =	vand.u32 @!p0 $0x7, v3  }
0x2d6: {  	v6 =	vshrl.u32 @!p0 v5, $0x3;
	v3 =	vor.u32 @!p0 v3, v4;
	v4 =	vand.u32 @!p0 $0x7, v5  }
0x2d7: {  	v6 =	vmul.u32 @!p0 $0x8, v6;
	v7 =	vperm.xlane @!p0 v3, v4;
	_ =	sdelay $0x1  }
0x2d8: {  	v7 =	vadd.s32 @!p0 v6, v7;
	_ =	sdelay $0x2  }
0x2d9: {  	v5 =	vor.u32 @!p0 $0x8, v5  }
0x2da: {  	s0 =	simm.s32 @!p0 $0x0;
	s2 =	simm.s32 @!p0 $0xE000;
	v3 =	vperm.xlane @!p0 v3, v5  }
0x2db: {  	[tilespmem:s2], [sflag:$0x2] =	stream.indirect_vreg.gather @!p0 [hbm4b:s1+s0], $0x80, v7, vm1, $0xb8;
	v63 =	vld [tilespmem:$0x0]  }
0x2dc: {  	v3 =	vadd.s32 @!p0 v6, v3;
	s2 =	simm.s32 @!p0 $0xE800  }
0x2dd: {  	[tilespmem:s2], [sflag:$0x2] =	stream.indirect_vreg.gather @!p0 [hbm4b:s6+s0], $0x80, v7, vm1, $0xb8;
	v63 =	vld [tilespmem:$0x0]  }
0x2de: {  	s2 =	simm.s32 @!p0 $0xF000  }
0x2df: {  	[tilespmem:s2], [sflag:$0x2] =	stream.indirect_vreg.gather @!p0 [hbm4b:s7+s0], $0x80, v7, vm1, $0xb8;
	v63 =	vld [tilespmem:$0x0]  }
0x2e0: {  	s2 =	simm.s32 @!p0 $0xF800  }
0x2e1: {  	[tilespmem:s2], [sflag:$0x2] =	stream.indirect_vreg.gather @!p0 [hbm4b:s1+s0], $0x80, v3, vm1, $0xb8;
	v63 =	vld [tilespmem:$0x0]  }
0x2e2: {  	s2 =	simm.s32 @!p0 $0x10000  }
0x2e3: {  	[tilespmem:s2], [sflag:$0x2] =	stream.indirect_vreg.gather @!p0 [hbm4b:s6+s0], $0x80, v3, vm1, $0xb8;
	v63 =	vld [tilespmem:$0x0]  }
0x2e4: {  	s2 =	simm.s32 @!p0 $0x10800  }
0x2e5: {  	[tilespmem:s2], [sflag:$0x2] =	stream.indirect_vreg.gather @!p0 [hbm4b:s7+s0], $0x80, v3, vm1, $0xb8;
	v63 =	vld [tilespmem:$0x0]  }
0x2e6: {  	v3 =	vld @!p0 [tilespmem:s28+$0x290];
	_ =	sdelay $0x4  }
0x2e7: {  	v7 =	vshrl.u32 @!p0 v3, $0x3  }
0x2e8: {  	v7 =	vmul.u32 @!p0 $0x30, v7  }
0x2e9: {  	v3 =	vand.u32 @!p0 $0x7, v3  }
0x2ea: {  	v3 =	vor.u32 @!p0 v3, v7  }
0x2eb: {  	v4 =	vperm.xlane @!p0 v3, v4;
	_ =	sdelay $0x1  }
0x2ec: {  	v4 =	vadd.s32 @!p0 v6, v4;
	_ =	sdelay $0x3  }
0x2ed: {  	s2 =	simm.s32 @!p0 $0x11000;
	v3 =	vperm.xlane @!p0 v3, v5  }
0x2ee: {  	[tilespmem:s2], [sflag:$0x2] =	stream.indirect_vreg.gather @!p0 [hbm4b:s1+s0], $0x80, v4, vm1, $0xb8;
	v63 =	vld [tilespmem:$0x0]  }
0x2ef: {  	v3 =	vadd.s32 @!p0 v6, v3;
	s2 =	simm.s32 @!p0 $0x11800  }
0x2f0: {  	[tilespmem:s2], [sflag:$0x2] =	stream.indirect_vreg.gather @!p0 [hbm4b:s6+s0], $0x80, v4, vm1, $0xb8;
	v63 =	vld [tilespmem:$0x0]  }
0x2f1: {  	s2 =	simm.s32 @!p0 $0x12000  }
0x2f2: {  	[tilespmem:s2], [sflag:$0x2] =	stream.indirect_vreg.gather @!p0 [hbm4b:s7+s0], $0x80, v4, vm1, $0xb8;
	v63 =	vld [tilespmem:$0x0]  }
0x2f3: {  	s2 =	simm.s32 @!p0 $0x12800  }
0x2f4: {  	[tilespmem:s2], [sflag:$0x2] =	stream.indirect_vreg.gather @!p0 [hbm4b:s1+s0], $0x80, v3, vm1, $0xb8;
	v63 =	vld [tilespmem:$0x0]  }
0x2f5: {  	s2 =	simm.s32 @!p0 $0x13000  }
0x2f6: {  	[tilespmem:s2], [sflag:$0x2] =	stream.indirect_vreg.gather @!p0 [hbm4b:s6+s0], $0x80, v3, vm1, $0xb8;
	v63 =	vld [tilespmem:$0x0]  }
0x2f7: {  	s12 =	sshll.u32 s24, $0x7;
	s23 =	simm.s32 $0x0;
	s2 =	simm.s32 @!p0 $0x13800  }
0x2f8: {  	[tilespmem:s2], [sflag:$0x2] =	stream.indirect_vreg.gather @!p0 [hbm4b:s7+s0], $0x80, v3, vm1, $0xb8;
	v63 =	vld [tilespmem:$0x0]  }
0x2f9: {  	s24 =	sand.u32 $0x70, s23;
	s0 =	sand.u32 $0x380, s12;
	_ =	swait.ge [sflag:s19], $0x6000  }
0x2fa: {  	s8 =	sand.u32 $0x1C00, s23;
	s0 =	sadd.s32 s0, s21;
	[sflag:s19] =	ssyncset.done $0x0  }
0x2fb: {  	s21 =	sor.u32 s24, s8;
	s9 =	sadd.s32 s8, s0;
	[sflag:s19] =	ssyncadd.s32 $0xFFFFA000  }
0x2fc: {  	s5 =	sadd.s32 s24, s9;
	v4 =	vld [tilespmem:s21+$0x1A000]  }
0x2fd: {  	v3 =	vld [tilespmem:s5+$0x0]  }
0x2fe: {  	v5 =	vld [tilespmem:s21+$0x1A080]  }
0x2ff: {  	v6 =	vld [tilespmem:s21+$0x1A100]  }
0x300: {  	v7 =	vld [tilespmem:s21+$0x1A180]  }
0x301: {  	v8 =	vld [tilespmem:s21+$0x1A200]  }
0x302: {  	v9 =	vld [tilespmem:s21+$0x1A280];
	v4 =	vadd.f32 v4, v3  }
0x303: {  	v10 =	vld [tilespmem:s21+$0x1A300];
	v5 =	vadd.f32 v5, v3  }
0x304: {  	[tilespmem:s21+$0x1A000] =	vst v4;
	v4 =	vadd.f32 v6, v3  }
0x305: {  	[tilespmem:s21+$0x1A080] =	vst v5;
	v5 =	vadd.f32 v7, v3  }
0x306: {  	[tilespmem:s21+$0x1A100] =	vst v4;
	v4 =	vadd.f32 v8, v3  }
0x307: {  	[tilespmem:s21+$0x1A180] =	vst v5;
	v5 =	vadd.f32 v9, v3  }
0x308: {  	[tilespmem:s21+$0x1A200] =	vst v4;
	v4 =	vadd.f32 v10, v3  }
0x309: {  	s2 =	sor.u32 s23, s23;
	[tilespmem:s21+$0x1A280] =	vst v5  }
0x30a: {  	s2 =	sor.u32 $0x380, s2;
	[tilespmem:s21+$0x1A300] =	vst v4  }
0x30b: {  	v4 =	vld [tilespmem:s2+$0x1A000];
	_ =	sdelay $0x4  }
0x30c: {  	v4 =	vadd.f32 v4, v3;
	_ =	sdelay $0x1  }
0x30d: {  	[tilespmem:s2+$0x1A000] =	vst v4  }
0x30e: {  	v4 =	vld [tilespmem:s21+$0x1EB80]  }
0x30f: {  	v5 =	vld [tilespmem:s21+$0x1B800]  }
0x310: {  	v6 =	vld [tilespmem:s21+$0x1B880]  }
0x311: {  	v7 =	vld [tilespmem:s21+$0x1B900]  }
0x312: {  	v8 =	vld [tilespmem:s21+$0x1B980]  }
0x313: {  	v9 =	vld [tilespmem:s21+$0x1BA00];
	v4 =	vadd.f32 v4, v3  }
0x314: {  	v10 =	vld [tilespmem:s21+$0x1BA80];
	v5 =	vadd.f32 v5, v3  }
0x315: {  	s5 =	simm.s32 $0x10;
	s2 =	simm.s32 $0x80;
	v11 =	vld [tilespmem:s21+$0x1BB00];
	[tilespmem:s21+$0x1EB80] =	vst v4;
	v4 =	vadd.f32 v6, v3  }
0x316: {  	s25 =	sand.u32 $0x70, s5;
	v61 =	vld [tilespmem:s21+$0x1BB80];
	s28 =	sand.u32 $0x1C00, s2;
	[tilespmem:s21+$0x1B800] =	vst v5;
	v6 =	vadd.f32 v7, v3  }
0x317: {  	v62 =	vld [tilespmem:s21+$0x1D000];
	s12 =	sadd.s32 s28, s0;
	s23 =	sor.u32 s25, s28;
	v7 =	vadd.f32 v8, v3;
	[tilespmem:s21+$0x1B880] =	vst v4  }
0x318: {  	s8 =	sadd.s32 s25, s12;
	v5 =	vld [tilespmem:s23+$0x1A000];
	v8 =	vadd.f32 v9, v3;
	[tilespmem:s21+$0x1B900] =	vst v6  }
0x319: {  	v9 =	vadd.f32 v10, v3;
	v4 =	vld [tilespmem:s8+$0x0];
	[tilespmem:s21+$0x1B980] =	vst v7  }
0x31a: {  	v10 =	vadd.f32 v11, v3;
	v6 =	vld [tilespmem:s23+$0x1A080];
	[tilespmem:s21+$0x1BA00] =	vst v8  }
0x31b: {  	v7 =	vld [tilespmem:s23+$0x1A100];
	[tilespmem:s21+$0x1BA80] =	vst v9;
	v9 =	vadd.f32 v61, v3  }
0x31c: {  	v8 =	vld [tilespmem:s23+$0x1A180];
	s8 =	simm.s32 $0x20;
	[tilespmem:s21+$0x1BB00] =	vst v10;
	v10 =	vadd.f32 v62, v3  }
.LBB2_9:
0x31d: {  	p0 =	sne.s32 s8, $0x2F0;
	v11 =	vld [tilespmem:s23+$0x1A200];
	[tilespmem:s21+$0x1BB80] =	vst v9  }
0x31e: {  	v5 =	vadd.f32 v5, v4;
	v9 =	vld [tilespmem:s23+$0x1A280];
	[tilespmem:s21+$0x1D000] =	vst v10  }
0x31f: {  	v6 =	vadd.f32 v6, v4;
	v10 =	vld [tilespmem:s23+$0x1A300]  }
0x320: {  	[tilespmem:s23+$0x1A000] =	vst v5;
	v5 =	vadd.f32 v7, v4;
	v7 =	vld [tilespmem:s21+$0x1D080]  }
0x321: {  	[tilespmem:s23+$0x1A080] =	vst v6;
	v6 =	vadd.f32 v8, v4;
	v8 =	vld [tilespmem:s21+$0x1D100]  }
0x322: {  	[tilespmem:s23+$0x1A100] =	vst v5;
	v5 =	vadd.f32 v11, v4;
	v11 =	vld [tilespmem:s21+$0x1D180]  }
0x323: {  	[tilespmem:s23+$0x1A180] =	vst v6;
	v6 =	vadd.f32 v9, v4;
	v9 =	vld [tilespmem:s21+$0x1D200]  }
0x324: {  	[tilespmem:s23+$0x1A200] =	vst v5;
	v5 =	vadd.f32 v10, v4;
	v10 =	vld [tilespmem:s21+$0x1D280]  }
0x325: {  	s9 =	sor.u32 s2, s5;
	s5 =	smov.u32 s8;
	[tilespmem:s23+$0x1A280] =	vst v6;
	v6 =	vadd.f32 v7, v3;
	v7 =	vld [tilespmem:s21+$0x1D300]  }
0x326: {  	s9 =	sor.u32 $0x380, s9;
	[tilespmem:s23+$0x1A300] =	vst v5;
	v5 =	vadd.f32 v8, v3;
	v8 =	vld [tilespmem:s21+$0x1D380]  }
0x327: {  	v12 =	vld [tilespmem:s9+$0x1A000];
	[tilespmem:s21+$0x1D080] =	vst v6;
	v6 =	vadd.f32 v11, v3  }
0x328: {  	[tilespmem:s21+$0x1D100] =	vst v5;
	v5 =	vadd.f32 v9, v3;
	v9 =	vld [tilespmem:s21+$0x1E800]  }
0x329: {  	[tilespmem:s21+$0x1D180] =	vst v6;
	v6 =	vadd.f32 v10, v3;
	v10 =	vld [tilespmem:s21+$0x1E880]  }
0x32a: {  	[tilespmem:s21+$0x1D200] =	vst v5;
	v5 =	vadd.f32 v7, v3;
	v7 =	vld [tilespmem:s21+$0x1E900]  }
0x32b: {  	[tilespmem:s21+$0x1D280] =	vst v6;
	v6 =	vadd.f32 v8, v3;
	v8 =	vld [tilespmem:s21+$0x1E980]  }
0x32c: {  	v11 =	vadd.f32 v12, v4;
	[tilespmem:s21+$0x1D300] =	vst v5;
	v5 =	vld [tilespmem:s21+$0x1EA00]  }
0x32d: {  	[tilespmem:s21+$0x1D380] =	vst v6;
	v6 =	vadd.f32 v9, v3;
	v9 =	vld [tilespmem:s21+$0x1EA80]  }
0x32e: {  	[tilespmem:s9+$0x1A000] =	vst v11;
	v10 =	vadd.f32 v10, v3;
	v11 =	vld [tilespmem:s21+$0x1EB00]  }
0x32f: {  	v12 =	vld [tilespmem:s23+$0x1EB80];
	[tilespmem:s21+$0x1E800] =	vst v6;
	v6 =	vadd.f32 v7, v3  }
0x330: {  	v7 =	vld [tilespmem:s23+$0x1B800];
	[tilespmem:s21+$0x1E880] =	vst v10;
	v8 =	vadd.f32 v8, v3  }
0x331: {  	v10 =	vld [tilespmem:s23+$0x1B880];
	[tilespmem:s21+$0x1E900] =	vst v6;
	v5 =	vadd.f32 v5, v3  }
0x332: {  	v6 =	vld [tilespmem:s23+$0x1B900];
	[tilespmem:s21+$0x1E980] =	vst v8;
	v8 =	vadd.f32 v9, v3  }
0x333: {  	v9 =	vld [tilespmem:s23+$0x1B980];
	[tilespmem:s21+$0x1EA00] =	vst v5;
	v5 =	vadd.f32 v11, v3;
	v3 =	vmov v4  }
0x334: {  	v4 =	vld [tilespmem:s23+$0x1BA00];
	v11 =	vadd.f32 v12, v3;
	[tilespmem:s21+$0x1EA80] =	vst v8  }
0x335: {  	v7 =	vadd.f32 v7, v3;
	v8 =	vld [tilespmem:s23+$0x1BA80];
	[tilespmem:s21+$0x1EB00] =	vst v5;
	s21 =	smov.u32 s23  }
0x336: {  	s2 =	sadd.s32 $0x80, s2;
	v5 =	vadd.f32 v10, v3;
	v10 =	vld [tilespmem:s21+$0x1BB00];
	[tilespmem:s21+$0x1EB80] =	vst v11  }
0x337: {  	s12 =	sand.u32 $0x1C00, s2;
	s9 =	sand.u32 $0x70, s8;
	[tilespmem:s21+$0x1B800] =	vst v7;
	v6 =	vadd.f32 v6, v3;
	v11 =	vld [tilespmem:s21+$0x1BB80]  }
0x338: {  	s24 =	sadd.s32 s12, s0;
	s23 =	sor.u32 s9, s12;
	[tilespmem:s21+$0x1B880] =	vst v5;
	v7 =	vadd.f32 v9, v3;
	v12 =	vld [tilespmem:s21+$0x1D000]  }
.Ltmp3:
0x339: {  	s9 =	sadd.s32 s9, s24;
	v5 =	vld [tilespmem:s23+$0x1A000];
	[tilespmem:s21+$0x1B900] =	vst v6;
	v9 =	vadd.f32 v4, v3;
	(pc) =	sbr.rel @p0 .LBB2_9-.Ltmp3, $4  }
0x33a: {  	v4 =	vld [tilespmem:s9+$0x0];
	[tilespmem:s21+$0x1B980] =	vst v7;
	v8 =	vadd.f32 v8, v3  }
0x33b: {  	v6 =	vld [tilespmem:s23+$0x1A080];
	[tilespmem:s21+$0x1BA00] =	vst v9;
	v10 =	vadd.f32 v10, v3  }
0x33c: {  	v7 =	vld [tilespmem:s23+$0x1A100];
	[tilespmem:s21+$0x1BA80] =	vst v8;
	v9 =	vadd.f32 v11, v3  }
0x33d: {  	s8 =	sadd.s32 $0x10, s8;
	v8 =	vld [tilespmem:s23+$0x1A180];
	[tilespmem:s21+$0x1BB00] =	vst v10;
	v10 =	vadd.f32 v12, v3  }
0x33e: {  	v11 =	vld [tilespmem:s23+$0x1A200]  }
0x33f: {  	v62 =	vld [tilespmem:s23+$0x1A280];
	v5 =	vadd.f32 v5, v4  }
0x340: {  	v12 =	vld [tilespmem:s23+$0x1A300];
	v6 =	vadd.f32 v6, v4  }
0x341: {  	[tilespmem:s23+$0x1A000] =	vst v5;
	v13 =	vadd.f32 v7, v4  }
0x342: {  	[tilespmem:s23+$0x1A080] =	vst v6;
	v14 =	vadd.f32 v8, v4  }
0x343: {  	v15 =	vld [tilespmem:s21+$0x1D080];
	[tilespmem:s23+$0x1A100] =	vst v13;
	v16 =	vadd.f32 v11, v4  }
0x344: {  	v17 =	vld [tilespmem:s21+$0x1D100];
	v18 =	vadd.f32 v62, v4;
	[tilespmem:s23+$0x1A180] =	vst v14  }
0x345: {  	v19 =	vld [tilespmem:s21+$0x1D180];
	v20 =	vadd.f32 v12, v4;
	[tilespmem:s23+$0x1A200] =	vst v16  }
0x346: {  	v21 =	vld [tilespmem:s21+$0x1D200];
	s0 =	sor.u32 s2, s5;
	[tilespmem:s23+$0x1A280] =	vst v18  }
0x347: {  	v22 =	vld [tilespmem:s21+$0x1D280];
	s0 =	sor.u32 $0x380, s0;
	[tilespmem:s23+$0x1A300] =	vst v20  }
0x348: {  	v5 =	vld [tilespmem:s0+$0x1A000]  }
0x349: {  	v23 =	vld [tilespmem:s21+$0x1D300]  }
0x34a: {  	[tilespmem:s21+$0x1BB80] =	vst v9;
	v25 =	vld [tilespmem:s21+$0x1E800];
	v7 =	vadd.f32 v15, v3  }
0x34b: {  	v26 =	vld [tilespmem:s21+$0x1E880];
	[tilespmem:s21+$0x1D000] =	vst v10;
	v8 =	vadd.f32 v17, v3  }
0x34c: {  	v30 =	vld [tilespmem:s21+$0x1E900];
	v24 =	vadd.f32 v19, v3;
	[tilespmem:s21+$0x1D080] =	vst v7  }
0x34d: {  	v33 =	vld [tilespmem:s21+$0x1E980];
	[tilespmem:s21+$0x1D100] =	vst v8;
	v5 =	vadd.f32 v5, v4  }
0x34e: {  	v40 =	vld [tilespmem:s21+$0x1EA00];
	v10 =	vadd.f32 v21, v3;
	[tilespmem:s21+$0x1D180] =	vst v24  }
0x34f: {  	v12 =	vld [tilespmem:s21+$0x1D380];
	v29 =	vadd.f32 v22, v3;
	[tilespmem:s0+$0x1A000] =	vst v5  }
0x350: {  	v11 =	vadd.f32 v23, v3;
	[tilespmem:s21+$0x1D200] =	vst v10;
	v5 =	vld [tilespmem:s23+$0x1EB80]  }
0x351: {  	v6 =	vadd.f32 v30, v3;
	[tilespmem:s21+$0x1D280] =	vst v29;
	v27 =	vld [tilespmem:s23+$0x1B800]  }
0x352: {  	[tilespmem:s21+$0x1D300] =	vst v11;
	v8 =	vadd.f32 v25, v3;
	v13 =	vld [tilespmem:s23+$0x1B880]  }
0x353: {  	v7 =	vadd.f32 v26, v3;
	[tilespmem:s21+$0x1E900] =	vst v6;
	v14 =	vld [tilespmem:s23+$0x1B900]  }
0x354: {  	[tilespmem:s21+$0x1E800] =	vst v8;
	v12 =	vadd.f32 v12, v3;
	v15 =	vld [tilespmem:s23+$0x1B980]  }
0x355: {  	[tilespmem:s21+$0x1E880] =	vst v7;
	v16 =	vld [tilespmem:s23+$0x1BA00];
	v5 =	vadd.f32 v5, v4  }
0x356: {  	[tilespmem:s21+$0x1D380] =	vst v12;
	v17 =	vld [tilespmem:s23+$0x1BA80];
	v9 =	vadd.f32 v27, v4  }
0x357: {  	v28 =	vld [tilespmem:s23+$0x1BB00];
	v31 =	vadd.f32 v13, v4;
	[tilespmem:s23+$0x1EB80] =	vst v5  }
0x358: {  	v36 =	vld [tilespmem:s23+$0x1D000];
	v34 =	vadd.f32 v14, v4;
	[tilespmem:s23+$0x1B800] =	vst v9  }
0x359: {  	v42 =	vld [tilespmem:s23+$0x1D100];
	v35 =	vadd.f32 v15, v4;
	[tilespmem:s23+$0x1B880] =	vst v31  }
0x35a: {  	v43 =	vld [tilespmem:s23+$0x1D180];
	v37 =	vadd.f32 v16, v4;
	[tilespmem:s23+$0x1B900] =	vst v34  }
0x35b: {  	v44 =	vld [tilespmem:s23+$0x1D200];
	v38 =	vadd.f32 v17, v4;
	[tilespmem:s23+$0x1B980] =	vst v35  }
0x35c: {  	v45 =	vld [tilespmem:s23+$0x1D280];
	v10 =	vadd.f32 v28, v4;
	[tilespmem:s23+$0x1BA00] =	vst v37  }
0x35d: {  	v46 =	vld [tilespmem:s23+$0x1D300];
	v39 =	vadd.f32 v36, v4;
	[tilespmem:s23+$0x1BA80] =	vst v38  }
0x35e: {  	v47 =	vld [tilespmem:s23+$0x1D380];
	v11 =	vadd.f32 v42, v4;
	[tilespmem:s23+$0x1BB00] =	vst v10  }
0x35f: {  	v50 =	vld [tilespmem:s23+$0x1E800];
	v13 =	vadd.f32 v43, v4;
	[tilespmem:s23+$0x1D000] =	vst v39  }
0x360: {  	v54 =	vld [tilespmem:s23+$0x1E900];
	v51 =	vadd.f32 v44, v4;
	[tilespmem:s23+$0x1D100] =	vst v11  }
0x361: {  	v59 =	vld [tilespmem:s23+$0x1EB00];
	v53 =	vadd.f32 v45, v4;
	[tilespmem:s23+$0x1D180] =	vst v13  }
0x362: {  	v32 =	vld [tilespmem:s23+$0x1BB80];
	v55 =	vadd.f32 v46, v4;
	[tilespmem:s23+$0x1D200] =	vst v51  }
0x363: {  	v41 =	vld [tilespmem:s23+$0x1D080];
	v12 =	vadd.f32 v47, v4;
	[tilespmem:s23+$0x1D280] =	vst v53  }
0x364: {  	v48 =	vld [tilespmem:s21+$0x1EA80];
	v8 =	vadd.f32 v50, v4;
	[tilespmem:s23+$0x1D300] =	vst v55  }
0x365: {  	v49 =	vld [tilespmem:s21+$0x1EB00];
	v6 =	vadd.f32 v54, v4;
	[tilespmem:s23+$0x1D380] =	vst v12  }
0x366: {  	v60 =	vadd.f32 v59, v4;
	[tilespmem:s23+$0x1E800] =	vst v8  }
0x367: {  	v52 =	vld [tilespmem:s23+$0x1E880];
	v5 =	vadd.f32 v32, v4;
	[tilespmem:s23+$0x1E900] =	vst v6  }
0x368: {  	v10 =	vadd.f32 v41, v4;
	[tilespmem:s23+$0x1EB00] =	vst v60  }
0x369: {  	v56 =	vld [tilespmem:s23+$0x1E980];
	v9 =	vadd.f32 v33, v3;
	[tilespmem:s23+$0x1BB80] =	vst v5;
	v5 =	vadd.f32 v40, v3  }
0x36a: {  	v57 =	vld [tilespmem:s23+$0x1EA00];
	[tilespmem:s23+$0x1D080] =	vst v10;
	v10 =	vadd.f32 v48, v3;
	v3 =	vadd.f32 v49, v3  }
0x36b: {  	v58 =	vld [tilespmem:s23+$0x1EA80];
	[tilespmem:s21+$0x1E980] =	vst v9  }
0x36c: {  	[tilespmem:s21+$0x1EB00] =	vst v3;
	v3 =	vadd.f32 v52, v4  }
0x36d: {  	[tilespmem:s21+$0x1EA00] =	vst v5  }
0x36e: {  	[tilespmem:s23+$0x1E880] =	vst v3;
	v3 =	vadd.f32 v56, v4  }
0x36f: {  	[tilespmem:s21+$0x1EA80] =	vst v10;
	v5 =	vadd.f32 v57, v4  }
0x370: {  	[tilespmem:s23+$0x1E980] =	vst v3;
	v3 =	vadd.f32 v58, v4  }
0x371: {  	[tilespmem:s23+$0x1EA00] =	vst v5  }
0x372: {  	[tilespmem:s23+$0x1EA80] =	vst v3  }
0x373: {  	v3 =	vld [tilespmem:s22+$0x1000];
	_ =	sdelay $0x4  }
0x374: {  	v61 =	vshrl.u32 v3, $0x3  }
0x375: {  	v4 =	vmul.u32 $0x30, v61  }
0x376: {  	v3 =	vand.u32 $0x7, v3  }
0x377: {  	v3 =	vor.u32 v3, v4  }
0x378: {  	v4 =	vperm.xlane v3, v0;
	_ =	sdelay $0x1  }
0x379: {  	v4 =	vadd.s32 v1, v4;
	_ =	sdelay $0x3  }
0x37a: {  	s9 =	simm.s32 $0x1A000;
	v3 =	vperm.xlane v3, v2  }
0x37b: {  	[hbm4b:s3+s4] =	stream.indirect_vreg.scatter [tilespmem:s9], [sflag:$0x8], $0x80, v4, vm0, $0xb8;
	v63 =	vld [tilespmem:$0x0]  }
0x37c: {  	s12 =	simm.s32 $0x1A800;
	v3 =	vadd.s32 v1, v3  }
0x37d: {  	[hbm4b:s10+s4] =	stream.indirect_vreg.scatter [tilespmem:s12], [sflag:$0x8], $0x80, v4, vm0, $0xb8;
	v63 =	vld [tilespmem:$0x0]  }
0x37e: {  	s2 =	simm.s32 $0x1B000  }
0x37f: {  	[hbm4b:s11+s4] =	stream.indirect_vreg.scatter [tilespmem:s2], [sflag:$0x8], $0x80, v4, vm0, $0xb8;
	v63 =	vld [tilespmem:$0x0]  }
0x380: {  	s5 =	simm.s32 $0x1B800  }
0x381: {  	[hbm4b:s3+s4] =	stream.indirect_vreg.scatter [tilespmem:s5], [sflag:$0x8], $0x80, v3, vm0, $0xb8;
	v63 =	vld [tilespmem:$0x0]  }
0x382: {  	s8 =	simm.s32 $0x1C000  }
0x383: {  	[hbm4b:s10+s4] =	stream.indirect_vreg.scatter [tilespmem:s8], [sflag:$0x8], $0x80, v3, vm0, $0xb8;
	v63 =	vld [tilespmem:$0x0]  }
0x384: {  	s21 =	simm.s32 $0x1C800  }
0x385: {  	[hbm4b:s11+s4] =	stream.indirect_vreg.scatter [tilespmem:s21], [sflag:$0x8], $0x80, v3, vm0, $0xb8;
	v63 =	vld [tilespmem:$0x0]  }
0x386: {  	v3 =	vld [tilespmem:s22+$0x1010];
	_ =	sdelay $0x4  }
0x387: {  	v62 =	vshrl.u32 v3, $0x3  }
0x388: {  	v4 =	vmul.u32 $0x30, v62  }
0x389: {  	v3 =	vand.u32 $0x7, v3  }
0x38a: {  	v3 =	vor.u32 v3, v4  }
0x38b: {  	v4 =	vperm.xlane v3, v0;
	_ =	sdelay $0x1  }
0x38c: {  	v4 =	vadd.s32 v1, v4;
	_ =	sdelay $0x3  }
0x38d: {  	s23 =	simm.s32 $0x1D000;
	v3 =	vperm.xlane v3, v2  }
0x38e: {  	[hbm4b:s3+s4] =	stream.indirect_vreg.scatter [tilespmem:s23], [sflag:$0x8], $0x80, v4, vm0, $0xb8;
	v63 =	vld [tilespmem:$0x0]  }
0x38f: {  	s24 =	simm.s32 $0x1D800;
	v3 =	vadd.s32 v1, v3  }
0x390: {  	[hbm4b:s10+s4] =	stream.indirect_vreg.scatter [tilespmem:s24], [sflag:$0x8], $0x80, v4, vm0, $0xb8;
	v63 =	vld [tilespmem:$0x0]  }
0x391: {  	s25 =	simm.s32 $0x1E000;
	s20 =	sadd.s32 $0x1, s20  }
0x392: {  	[hbm4b:s11+s4] =	stream.indirect_vreg.scatter [tilespmem:s25], [sflag:$0x8], $0x80, v4, vm0, $0xb8;
	v63 =	vld [tilespmem:$0x0]  }
0x393: {  	s28 =	simm.s32 $0x1E800;
	p0 =	sne.s32 s20, $0x8  }
0x394: {  	[hbm4b:s3+s4] =	stream.indirect_vreg.scatter [tilespmem:s28], [sflag:$0x8], $0x80, v3, vm0, $0xb8;
	v63 =	vld [tilespmem:$0x0]  }
.Ltmp4:
0x395: {  	_ = 	snop;
	(pc) =	sbr.rel @p0 .LBB2_2-.Ltmp4, $4  }
0x396: {  	_ = 	snop  }
0x397: {  	[hbm4b:s10+s4] =	stream.indirect_vreg.scatter [tilespmem:s13], [sflag:$0x8], $0x80, v3, vm0, $0xb8;
	v63 =	vld [tilespmem:$0x0]  }
0x398: {  	_ = 	snop  }
0x399: {  	[hbm4b:s11+s4] =	stream.indirect_vreg.scatter [tilespmem:s14], [sflag:$0x8], $0x80, v3, vm0, $0xb8;
	v63 =	vld [tilespmem:$0x0]  }
0x39a: {  	s0 =	simm.s32 $0x7  }
0x39b: {  	_ =	swait.ge [sflag:s0], $0x6000  }
0x39c: {  	[sflag:s0] =	ssyncset.done $0x0  }
0x39d: {  	s2 =	simm.s32 $0x8;
	[sflag:s0] =	ssyncadd.s32 $0xFFFFA000  }
0x39e: {  	_ =	swait.ge [sflag:s2], $0x6000  }
0x39f: {  	s5 =	rddreg [dreg:$0x9]  }
0x3a0: {  	s28 =	rddreg [dreg:$0x8];
	s5 =	sadd.s32 $0x1, s5  }
0x3a1: {  	p0 =	sne.s32 s5, s28  }
.Ltmp5:
0x3a2: {  	_ = 	snop;
	(pc) =	sbr.rel @p0 .LBB2_1-.Ltmp5, $3  }
0x3a3: {  	_ =	sdelay $0x1  }
0x3a4: {  	[sflag:s2] =	ssyncset.done $0x0  }
0x3a5: {  	[sflag:s2] =	ssyncadd.s32 $0xFFFFA000  }
0x3a6: {  	_ =	sfence.sel $0x180000  }
0x3a7: {  	[bflag:$0x0] =	sbarrier.arrive $0xFFFF  }
0x3a8: {  	_ =	strace $0x90000047  }
0x3a9: {  	s0 =	stileid.u32;
	[bflag:$0x2] =	sbarrier.arrive $0xFFFF  }
0x3aa: {  	p0 =	sne.s32 s0, $0x0;
	s0 =	rddreg [dreg:$0x4]  }
0x3ab: {  	s0 =	sadd.s32 @!p0 $0x100000, s0  }
0x3ac: {  	[sflag:s0] =	ssyncadd.tile.s32 @!p0 $0x1;
	_ =	shalt  }
.Lfunc_end2:
_tile_overlayer_lowered:
.L_overlay_start_2:
0x3ad: {  	(tag) =	ssettag $0x2  }
0x3ae: {  	s0 =	rddreg [dreg:$0x0];
	s2 =	stileid.u32  }
0x3af: {  	s1 =	rddreg [dreg:$0x1];
	p0 =	sne.s32 s2, $0x0  }
0x3b0: {  	s3 =	rddreg [dreg:$0x2];
	[bflag:$0x3] =	sbarrier.arrive $0xFFFF;
	s2 =	simm.s32 @!p0 $0x1C09  }
0x3b1: {  	[timem:s3], [sflag:s2] =	dma.local @!p0 [hbm:s0], s1  }
0x3b2: {  	s0 =	simm.s32 @!p0 $0x9  }
0x3b3: {  	_ =	swait.ge @!p0 [sflag:s0], s1  }
0x3b4: {  	s1 =	ssub.s32 @!p0 $0x0, s1;
	[sflag:s0] =	ssyncset.done @!p0 $0x0  }
0x3b5: {  	[sflag:s0] =	ssyncadd.s32 @!p0 s1  }
0x3b6: {  	[bflag:$0x3] =	sbarrier.arrive $0xFFFF  }
0x3b7: {  	_ =	shalt  }

</sc_bundles>
